<compile_context>
chip_gen: v7x
topology: tpu7x:2x2x1
jax: 0.10.2.dev20260603
libtpu: 0.0.44.dev20260713+nightly
codegen_flags: <defaults>
</compile_context>

<pallas_src>
import jax
import jax.numpy as jnp
from jax import lax
from jax.experimental import pallas as pl
from jax.experimental.pallas import tpu as pltpu
from jax.experimental.pallas import tpu_sc as plsc

B = 1024
A = 200
D = 768
L = 16
NC = 2
NS = 16
NW = NC * NS
QPW = B // NW

CHUNK = 40
NCHUNK = A // CHUNK
NBUF = 4
UNROLL = 4
DSL = D // L
NACC = 6
SCORES_PAD = 208


def _body(q_hbm, off_hbm, table_hbm, out_hbm,
          q0, q1, i0, i1, r0, r1, r2, r3, scores_v,
          sq0, sq1, si0, si1, sr0, sr1, sr2, sr3):
    wid = lax.axis_index("s") * NC + lax.axis_index("c")
    base_b = wid * QPW
    qb = (q0, q1)
    ib = (i0, i1)
    rows = (r0, r1, r2, r3)
    sq = (sq0, sq1)
    si = (si0, si1)
    sr = (sr0, sr1, sr2, sr3)
    lane_iota = lax.iota(jnp.int32, L)

    pltpu.async_copy(q_hbm.at[base_b], qb[0], sq[0])
    pltpu.async_copy(off_hbm.at[base_b], ib[0], si[0]).wait()
    for c in range(NBUF - 1):
        pltpu.async_copy(table_hbm.at[ib[0].at[c]], rows[c], sr[c])

    def compute_chunk(buf, qs, c):
        def per_row(r, _):
            accs = [qs[k] * buf[r, pl.ds(L * k, L)] for k in range(NACC)]
            for k in range(NACC, DSL):
                accs[k % NACC] = accs[k % NACC] + qs[k] * buf[r, pl.ds(L * k, L)]
            acc = ((accs[0] + accs[1]) + (accs[2] + accs[3])) + (accs[4] + accs[5])
            s = jnp.sum(acc)

            a = c * CHUNK + r
            g16 = a & -16
            lane = a & 15
            grp = scores_v[pl.ds(g16, L)]
            scores_v[pl.ds(g16, L)] = jnp.where(
                lane_iota == lane, jnp.broadcast_to(s, (L,)), grp)
            return 0

        pass

    def pair_body(p, carry):
        for u in range(UNROLL):
            g = UNROLL * p + u
            b = base_b + g
            ucur = u % 2
            unxt = (u + 1) % 2
            last = u == UNROLL - 1

            def prefetch_next_q():
                pltpu.async_copy(q_hbm.at[b + 1], qb[unxt], sq[unxt])
                pltpu.async_copy(off_hbm.at[b + 1], ib[unxt], si[unxt])

            pltpu.make_async_copy(q_hbm.at[b], qb[ucur], sq[ucur]).wait()
            qs = [qb[ucur][pl.ds(L * k, L)] for k in range(DSL)]

            if last:
                @pl.when(p < B // NW // UNROLL - 1)
                def _():
                    prefetch_next_q()
            else:
                prefetch_next_q()

            for c in range(NCHUNK):
                slot_cur = (NCHUNK * u + c) % NBUF
                slot_nxt = (NCHUNK * u + c + NBUF - 1) % NBUF

                if c + NBUF - 1 < NCHUNK:
                    pltpu.async_copy(
                        table_hbm.at[ib[ucur].at[c + NBUF - 1]],
                        rows[slot_nxt], sr[slot_nxt])
                else:
                    cn = c + NBUF - 1 - NCHUNK

                    def prefetch_next_rows():
                        if cn == 0:
                            pltpu.make_async_copy(
                                off_hbm.at[b + 1], ib[unxt], si[unxt]).wait()
                        pltpu.async_copy(
                            table_hbm.at[ib[unxt].at[cn]],
                            rows[slot_nxt], sr[slot_nxt])

                    if last:
                        @pl.when(p < B // NW // UNROLL - 1)
                        def _():
                            prefetch_next_rows()
                    else:
                        prefetch_next_rows()

                pltpu.make_async_copy(
                    table_hbm.at[pl.ds(0, CHUNK)],
                    rows[slot_cur], sr[slot_cur]).wait()
                compute_chunk(rows[slot_cur], qs, c)

            pltpu.sync_copy(scores_v.at[pl.ds(0, A)],
                            out_hbm.at[pl.ds(b * A, A)])
        return carry

    lax.fori_loop(0, QPW // UNROLL, pair_body, 0)


@jax.jit
def _scores_sc(query_embeddings, off, table):
    mesh = plsc.VectorSubcoreMesh(
        core_axis_name="c", subcore_axis_name="s",
        num_cores=NC, num_subcores=NS)
    run = pl.kernel(
        _body,
        out_type=jax.ShapeDtypeStruct((B * A,), jnp.float32),
        mesh=mesh,
        compiler_params=pltpu.CompilerParams(needs_layout_passes=False),
        scratch_types=[
            pltpu.VMEM((D,), jnp.float32),
            pltpu.VMEM((D,), jnp.float32),
            pltpu.VMEM((NCHUNK, CHUNK), jnp.int32),
            pltpu.VMEM((NCHUNK, CHUNK), jnp.int32),
            pltpu.VMEM((CHUNK, D), jnp.float32),
            pltpu.VMEM((CHUNK, D), jnp.float32),
            pltpu.VMEM((CHUNK, D), jnp.float32),
            pltpu.VMEM((CHUNK, D), jnp.float32),
            pltpu.VMEM((SCORES_PAD,), jnp.float32),
            pltpu.SemaphoreType.DMA,
            pltpu.SemaphoreType.DMA,
            pltpu.SemaphoreType.DMA,
            pltpu.SemaphoreType.DMA,
            pltpu.SemaphoreType.DMA,
            pltpu.SemaphoreType.DMA,
            pltpu.SemaphoreType.DMA,
            pltpu.SemaphoreType.DMA,
        ],
    )
    return run(query_embeddings, off, table)


def kernel(query_embeddings, candidate_offsets, table):
    off = candidate_offsets.astype(jnp.int32).reshape(B, NCHUNK, CHUNK)
    return _scores_sc(query_embeddings, off, table).reshape(B, A)

# --- scband reference (transcript-rebuilt; emitter-appended) ---
"""Pipeline reference for scband-embedding-model-14164802142343 (READ-ONLY COPY).

The authoritative reference and input builder live on the scoring server;
editing this copy changes nothing except your own understanding.
"""

import jax, jax.numpy as jnp
import numpy as np

VOCAB = 100000
DIM = 768
BATCH = 1024
ALL_NODE = 200

def setup_inputs(seed: int = 0) -> dict:
    key = jax.random.key(seed)
    k1, k2, k3 = jax.random.split(key, 3)
    query_embeddings = jax.random.normal(k1, (BATCH, DIM), dtype=jnp.float32)
    # candidate_offsets[i] = [positive_offset, negative_offsets...] for query i,
    # emulating label_offest[rel_label] plus sampled sibling / same-layer negatives.
    candidate_offsets = jax.random.randint(k2, (BATCH, ALL_NODE), 0, VOCAB, dtype=jnp.int64)
    # Learned parameter: the nn.Embedding table (from_pretrained, freeze=False).
    table = jax.random.normal(k3, (VOCAB, DIM), dtype=jnp.float32)
    return {"query_embeddings": query_embeddings, "candidate_offsets": candidate_offsets, "table": table}

def reference(query_embeddings, candidate_offsets, table):
    # Original per-row loop: query_embedding (1, 768) @ child_embeddings.T (768, all_node)
    # where child_embeddings = embedding(offsets of [positive] + negatives).
    # Vectorized: gather candidate rows then batched dot products.
    cand = jnp.take(table, candidate_offsets, axis=0)          # [B, all_node, 768]
    scores = jnp.einsum('bd,bad->ba', query_embeddings, cand)  # [B, all_node]
    return scores

if __name__ == "__main__":
    import jax
    _d = setup_inputs()
    print(jax.jit(kernel)(*tuple(_d.values())))

</pallas_src>

<mosaic_0001>
#map = affine_map<(d0, d1) -> (0, 0)>
#map1 = affine_map<(d0, d1) -> (0, 0, 0)>
#map2 = affine_map<(d0, d1) -> (0)>
module attributes {stable_mosaic.version = 14 : i64} {
  func.func @_body(%arg0: i32, %arg1: i32, %arg2: memref<1024x768xf32, #tpu.memory_space<hbm>>, %arg3: memref<1024x5x40xi32, #tpu.memory_space<hbm>>, %arg4: memref<100000x768xf32, #tpu.memory_space<hbm>>, %arg5: memref<204800xf32, #tpu.memory_space<hbm>>, %arg6: memref<768xf32, #tpu.memory_space<vmem>>, %arg7: memref<768xf32, #tpu.memory_space<vmem>>, %arg8: memref<5x40xi32, #tpu.memory_space<vmem>>, %arg9: memref<5x40xi32, #tpu.memory_space<vmem>>, %arg10: memref<40x768xf32, #tpu.memory_space<vmem>>, %arg11: memref<40x768xf32, #tpu.memory_space<vmem>>, %arg12: memref<40x768xf32, #tpu.memory_space<vmem>>, %arg13: memref<40x768xf32, #tpu.memory_space<vmem>>, %arg14: memref<208xf32, #tpu.memory_space<vmem>>, %arg15: memref<!tpu.dma_semaphore, #tpu.memory_space<semaphore_mem>>, %arg16: memref<!tpu.dma_semaphore, #tpu.memory_space<semaphore_mem>>, %arg17: memref<!tpu.dma_semaphore, #tpu.memory_space<semaphore_mem>>, %arg18: memref<!tpu.dma_semaphore, #tpu.memory_space<semaphore_mem>>, %arg19: memref<!tpu.dma_semaphore, #tpu.memory_space<semaphore_mem>>, %arg20: memref<!tpu.dma_semaphore, #tpu.memory_space<semaphore_mem>>, %arg21: memref<!tpu.dma_semaphore, #tpu.memory_space<semaphore_mem>>, %arg22: memref<!tpu.dma_semaphore, #tpu.memory_space<semaphore_mem>>) attributes {dimension_semantics = [#tpu.dimension_semantics<core_parallel>, #tpu.dimension_semantics<subcore_parallel>], iteration_bounds = array<i64: 2, 16>, scalar_prefetch = 0 : i64, scratch_operands = 17 : i64, tpu.core_type = #tpu.core_type<sc_vector_subcore>, window_params = [{transform_indices = #map}, {transform_indices = #map1}, {transform_indices = #map}, {transform_indices = #map2}]} {
    %mul3A = arith.constant 2 : i32
    %mul3A_0 = arith.muli %arg1, %mul3A : i32
    %add3A = arith.addi %mul3A_0, %arg0 : i32
    %mul3A_1 = arith.constant 32 : i32
    %mul3A_2 = arith.muli %add3A, %mul3A_1 : i32
    %iota3A = tpu.iota {dimensions = array<i32: 0>} : vector<16xi32>
    %dma_start3A = arith.constant 0 : i32
    %dma_start3A_3 = tpu.memref_slice %arg2[%mul3A_2, %dma_start3A] : memref<1024x768xf32, #tpu.memory_space<hbm>> -> memref<1x768xf32, #tpu.memory_space<hbm>>
    %dma_start3A_4 = tpu.memref_squeeze %dma_start3A_3 : memref<1x768xf32, #tpu.memory_space<hbm>> -> memref<768xf32, #tpu.memory_space<hbm>>
    %dma_start3A_5 = arith.constant 0 : i32
    %dma_start3A_6 = tpu.memref_slice %arg2[%mul3A_2, %dma_start3A_5] : memref<1024x768xf32, #tpu.memory_space<hbm>> -> memref<1x768xf32, #tpu.memory_space<hbm>>
    %dma_start3A_7 = tpu.memref_squeeze %dma_start3A_6 : memref<1x768xf32, #tpu.memory_space<hbm>> -> memref<768xf32, #tpu.memory_space<hbm>>
    tpu.enqueue_dma source(%dma_start3A_7 : memref<768xf32, #tpu.memory_space<hbm>>) target(%arg6 : memref<768xf32, #tpu.memory_space<vmem>>) target_semaphore(%arg15 : memref<!tpu.dma_semaphore, #tpu.memory_space<semaphore_mem>>)
    %dma_start3A_8 = arith.constant 0 : i32
    %dma_start3A_9 = arith.constant 0 : i32
    %dma_start3A_10 = tpu.memref_slice %arg3[%mul3A_2, %dma_start3A_8, %dma_start3A_9] : memref<1024x5x40xi32, #tpu.memory_space<hbm>> -> memref<1x5x40xi32, #tpu.memory_space<hbm>>
    %dma_start3A_11 = tpu.memref_squeeze %dma_start3A_10 : memref<1x5x40xi32, #tpu.memory_space<hbm>> -> memref<5x40xi32, #tpu.memory_space<hbm>>
    %dma_start3A_12 = arith.constant 0 : i32
    %dma_start3A_13 = arith.constant 0 : i32
    %dma_start3A_14 = tpu.memref_slice %arg3[%mul3A_2, %dma_start3A_12, %dma_start3A_13] : memref<1024x5x40xi32, #tpu.memory_space<hbm>> -> memref<1x5x40xi32, #tpu.memory_space<hbm>>
    %dma_start3A_15 = tpu.memref_squeeze %dma_start3A_14 : memref<1x5x40xi32, #tpu.memory_space<hbm>> -> memref<5x40xi32, #tpu.memory_space<hbm>>
    tpu.enqueue_dma source(%dma_start3A_15 : memref<5x40xi32, #tpu.memory_space<hbm>>) target(%arg8 : memref<5x40xi32, #tpu.memory_space<vmem>>) target_semaphore(%arg17 : memref<!tpu.dma_semaphore, #tpu.memory_space<semaphore_mem>>)
    %dma_wait3A = arith.constant 0 : i32
    %dma_wait3A_16 = arith.constant 0 : i32
    %dma_wait3A_17 = tpu.memref_slice %arg3[%mul3A_2, %dma_wait3A, %dma_wait3A_16] : memref<1024x5x40xi32, #tpu.memory_space<hbm>> -> memref<1x5x40xi32, #tpu.memory_space<hbm>>
    %dma_wait3A_18 = tpu.memref_squeeze %dma_wait3A_17 : memref<1x5x40xi32, #tpu.memory_space<hbm>> -> memref<5x40xi32, #tpu.memory_space<hbm>>
    %dma_wait3A_19 = arith.constant 0 : i32
    %dma_wait3A_20 = arith.constant 0 : i32
    %dma_wait3A_21 = tpu.memref_slice %arg3[%mul3A_2, %dma_wait3A_19, %dma_wait3A_20] : memref<1024x5x40xi32, #tpu.memory_space<hbm>> -> memref<1x5x40xi32, #tpu.memory_space<hbm>>
    %dma_wait3A_22 = tpu.memref_squeeze %dma_wait3A_21 : memref<1x5x40xi32, #tpu.memory_space<hbm>> -> memref<5x40xi32, #tpu.memory_space<hbm>>
    tpu.wait_dma2 semaphore(%arg17 : memref<!tpu.dma_semaphore, #tpu.memory_space<semaphore_mem>>) src(%dma_wait3A_22 : memref<5x40xi32, #tpu.memory_space<hbm>>) dst(%arg8 : memref<5x40xi32, #tpu.memory_space<vmem>>)
    %dma_start3A_23 = arith.constant 0 : i32
    %dma_start3A_24 = arith.constant 0 : i32
    %dma_start3A_25 = tpu.memref_slice %arg8[%dma_start3A_23, %dma_start3A_24] : memref<5x40xi32, #tpu.memory_space<vmem>> -> memref<1x40xi32, #tpu.memory_space<vmem>>
    %dma_start3A_26 = tpu.memref_squeeze %dma_start3A_25 : memref<1x40xi32, #tpu.memory_space<vmem>> -> memref<40xi32, #tpu.memory_space<vmem>>
    %dma_start3A_27 = arith.constant 0 : i32
    %dma_start3A_28 = arith.constant 0 : i32
    %dma_start3A_29 = tpu.memref_slice %arg4[%dma_start3A_27, %dma_start3A_28] : memref<100000x768xf32, #tpu.memory_space<hbm>> -> memref<100000x768xf32, #tpu.memory_space<hbm>>
    tpu.enqueue_indirect_dma source(%dma_start3A_29 : memref<100000x768xf32, #tpu.memory_space<hbm>>) target(%arg10 : memref<40x768xf32, #tpu.memory_space<vmem>>) offsets(%dma_start3A_26 : memref<40xi32, #tpu.memory_space<vmem>>) semaphore(%arg19 : memref<!tpu.dma_semaphore, #tpu.memory_space<semaphore_mem>>)
    %dma_start3A_30 = arith.constant 1 : i32
    %dma_start3A_31 = arith.constant 0 : i32
    %dma_start3A_32 = tpu.memref_slice %arg8[%dma_start3A_30, %dma_start3A_31] : memref<5x40xi32, #tpu.memory_space<vmem>> -> memref<1x40xi32, #tpu.memory_space<vmem>>
    %dma_start3A_33 = tpu.memref_squeeze %dma_start3A_32 : memref<1x40xi32, #tpu.memory_space<vmem>> -> memref<40xi32, #tpu.memory_space<vmem>>
    %dma_start3A_34 = arith.constant 0 : i32
    %dma_start3A_35 = arith.constant 0 : i32
    %dma_start3A_36 = tpu.memref_slice %arg4[%dma_start3A_34, %dma_start3A_35] : memref<100000x768xf32, #tpu.memory_space<hbm>> -> memref<100000x768xf32, #tpu.memory_space<hbm>>
    tpu.enqueue_indirect_dma source(%dma_start3A_36 : memref<100000x768xf32, #tpu.memory_space<hbm>>) target(%arg11 : memref<40x768xf32, #tpu.memory_space<vmem>>) offsets(%dma_start3A_33 : memref<40xi32, #tpu.memory_space<vmem>>) semaphore(%arg20 : memref<!tpu.dma_semaphore, #tpu.memory_space<semaphore_mem>>)
    %dma_start3A_37 = arith.constant 2 : i32
    %dma_start3A_38 = arith.constant 0 : i32
    %dma_start3A_39 = tpu.memref_slice %arg8[%dma_start3A_37, %dma_start3A_38] : memref<5x40xi32, #tpu.memory_space<vmem>> -> memref<1x40xi32, #tpu.memory_space<vmem>>
    %dma_start3A_40 = tpu.memref_squeeze %dma_start3A_39 : memref<1x40xi32, #tpu.memory_space<vmem>> -> memref<40xi32, #tpu.memory_space<vmem>>
    %dma_start3A_41 = arith.constant 0 : i32
    %dma_start3A_42 = arith.constant 0 : i32
    %dma_start3A_43 = tpu.memref_slice %arg4[%dma_start3A_41, %dma_start3A_42] : memref<100000x768xf32, #tpu.memory_space<hbm>> -> memref<100000x768xf32, #tpu.memory_space<hbm>>
    tpu.enqueue_indirect_dma source(%dma_start3A_43 : memref<100000x768xf32, #tpu.memory_space<hbm>>) target(%arg12 : memref<40x768xf32, #tpu.memory_space<vmem>>) offsets(%dma_start3A_40 : memref<40xi32, #tpu.memory_space<vmem>>) semaphore(%arg21 : memref<!tpu.dma_semaphore, #tpu.memory_space<semaphore_mem>>)
    %scan3A = arith.constant 0 : i32
    %scan3A_44 = arith.constant 0 : i32
    %scan3A_45 = arith.constant 8 : i32
    %scan3A_46 = arith.addi %scan3A_44, %scan3A_45 : i32
    %scan3A_47 = arith.constant 1 : i32
    scf.for %scan3A_49 = %scan3A_44 to %scan3A_46 step %scan3A_47  : i32 {
      %mul3A_50 = arith.constant 4 : i32
      %mul3A_51 = arith.muli %mul3A_50, %scan3A_49 : i32
      %add3A_52 = arith.constant 0 : i32
      %add3A_53 = arith.addi %mul3A_51, %add3A_52 : i32
      %add3A_54 = arith.addi %mul3A_2, %add3A_53 : i32
      %dma_wait3A_55 = arith.constant 0 : i32
      %dma_wait3A_56 = tpu.memref_slice %arg2[%add3A_54, %dma_wait3A_55] : memref<1024x768xf32, #tpu.memory_space<hbm>> -> memref<1x768xf32, #tpu.memory_space<hbm>>
      %dma_wait3A_57 = tpu.memref_squeeze %dma_wait3A_56 : memref<1x768xf32, #tpu.memory_space<hbm>> -> memref<768xf32, #tpu.memory_space<hbm>>
      %dma_wait3A_58 = arith.constant 0 : i32
      %dma_wait3A_59 = tpu.memref_slice %arg2[%add3A_54, %dma_wait3A_58] : memref<1024x768xf32, #tpu.memory_space<hbm>> -> memref<1x768xf32, #tpu.memory_space<hbm>>
      %dma_wait3A_60 = tpu.memref_squeeze %dma_wait3A_59 : memref<1x768xf32, #tpu.memory_space<hbm>> -> memref<768xf32, #tpu.memory_space<hbm>>
      tpu.wait_dma2 semaphore(%arg15 : memref<!tpu.dma_semaphore, #tpu.memory_space<semaphore_mem>>) src(%dma_wait3A_60 : memref<768xf32, #tpu.memory_space<hbm>>) dst(%arg6 : memref<768xf32, #tpu.memory_space<vmem>>)
      %get3A = arith.constant 0 : index
      %get3A_61 = tpu.vector_load %arg6[%get3A] {strides = array<i32>} : memref<768xf32, #tpu.memory_space<vmem>>, vector<16xf32>,
      %get3A_62 = arith.constant 16 : index
      %get3A_63 = tpu.vector_load %arg6[%get3A_62] {strides = array<i32>} : memref<768xf32, #tpu.memory_space<vmem>>, vector<16xf32>,
      %get3A_64 = arith.constant 32 : index
      %get3A_65 = tpu.vector_load %arg6[%get3A_64] {strides = array<i32>} : memref<768xf32, #tpu.memory_space<vmem>>, vector<16xf32>,
      %get3A_66 = arith.constant 48 : index
      %get3A_67 = tpu.vector_load %arg6[%get3A_66] {strides = array<i32>} : memref<768xf32, #tpu.memory_space<vmem>>, vector<16xf32>,
      %get3A_68 = arith.constant 64 : index
      %get3A_69 = tpu.vector_load %arg6[%get3A_68] {strides = array<i32>} : memref<768xf32, #tpu.memory_space<vmem>>, vector<16xf32>,
      %get3A_70 = arith.constant 80 : index
      %get3A_71 = tpu.vector_load %arg6[%get3A_70] {strides = array<i32>} : memref<768xf32, #tpu.memory_space<vmem>>, vector<16xf32>,
      %get3A_72 = arith.constant 96 : index
      %get3A_73 = tpu.vector_load %arg6[%get3A_72] {strides = array<i32>} : memref<768xf32, #tpu.memory_space<vmem>>, vector<16xf32>,
      %get3A_74 = arith.constant 112 : index
      %get3A_75 = tpu.vector_load %arg6[%get3A_74] {strides = array<i32>} : memref<768xf32, #tpu.memory_space<vmem>>, vector<16xf32>,
      %get3A_76 = arith.constant 128 : index
      %get3A_77 = tpu.vector_load %arg6[%get3A_76] {strides = array<i32>} : memref<768xf32, #tpu.memory_space<vmem>>, vector<16xf32>,
      %get3A_78 = arith.constant 144 : index
      %get3A_79 = tpu.vector_load %arg6[%get3A_78] {strides = array<i32>} : memref<768xf32, #tpu.memory_space<vmem>>, vector<16xf32>,
      %get3A_80 = arith.constant 160 : index
      %get3A_81 = tpu.vector_load %arg6[%get3A_80] {strides = array<i32>} : memref<768xf32, #tpu.memory_space<vmem>>, vector<16xf32>,
      %get3A_82 = arith.constant 176 : index
      %get3A_83 = tpu.vector_load %arg6[%get3A_82] {strides = array<i32>} : memref<768xf32, #tpu.memory_space<vmem>>, vector<16xf32>,
      %get3A_84 = arith.constant 192 : index
      %get3A_85 = tpu.vector_load %arg6[%get3A_84] {strides = array<i32>} : memref<768xf32, #tpu.memory_space<vmem>>, vector<16xf32>,
      %get3A_86 = arith.constant 208 : index
      %get3A_87 = tpu.vector_load %arg6[%get3A_86] {strides = array<i32>} : memref<768xf32, #tpu.memory_space<vmem>>, vector<16xf32>,
      %get3A_88 = arith.constant 224 : index
      %get3A_89 = tpu.vector_load %arg6[%get3A_88] {strides = array<i32>} : memref<768xf32, #tpu.memory_space<vmem>>, vector<16xf32>,
      %get3A_90 = arith.constant 240 : index
      %get3A_91 = tpu.vector_load %arg6[%get3A_90] {strides = array<i32>} : memref<768xf32, #tpu.memory_space<vmem>>, vector<16xf32>,
      %get3A_92 = arith.constant 256 : index
      %get3A_93 = tpu.vector_load %arg6[%get3A_92] {strides = array<i32>} : memref<768xf32, #tpu.memory_space<vmem>>, vector<16xf32>,
      %get3A_94 = arith.constant 272 : index
      %get3A_95 = tpu.vector_load %arg6[%get3A_94] {strides = array<i32>} : memref<768xf32, #tpu.memory_space<vmem>>, vector<16xf32>,
      %get3A_96 = arith.constant 288 : index
      %get3A_97 = tpu.vector_load %arg6[%get3A_96] {strides = array<i32>} : memref<768xf32, #tpu.memory_space<vmem>>, vector<16xf32>,
      %get3A_98 = arith.constant 304 : index
      %get3A_99 = tpu.vector_load %arg6[%get3A_98] {strides = array<i32>} : memref<768xf32, #tpu.memory_space<vmem>>, vector<16xf32>,
      %get3A_100 = arith.constant 320 : index
      %get3A_101 = tpu.vector_load %arg6[%get3A_100] {strides = array<i32>} : memref<768xf32, #tpu.memory_space<vmem>>, vector<16xf32>,
      %get3A_102 = arith.constant 336 : index
      %get3A_103 = tpu.vector_load %arg6[%get3A_102] {strides = array<i32>} : memref<768xf32, #tpu.memory_space<vmem>>, vector<16xf32>,
      %get3A_104 = arith.constant 352 : index
      %get3A_105 = tpu.vector_load %arg6[%get3A_104] {strides = array<i32>} : memref<768xf32, #tpu.memory_space<vmem>>, vector<16xf32>,
      %get3A_106 = arith.constant 368 : index
      %get3A_107 = tpu.vector_load %arg6[%get3A_106] {strides = array<i32>} : memref<768xf32, #tpu.memory_space<vmem>>, vector<16xf32>,
      %get3A_108 = arith.constant 384 : index
      %get3A_109 = tpu.vector_load %arg6[%get3A_108] {strides = array<i32>} : memref<768xf32, #tpu.memory_space<vmem>>, vector<16xf32>,
      %get3A_110 = arith.constant 400 : index
      %get3A_111 = tpu.vector_load %arg6[%get3A_110] {strides = array<i32>} : memref<768xf32, #tpu.memory_space<vmem>>, vector<16xf32>,
      %get3A_112 = arith.constant 416 : index
      %get3A_113 = tpu.vector_load %arg6[%get3A_112] {strides = array<i32>} : memref<768xf32, #tpu.memory_space<vmem>>, vector<16xf32>,
      %get3A_114 = arith.constant 432 : index
      %get3A_115 = tpu.vector_load %arg6[%get3A_114] {strides = array<i32>} : memref<768xf32, #tpu.memory_space<vmem>>, vector<16xf32>,
      %get3A_116 = arith.constant 448 : index
      %get3A_117 = tpu.vector_load %arg6[%get3A_116] {strides = array<i32>} : memref<768xf32, #tpu.memory_space<vmem>>, vector<16xf32>,
      %get3A_118 = arith.constant 464 : index
      %get3A_119 = tpu.vector_load %arg6[%get3A_118] {strides = array<i32>} : memref<768xf32, #tpu.memory_space<vmem>>, vector<16xf32>,
      %get3A_120 = arith.constant 480 : index
      %get3A_121 = tpu.vector_load %arg6[%get3A_120] {strides = array<i32>} : memref<768xf32, #tpu.memory_space<vmem>>, vector<16xf32>,
      %get3A_122 = arith.constant 496 : index
      %get3A_123 = tpu.vector_load %arg6[%get3A_122] {strides = array<i32>} : memref<768xf32, #tpu.memory_space<vmem>>, vector<16xf32>,
      %get3A_124 = arith.constant 512 : index
      %get3A_125 = tpu.vector_load %arg6[%get3A_124] {strides = array<i32>} : memref<768xf32, #tpu.memory_space<vmem>>, vector<16xf32>,
      %get3A_126 = arith.constant 528 : index
      %get3A_127 = tpu.vector_load %arg6[%get3A_126] {strides = array<i32>} : memref<768xf32, #tpu.memory_space<vmem>>, vector<16xf32>,
      %get3A_128 = arith.constant 544 : index
      %get3A_129 = tpu.vector_load %arg6[%get3A_128] {strides = array<i32>} : memref<768xf32, #tpu.memory_space<vmem>>, vector<16xf32>,
      %get3A_130 = arith.constant 560 : index
      %get3A_131 = tpu.vector_load %arg6[%get3A_130] {strides = array<i32>} : memref<768xf32, #tpu.memory_space<vmem>>, vector<16xf32>,
      %get3A_132 = arith.constant 576 : index
      %get3A_133 = tpu.vector_load %arg6[%get3A_132] {strides = array<i32>} : memref<768xf32, #tpu.memory_space<vmem>>, vector<16xf32>,
      %get3A_134 = arith.constant 592 : index
      %get3A_135 = tpu.vector_load %arg6[%get3A_134] {strides = array<i32>} : memref<768xf32, #tpu.memory_space<vmem>>, vector<16xf32>,
      %get3A_136 = arith.constant 608 : index
      %get3A_137 = tpu.vector_load %arg6[%get3A_136] {strides = array<i32>} : memref<768xf32, #tpu.memory_space<vmem>>, vector<16xf32>,
      %get3A_138 = arith.constant 624 : index
      %get3A_139 = tpu.vector_load %arg6[%get3A_138] {strides = array<i32>} : memref<768xf32, #tpu.memory_space<vmem>>, vector<16xf32>,
      %get3A_140 = arith.constant 640 : index
      %get3A_141 = tpu.vector_load %arg6[%get3A_140] {strides = array<i32>} : memref<768xf32, #tpu.memory_space<vmem>>, vector<16xf32>,
      %get3A_142 = arith.constant 656 : index
      %get3A_143 = tpu.vector_load %arg6[%get3A_142] {strides = array<i32>} : memref<768xf32, #tpu.memory_space<vmem>>, vector<16xf32>,
      %get3A_144 = arith.constant 672 : index
      %get3A_145 = tpu.vector_load %arg6[%get3A_144] {strides = array<i32>} : memref<768xf32, #tpu.memory_space<vmem>>, vector<16xf32>,
      %get3A_146 = arith.constant 688 : index
      %get3A_147 = tpu.vector_load %arg6[%get3A_146] {strides = array<i32>} : memref<768xf32, #tpu.memory_space<vmem>>, vector<16xf32>,
      %get3A_148 = arith.constant 704 : index
      %get3A_149 = tpu.vector_load %arg6[%get3A_148] {strides = array<i32>} : memref<768xf32, #tpu.memory_space<vmem>>, vector<16xf32>,
      %get3A_150 = arith.constant 720 : index
      %get3A_151 = tpu.vector_load %arg6[%get3A_150] {strides = array<i32>} : memref<768xf32, #tpu.memory_space<vmem>>, vector<16xf32>,
      %get3A_152 = arith.constant 736 : index
      %get3A_153 = tpu.vector_load %arg6[%get3A_152] {strides = array<i32>} : memref<768xf32, #tpu.memory_space<vmem>>, vector<16xf32>,
      %get3A_154 = arith.constant 752 : index
      %get3A_155 = tpu.vector_load %arg6[%get3A_154] {strides = array<i32>} : memref<768xf32, #tpu.memory_space<vmem>>, vector<16xf32>,
      %add3A_156 = arith.constant 1 : i32
      %add3A_157 = arith.addi %add3A_54, %add3A_156 : i32
      %dma_start3A_158 = arith.constant 0 : i32
      %dma_start3A_159 = tpu.memref_slice %arg2[%add3A_157, %dma_start3A_158] : memref<1024x768xf32, #tpu.memory_space<hbm>> -> memref<1x768xf32, #tpu.memory_space<hbm>>
      %dma_start3A_160 = tpu.memref_squeeze %dma_start3A_159 : memref<1x768xf32, #tpu.memory_space<hbm>> -> memref<768xf32, #tpu.memory_space<hbm>>
      %dma_start3A_161 = arith.constant 0 : i32
      %dma_start3A_162 = tpu.memref_slice %arg2[%add3A_157, %dma_start3A_161] : memref<1024x768xf32, #tpu.memory_space<hbm>> -> memref<1x768xf32, #tpu.memory_space<hbm>>
      %dma_start3A_163 = tpu.memref_squeeze %dma_start3A_162 : memref<1x768xf32, #tpu.memory_space<hbm>> -> memref<768xf32, #tpu.memory_space<hbm>>
      tpu.enqueue_dma source(%dma_start3A_163 : memref<768xf32, #tpu.memory_space<hbm>>) target(%arg7 : memref<768xf32, #tpu.memory_space<vmem>>) target_semaphore(%arg16 : memref<!tpu.dma_semaphore, #tpu.memory_space<semaphore_mem>>)
      %add3A_164 = arith.constant 1 : i32
      %add3A_165 = arith.addi %add3A_54, %add3A_164 : i32
      %dma_start3A_166 = arith.constant 0 : i32
      %dma_start3A_167 = arith.constant 0 : i32
      %dma_start3A_168 = tpu.memref_slice %arg3[%add3A_165, %dma_start3A_166, %dma_start3A_167] : memref<1024x5x40xi32, #tpu.memory_space<hbm>> -> memref<1x5x40xi32, #tpu.memory_space<hbm>>
      %dma_start3A_169 = tpu.memref_squeeze %dma_start3A_168 : memref<1x5x40xi32, #tpu.memory_space<hbm>> -> memref<5x40xi32, #tpu.memory_space<hbm>>
      %dma_start3A_170 = arith.constant 0 : i32
      %dma_start3A_171 = arith.constant 0 : i32
      %dma_start3A_172 = tpu.memref_slice %arg3[%add3A_165, %dma_start3A_170, %dma_start3A_171] : memref<1024x5x40xi32, #tpu.memory_space<hbm>> -> memref<1x5x40xi32, #tpu.memory_space<hbm>>
      %dma_start3A_173 = tpu.memref_squeeze %dma_start3A_172 : memref<1x5x40xi32, #tpu.memory_space<hbm>> -> memref<5x40xi32, #tpu.memory_space<hbm>>
      tpu.enqueue_dma source(%dma_start3A_173 : memref<5x40xi32, #tpu.memory_space<hbm>>) target(%arg9 : memref<5x40xi32, #tpu.memory_space<vmem>>) target_semaphore(%arg18 : memref<!tpu.dma_semaphore, #tpu.memory_space<semaphore_mem>>)
      %dma_start3A_174 = arith.constant 3 : i32
      %dma_start3A_175 = arith.constant 0 : i32
      %dma_start3A_176 = tpu.memref_slice %arg8[%dma_start3A_174, %dma_start3A_175] : memref<5x40xi32, #tpu.memory_space<vmem>> -> memref<1x40xi32, #tpu.memory_space<vmem>>
      %dma_start3A_177 = tpu.memref_squeeze %dma_start3A_176 : memref<1x40xi32, #tpu.memory_space<vmem>> -> memref<40xi32, #tpu.memory_space<vmem>>
      %dma_start3A_178 = arith.constant 0 : i32
      %dma_start3A_179 = arith.constant 0 : i32
      %dma_start3A_180 = tpu.memref_slice %arg4[%dma_start3A_178, %dma_start3A_179] : memref<100000x768xf32, #tpu.memory_space<hbm>> -> memref<100000x768xf32, #tpu.memory_space<hbm>>
      tpu.enqueue_indirect_dma source(%dma_start3A_180 : memref<100000x768xf32, #tpu.memory_space<hbm>>) target(%arg13 : memref<40x768xf32, #tpu.memory_space<vmem>>) offsets(%dma_start3A_177 : memref<40xi32, #tpu.memory_space<vmem>>) semaphore(%arg22 : memref<!tpu.dma_semaphore, #tpu.memory_space<semaphore_mem>>)
      %dma_wait3A_181 = arith.constant 0 : i32
      %dma_wait3A_182 = arith.constant 0 : i32
      %dma_wait3A_183 = tpu.memref_slice %arg4[%dma_wait3A_181, %dma_wait3A_182] : memref<100000x768xf32, #tpu.memory_space<hbm>> -> memref<40x768xf32, #tpu.memory_space<hbm>>
      %dma_wait3A_184 = arith.constant 0 : i32
      %dma_wait3A_185 = arith.constant 0 : i32
      %dma_wait3A_186 = tpu.memref_slice %arg4[%dma_wait3A_184, %dma_wait3A_185] : memref<100000x768xf32, #tpu.memory_space<hbm>> -> memref<40x768xf32, #tpu.memory_space<hbm>>
      tpu.wait_dma2 semaphore(%arg19 : memref<!tpu.dma_semaphore, #tpu.memory_space<semaphore_mem>>) src(%dma_wait3A_186 : memref<40x768xf32, #tpu.memory_space<hbm>>) dst(%arg10 : memref<40x768xf32, #tpu.memory_space<vmem>>)
      %dma_start3A_187 = arith.constant 4 : i32
      %dma_start3A_188 = arith.constant 0 : i32
      %dma_start3A_189 = tpu.memref_slice %arg8[%dma_start3A_187, %dma_start3A_188] : memref<5x40xi32, #tpu.memory_space<vmem>> -> memref<1x40xi32, #tpu.memory_space<vmem>>
      %dma_start3A_190 = tpu.memref_squeeze %dma_start3A_189 : memref<1x40xi32, #tpu.memory_space<vmem>> -> memref<40xi32, #tpu.memory_space<vmem>>
      %dma_start3A_191 = arith.constant 0 : i32
      %dma_start3A_192 = arith.constant 0 : i32
      %dma_start3A_193 = tpu.memref_slice %arg4[%dma_start3A_191, %dma_start3A_192] : memref<100000x768xf32, #tpu.memory_space<hbm>> -> memref<100000x768xf32, #tpu.memory_space<hbm>>
      tpu.enqueue_indirect_dma source(%dma_start3A_193 : memref<100000x768xf32, #tpu.memory_space<hbm>>) target(%arg10 : memref<40x768xf32, #tpu.memory_space<vmem>>) offsets(%dma_start3A_190 : memref<40xi32, #tpu.memory_space<vmem>>) semaphore(%arg19 : memref<!tpu.dma_semaphore, #tpu.memory_space<semaphore_mem>>)
      %dma_wait3A_194 = arith.constant 0 : i32
      %dma_wait3A_195 = arith.constant 0 : i32
      %dma_wait3A_196 = tpu.memref_slice %arg4[%dma_wait3A_194, %dma_wait3A_195] : memref<100000x768xf32, #tpu.memory_space<hbm>> -> memref<40x768xf32, #tpu.memory_space<hbm>>
      %dma_wait3A_197 = arith.constant 0 : i32
      %dma_wait3A_198 = arith.constant 0 : i32
      %dma_wait3A_199 = tpu.memref_slice %arg4[%dma_wait3A_197, %dma_wait3A_198] : memref<100000x768xf32, #tpu.memory_space<hbm>> -> memref<40x768xf32, #tpu.memory_space<hbm>>
      tpu.wait_dma2 semaphore(%arg20 : memref<!tpu.dma_semaphore, #tpu.memory_space<semaphore_mem>>) src(%dma_wait3A_199 : memref<40x768xf32, #tpu.memory_space<hbm>>) dst(%arg11 : memref<40x768xf32, #tpu.memory_space<vmem>>)
      %add3A_200 = arith.constant 1 : i32
      %add3A_201 = arith.addi %add3A_54, %add3A_200 : i32
      %dma_wait3A_202 = arith.constant 0 : i32
      %dma_wait3A_203 = arith.constant 0 : i32
      %dma_wait3A_204 = tpu.memref_slice %arg3[%add3A_201, %dma_wait3A_202, %dma_wait3A_203] : memref<1024x5x40xi32, #tpu.memory_space<hbm>> -> memref<1x5x40xi32, #tpu.memory_space<hbm>>
      %dma_wait3A_205 = tpu.memref_squeeze %dma_wait3A_204 : memref<1x5x40xi32, #tpu.memory_space<hbm>> -> memref<5x40xi32, #tpu.memory_space<hbm>>
      %dma_wait3A_206 = arith.constant 0 : i32
      %dma_wait3A_207 = arith.constant 0 : i32
      %dma_wait3A_208 = tpu.memref_slice %arg3[%add3A_201, %dma_wait3A_206, %dma_wait3A_207] : memref<1024x5x40xi32, #tpu.memory_space<hbm>> -> memref<1x5x40xi32, #tpu.memory_space<hbm>>
      %dma_wait3A_209 = tpu.memref_squeeze %dma_wait3A_208 : memref<1x5x40xi32, #tpu.memory_space<hbm>> -> memref<5x40xi32, #tpu.memory_space<hbm>>
      tpu.wait_dma2 semaphore(%arg18 : memref<!tpu.dma_semaphore, #tpu.memory_space<semaphore_mem>>) src(%dma_wait3A_209 : memref<5x40xi32, #tpu.memory_space<hbm>>) dst(%arg9 : memref<5x40xi32, #tpu.memory_space<vmem>>)
      %dma_start3A_210 = arith.constant 0 : i32
      %dma_start3A_211 = arith.constant 0 : i32
      %dma_start3A_212 = tpu.memref_slice %arg9[%dma_start3A_210, %dma_start3A_211] : memref<5x40xi32, #tpu.memory_space<vmem>> -> memref<1x40xi32, #tpu.memory_space<vmem>>
      %dma_start3A_213 = tpu.memref_squeeze %dma_start3A_212 : memref<1x40xi32, #tpu.memory_space<vmem>> -> memref<40xi32, #tpu.memory_space<vmem>>
      %dma_start3A_214 = arith.constant 0 : i32
      %dma_start3A_215 = arith.constant 0 : i32
      %dma_start3A_216 = tpu.memref_slice %arg4[%dma_start3A_214, %dma_start3A_215] : memref<100000x768xf32, #tpu.memory_space<hbm>> -> memref<100000x768xf32, #tpu.memory_space<hbm>>
      tpu.enqueue_indirect_dma source(%dma_start3A_216 : memref<100000x768xf32, #tpu.memory_space<hbm>>) target(%arg11 : memref<40x768xf32, #tpu.memory_space<vmem>>) offsets(%dma_start3A_213 : memref<40xi32, #tpu.memory_space<vmem>>) semaphore(%arg20 : memref<!tpu.dma_semaphore, #tpu.memory_space<semaphore_mem>>)
      %dma_wait3A_217 = arith.constant 0 : i32
      %dma_wait3A_218 = arith.constant 0 : i32
      %dma_wait3A_219 = tpu.memref_slice %arg4[%dma_wait3A_217, %dma_wait3A_218] : memref<100000x768xf32, #tpu.memory_space<hbm>> -> memref<40x768xf32, #tpu.memory_space<hbm>>
      %dma_wait3A_220 = arith.constant 0 : i32
      %dma_wait3A_221 = arith.constant 0 : i32
      %dma_wait3A_222 = tpu.memref_slice %arg4[%dma_wait3A_220, %dma_wait3A_221] : memref<100000x768xf32, #tpu.memory_space<hbm>> -> memref<40x768xf32, #tpu.memory_space<hbm>>
      tpu.wait_dma2 semaphore(%arg21 : memref<!tpu.dma_semaphore, #tpu.memory_space<semaphore_mem>>) src(%dma_wait3A_222 : memref<40x768xf32, #tpu.memory_space<hbm>>) dst(%arg12 : memref<40x768xf32, #tpu.memory_space<vmem>>)
      %dma_start3A_223 = arith.constant 1 : i32
      %dma_start3A_224 = arith.constant 0 : i32
      %dma_start3A_225 = tpu.memref_slice %arg9[%dma_start3A_223, %dma_start3A_224] : memref<5x40xi32, #tpu.memory_space<vmem>> -> memref<1x40xi32, #tpu.memory_space<vmem>>
      %dma_start3A_226 = tpu.memref_squeeze %dma_start3A_225 : memref<1x40xi32, #tpu.memory_space<vmem>> -> memref<40xi32, #tpu.memory_space<vmem>>
      %dma_start3A_227 = arith.constant 0 : i32
      %dma_start3A_228 = arith.constant 0 : i32
      %dma_start3A_229 = tpu.memref_slice %arg4[%dma_start3A_227, %dma_start3A_228] : memref<100000x768xf32, #tpu.memory_space<hbm>> -> memref<100000x768xf32, #tpu.memory_space<hbm>>
      tpu.enqueue_indirect_dma source(%dma_start3A_229 : memref<100000x768xf32, #tpu.memory_space<hbm>>) target(%arg12 : memref<40x768xf32, #tpu.memory_space<vmem>>) offsets(%dma_start3A_226 : memref<40xi32, #tpu.memory_space<vmem>>) semaphore(%arg21 : memref<!tpu.dma_semaphore, #tpu.memory_space<semaphore_mem>>)
      %dma_wait3A_230 = arith.constant 0 : i32
      %dma_wait3A_231 = arith.constant 0 : i32
      %dma_wait3A_232 = tpu.memref_slice %arg4[%dma_wait3A_230, %dma_wait3A_231] : memref<100000x768xf32, #tpu.memory_space<hbm>> -> memref<40x768xf32, #tpu.memory_space<hbm>>
      %dma_wait3A_233 = arith.constant 0 : i32
      %dma_wait3A_234 = arith.constant 0 : i32
      %dma_wait3A_235 = tpu.memref_slice %arg4[%dma_wait3A_233, %dma_wait3A_234] : memref<100000x768xf32, #tpu.memory_space<hbm>> -> memref<40x768xf32, #tpu.memory_space<hbm>>
      tpu.wait_dma2 semaphore(%arg22 : memref<!tpu.dma_semaphore, #tpu.memory_space<semaphore_mem>>) src(%dma_wait3A_235 : memref<40x768xf32, #tpu.memory_space<hbm>>) dst(%arg13 : memref<40x768xf32, #tpu.memory_space<vmem>>)
      %dma_start3A_236 = arith.constant 2 : i32
      %dma_start3A_237 = arith.constant 0 : i32
      %dma_start3A_238 = tpu.memref_slice %arg9[%dma_start3A_236, %dma_start3A_237] : memref<5x40xi32, #tpu.memory_space<vmem>> -> memref<1x40xi32, #tpu.memory_space<vmem>>
      %dma_start3A_239 = tpu.memref_squeeze %dma_start3A_238 : memref<1x40xi32, #tpu.memory_space<vmem>> -> memref<40xi32, #tpu.memory_space<vmem>>
      %dma_start3A_240 = arith.constant 0 : i32
      %dma_start3A_241 = arith.constant 0 : i32
      %dma_start3A_242 = tpu.memref_slice %arg4[%dma_start3A_240, %dma_start3A_241] : memref<100000x768xf32, #tpu.memory_space<hbm>> -> memref<100000x768xf32, #tpu.memory_space<hbm>>
      tpu.enqueue_indirect_dma source(%dma_start3A_242 : memref<100000x768xf32, #tpu.memory_space<hbm>>) target(%arg13 : memref<40x768xf32, #tpu.memory_space<vmem>>) offsets(%dma_start3A_239 : memref<40xi32, #tpu.memory_space<vmem>>) semaphore(%arg22 : memref<!tpu.dma_semaphore, #tpu.memory_space<semaphore_mem>>)
      %dma_wait3A_243 = arith.constant 0 : i32
      %dma_wait3A_244 = arith.constant 0 : i32
      %dma_wait3A_245 = tpu.memref_slice %arg4[%dma_wait3A_243, %dma_wait3A_244] : memref<100000x768xf32, #tpu.memory_space<hbm>> -> memref<40x768xf32, #tpu.memory_space<hbm>>
      %dma_wait3A_246 = arith.constant 0 : i32
      %dma_wait3A_247 = arith.constant 0 : i32
      %dma_wait3A_248 = tpu.memref_slice %arg4[%dma_wait3A_246, %dma_wait3A_247] : memref<100000x768xf32, #tpu.memory_space<hbm>> -> memref<40x768xf32, #tpu.memory_space<hbm>>
      tpu.wait_dma2 semaphore(%arg19 : memref<!tpu.dma_semaphore, #tpu.memory_space<semaphore_mem>>) src(%dma_wait3A_248 : memref<40x768xf32, #tpu.memory_space<hbm>>) dst(%arg10 : memref<40x768xf32, #tpu.memory_space<vmem>>)
      %mul3A_249 = arith.constant 200 : i32
      %mul3A_250 = arith.muli %add3A_54, %mul3A_249 : i32
      "tpu.region"() ({
        %run_scoped3A = tpu.sem_alloc : memref<!tpu.dma_semaphore, #tpu.memory_space<semaphore_mem>>
        %dma_start3A_825 = arith.constant 0 : i32
        %dma_start3A_826 = tpu.memref_slice %arg14[%dma_start3A_825] : memref<208xf32, #tpu.memory_space<vmem>> -> memref<200xf32, #tpu.memory_space<vmem>>
        %dma_start3A_827 = tpu.memref_slice %arg5[%mul3A_250] : memref<204800xf32, #tpu.memory_space<hbm>> -> memref<200xf32, #tpu.memory_space<hbm>>
        %dma_start3A_828 = tpu.memref_slice %arg5[%mul3A_250] : memref<204800xf32, #tpu.memory_space<hbm>> -> memref<200xf32, #tpu.memory_space<hbm>>
        %dma_start3A_829 = arith.constant 0 : i32
        %dma_start3A_830 = tpu.memref_slice %arg14[%dma_start3A_829] : memref<208xf32, #tpu.memory_space<vmem>> -> memref<200xf32, #tpu.memory_space<vmem>>
        tpu.enqueue_dma source(%dma_start3A_830 : memref<200xf32, #tpu.memory_space<vmem>>) target(%dma_start3A_828 : memref<200xf32, #tpu.memory_space<hbm>>) target_semaphore(%run_scoped3A : memref<!tpu.dma_semaphore, #tpu.memory_space<semaphore_mem>>)
        %dma_wait3A_831 = arith.constant 0 : i32
        %dma_wait3A_832 = tpu.memref_slice %arg14[%dma_wait3A_831] : memref<208xf32, #tpu.memory_space<vmem>> -> memref<200xf32, #tpu.memory_space<vmem>>
        %dma_wait3A_833 = tpu.memref_slice %arg5[%mul3A_250] : memref<204800xf32, #tpu.memory_space<hbm>> -> memref<200xf32, #tpu.memory_space<hbm>>
        %dma_wait3A_834 = tpu.memref_slice %arg5[%mul3A_250] : memref<204800xf32, #tpu.memory_space<hbm>> -> memref<200xf32, #tpu.memory_space<hbm>>
        %dma_wait3A_835 = arith.constant 0 : i32
        %dma_wait3A_836 = tpu.memref_slice %arg14[%dma_wait3A_835] : memref<208xf32, #tpu.memory_space<vmem>> -> memref<200xf32, #tpu.memory_space<vmem>>
        tpu.wait_dma2 semaphore(%run_scoped3A : memref<!tpu.dma_semaphore, #tpu.memory_space<semaphore_mem>>) src(%dma_wait3A_836 : memref<200xf32, #tpu.memory_space<vmem>>) dst(%dma_wait3A_834 : memref<200xf32, #tpu.memory_space<hbm>>)
        tpu.yield
      }) : () -> ()
      %mul3A_251 = arith.constant 4 : i32
      %mul3A_252 = arith.muli %mul3A_251, %scan3A_49 : i32
      %add3A_253 = arith.constant 1 : i32
      %add3A_254 = arith.addi %mul3A_252, %add3A_253 : i32
      %add3A_255 = arith.addi %mul3A_2, %add3A_254 : i32
      %dma_wait3A_256 = arith.constant 0 : i32
      %dma_wait3A_257 = tpu.memref_slice %arg2[%add3A_255, %dma_wait3A_256] : memref<1024x768xf32, #tpu.memory_space<hbm>> -> memref<1x768xf32, #tpu.memory_space<hbm>>
      %dma_wait3A_258 = tpu.memref_squeeze %dma_wait3A_257 : memref<1x768xf32, #tpu.memory_space<hbm>> -> memref<768xf32, #tpu.memory_space<hbm>>
      %dma_wait3A_259 = arith.constant 0 : i32
      %dma_wait3A_260 = tpu.memref_slice %arg2[%add3A_255, %dma_wait3A_259] : memref<1024x768xf32, #tpu.memory_space<hbm>> -> memref<1x768xf32, #tpu.memory_space<hbm>>
      %dma_wait3A_261 = tpu.memref_squeeze %dma_wait3A_260 : memref<1x768xf32, #tpu.memory_space<hbm>> -> memref<768xf32, #tpu.memory_space<hbm>>
      tpu.wait_dma2 semaphore(%arg16 : memref<!tpu.dma_semaphore, #tpu.memory_space<semaphore_mem>>) src(%dma_wait3A_261 : memref<768xf32, #tpu.memory_space<hbm>>) dst(%arg7 : memref<768xf32, #tpu.memory_space<vmem>>)
      %get3A_262 = arith.constant 0 : index
      %get3A_263 = tpu.vector_load %arg7[%get3A_262] {strides = array<i32>} : memref<768xf32, #tpu.memory_space<vmem>>, vector<16xf32>,
      %get3A_264 = arith.constant 16 : index
      %get3A_265 = tpu.vector_load %arg7[%get3A_264] {strides = array<i32>} : memref<768xf32, #tpu.memory_space<vmem>>, vector<16xf32>,
      %get3A_266 = arith.constant 32 : index
      %get3A_267 = tpu.vector_load %arg7[%get3A_266] {strides = array<i32>} : memref<768xf32, #tpu.memory_space<vmem>>, vector<16xf32>,
      %get3A_268 = arith.constant 48 : index
      %get3A_269 = tpu.vector_load %arg7[%get3A_268] {strides = array<i32>} : memref<768xf32, #tpu.memory_space<vmem>>, vector<16xf32>,
      %get3A_270 = arith.constant 64 : index
      %get3A_271 = tpu.vector_load %arg7[%get3A_270] {strides = array<i32>} : memref<768xf32, #tpu.memory_space<vmem>>, vector<16xf32>,
      %get3A_272 = arith.constant 80 : index
      %get3A_273 = tpu.vector_load %arg7[%get3A_272] {strides = array<i32>} : memref<768xf32, #tpu.memory_space<vmem>>, vector<16xf32>,
      %get3A_274 = arith.constant 96 : index
      %get3A_275 = tpu.vector_load %arg7[%get3A_274] {strides = array<i32>} : memref<768xf32, #tpu.memory_space<vmem>>, vector<16xf32>,
      %get3A_276 = arith.constant 112 : index
      %get3A_277 = tpu.vector_load %arg7[%get3A_276] {strides = array<i32>} : memref<768xf32, #tpu.memory_space<vmem>>, vector<16xf32>,
      %get3A_278 = arith.constant 128 : index
      %get3A_279 = tpu.vector_load %arg7[%get3A_278] {strides = array<i32>} : memref<768xf32, #tpu.memory_space<vmem>>, vector<16xf32>,
      %get3A_280 = arith.constant 144 : index
      %get3A_281 = tpu.vector_load %arg7[%get3A_280] {strides = array<i32>} : memref<768xf32, #tpu.memory_space<vmem>>, vector<16xf32>,
      %get3A_282 = arith.constant 160 : index
      %get3A_283 = tpu.vector_load %arg7[%get3A_282] {strides = array<i32>} : memref<768xf32, #tpu.memory_space<vmem>>, vector<16xf32>,
      %get3A_284 = arith.constant 176 : index
      %get3A_285 = tpu.vector_load %arg7[%get3A_284] {strides = array<i32>} : memref<768xf32, #tpu.memory_space<vmem>>, vector<16xf32>,
      %get3A_286 = arith.constant 192 : index
      %get3A_287 = tpu.vector_load %arg7[%get3A_286] {strides = array<i32>} : memref<768xf32, #tpu.memory_space<vmem>>, vector<16xf32>,
      %get3A_288 = arith.constant 208 : index
      %get3A_289 = tpu.vector_load %arg7[%get3A_288] {strides = array<i32>} : memref<768xf32, #tpu.memory_space<vmem>>, vector<16xf32>,
      %get3A_290 = arith.constant 224 : index
      %get3A_291 = tpu.vector_load %arg7[%get3A_290] {strides = array<i32>} : memref<768xf32, #tpu.memory_space<vmem>>, vector<16xf32>,
      %get3A_292 = arith.constant 240 : index
      %get3A_293 = tpu.vector_load %arg7[%get3A_292] {strides = array<i32>} : memref<768xf32, #tpu.memory_space<vmem>>, vector<16xf32>,
      %get3A_294 = arith.constant 256 : index
      %get3A_295 = tpu.vector_load %arg7[%get3A_294] {strides = array<i32>} : memref<768xf32, #tpu.memory_space<vmem>>, vector<16xf32>,
      %get3A_296 = arith.constant 272 : index
      %get3A_297 = tpu.vector_load %arg7[%get3A_296] {strides = array<i32>} : memref<768xf32, #tpu.memory_space<vmem>>, vector<16xf32>,
      %get3A_298 = arith.constant 288 : index
      %get3A_299 = tpu.vector_load %arg7[%get3A_298] {strides = array<i32>} : memref<768xf32, #tpu.memory_space<vmem>>, vector<16xf32>,
      %get3A_300 = arith.constant 304 : index
      %get3A_301 = tpu.vector_load %arg7[%get3A_300] {strides = array<i32>} : memref<768xf32, #tpu.memory_space<vmem>>, vector<16xf32>,
      %get3A_302 = arith.constant 320 : index
      %get3A_303 = tpu.vector_load %arg7[%get3A_302] {strides = array<i32>} : memref<768xf32, #tpu.memory_space<vmem>>, vector<16xf32>,
      %get3A_304 = arith.constant 336 : index
      %get3A_305 = tpu.vector_load %arg7[%get3A_304] {strides = array<i32>} : memref<768xf32, #tpu.memory_space<vmem>>, vector<16xf32>,
      %get3A_306 = arith.constant 352 : index
      %get3A_307 = tpu.vector_load %arg7[%get3A_306] {strides = array<i32>} : memref<768xf32, #tpu.memory_space<vmem>>, vector<16xf32>,
      %get3A_308 = arith.constant 368 : index
      %get3A_309 = tpu.vector_load %arg7[%get3A_308] {strides = array<i32>} : memref<768xf32, #tpu.memory_space<vmem>>, vector<16xf32>,
      %get3A_310 = arith.constant 384 : index
      %get3A_311 = tpu.vector_load %arg7[%get3A_310] {strides = array<i32>} : memref<768xf32, #tpu.memory_space<vmem>>, vector<16xf32>,
      %get3A_312 = arith.constant 400 : index
      %get3A_313 = tpu.vector_load %arg7[%get3A_312] {strides = array<i32>} : memref<768xf32, #tpu.memory_space<vmem>>, vector<16xf32>,
      %get3A_314 = arith.constant 416 : index
      %get3A_315 = tpu.vector_load %arg7[%get3A_314] {strides = array<i32>} : memref<768xf32, #tpu.memory_space<vmem>>, vector<16xf32>,
      %get3A_316 = arith.constant 432 : index
      %get3A_317 = tpu.vector_load %arg7[%get3A_316] {strides = array<i32>} : memref<768xf32, #tpu.memory_space<vmem>>, vector<16xf32>,
      %get3A_318 = arith.constant 448 : index
      %get3A_319 = tpu.vector_load %arg7[%get3A_318] {strides = array<i32>} : memref<768xf32, #tpu.memory_space<vmem>>, vector<16xf32>,
      %get3A_320 = arith.constant 464 : index
      %get3A_321 = tpu.vector_load %arg7[%get3A_320] {strides = array<i32>} : memref<768xf32, #tpu.memory_space<vmem>>, vector<16xf32>,
      %get3A_322 = arith.constant 480 : index
      %get3A_323 = tpu.vector_load %arg7[%get3A_322] {strides = array<i32>} : memref<768xf32, #tpu.memory_space<vmem>>, vector<16xf32>,
      %get3A_324 = arith.constant 496 : index
      %get3A_325 = tpu.vector_load %arg7[%get3A_324] {strides = array<i32>} : memref<768xf32, #tpu.memory_space<vmem>>, vector<16xf32>,
      %get3A_326 = arith.constant 512 : index
      %get3A_327 = tpu.vector_load %arg7[%get3A_326] {strides = array<i32>} : memref<768xf32, #tpu.memory_space<vmem>>, vector<16xf32>,
      %get3A_328 = arith.constant 528 : index
      %get3A_329 = tpu.vector_load %arg7[%get3A_328] {strides = array<i32>} : memref<768xf32, #tpu.memory_space<vmem>>, vector<16xf32>,
      %get3A_330 = arith.constant 544 : index
      %get3A_331 = tpu.vector_load %arg7[%get3A_330] {strides = array<i32>} : memref<768xf32, #tpu.memory_space<vmem>>, vector<16xf32>,
      %get3A_332 = arith.constant 560 : index
      %get3A_333 = tpu.vector_load %arg7[%get3A_332] {strides = array<i32>} : memref<768xf32, #tpu.memory_space<vmem>>, vector<16xf32>,
      %get3A_334 = arith.constant 576 : index
      %get3A_335 = tpu.vector_load %arg7[%get3A_334] {strides = array<i32>} : memref<768xf32, #tpu.memory_space<vmem>>, vector<16xf32>,
      %get3A_336 = arith.constant 592 : index
      %get3A_337 = tpu.vector_load %arg7[%get3A_336] {strides = array<i32>} : memref<768xf32, #tpu.memory_space<vmem>>, vector<16xf32>,
      %get3A_338 = arith.constant 608 : index
      %get3A_339 = tpu.vector_load %arg7[%get3A_338] {strides = array<i32>} : memref<768xf32, #tpu.memory_space<vmem>>, vector<16xf32>,
      %get3A_340 = arith.constant 624 : index
      %get3A_341 = tpu.vector_load %arg7[%get3A_340] {strides = array<i32>} : memref<768xf32, #tpu.memory_space<vmem>>, vector<16xf32>,
      %get3A_342 = arith.constant 640 : index
      %get3A_343 = tpu.vector_load %arg7[%get3A_342] {strides = array<i32>} : memref<768xf32, #tpu.memory_space<vmem>>, vector<16xf32>,
      %get3A_344 = arith.constant 656 : index
      %get3A_345 = tpu.vector_load %arg7[%get3A_344] {strides = array<i32>} : memref<768xf32, #tpu.memory_space<vmem>>, vector<16xf32>,
      %get3A_346 = arith.constant 672 : index
      %get3A_347 = tpu.vector_load %arg7[%get3A_346] {strides = array<i32>} : memref<768xf32, #tpu.memory_space<vmem>>, vector<16xf32>,
      %get3A_348 = arith.constant 688 : index
      %get3A_349 = tpu.vector_load %arg7[%get3A_348] {strides = array<i32>} : memref<768xf32, #tpu.memory_space<vmem>>, vector<16xf32>,
      %get3A_350 = arith.constant 704 : index
      %get3A_351 = tpu.vector_load %arg7[%get3A_350] {strides = array<i32>} : memref<768xf32, #tpu.memory_space<vmem>>, vector<16xf32>,
      %get3A_352 = arith.constant 720 : index
      %get3A_353 = tpu.vector_load %arg7[%get3A_352] {strides = array<i32>} : memref<768xf32, #tpu.memory_space<vmem>>, vector<16xf32>,
      %get3A_354 = arith.constant 736 : index
      %get3A_355 = tpu.vector_load %arg7[%get3A_354] {strides = array<i32>} : memref<768xf32, #tpu.memory_space<vmem>>, vector<16xf32>,
      %get3A_356 = arith.constant 752 : index
      %get3A_357 = tpu.vector_load %arg7[%get3A_356] {strides = array<i32>} : memref<768xf32, #tpu.memory_space<vmem>>, vector<16xf32>,
      %add3A_358 = arith.constant 1 : i32
      %add3A_359 = arith.addi %add3A_255, %add3A_358 : i32
      %dma_start3A_360 = arith.constant 0 : i32
      %dma_start3A_361 = tpu.memref_slice %arg2[%add3A_359, %dma_start3A_360] : memref<1024x768xf32, #tpu.memory_space<hbm>> -> memref<1x768xf32, #tpu.memory_space<hbm>>
      %dma_start3A_362 = tpu.memref_squeeze %dma_start3A_361 : memref<1x768xf32, #tpu.memory_space<hbm>> -> memref<768xf32, #tpu.memory_space<hbm>>
      %dma_start3A_363 = arith.constant 0 : i32
      %dma_start3A_364 = tpu.memref_slice %arg2[%add3A_359, %dma_start3A_363] : memref<1024x768xf32, #tpu.memory_space<hbm>> -> memref<1x768xf32, #tpu.memory_space<hbm>>
      %dma_start3A_365 = tpu.memref_squeeze %dma_start3A_364 : memref<1x768xf32, #tpu.memory_space<hbm>> -> memref<768xf32, #tpu.memory_space<hbm>>
      tpu.enqueue_dma source(%dma_start3A_365 : memref<768xf32, #tpu.memory_space<hbm>>) target(%arg6 : memref<768xf32, #tpu.memory_space<vmem>>) target_semaphore(%arg15 : memref<!tpu.dma_semaphore, #tpu.memory_space<semaphore_mem>>)
      %add3A_366 = arith.constant 1 : i32
      %add3A_367 = arith.addi %add3A_255, %add3A_366 : i32
      %dma_start3A_368 = arith.constant 0 : i32
      %dma_start3A_369 = arith.constant 0 : i32
      %dma_start3A_370 = tpu.memref_slice %arg3[%add3A_367, %dma_start3A_368, %dma_start3A_369] : memref<1024x5x40xi32, #tpu.memory_space<hbm>> -> memref<1x5x40xi32, #tpu.memory_space<hbm>>
      %dma_start3A_371 = tpu.memref_squeeze %dma_start3A_370 : memref<1x5x40xi32, #tpu.memory_space<hbm>> -> memref<5x40xi32, #tpu.memory_space<hbm>>
      %dma_start3A_372 = arith.constant 0 : i32
      %dma_start3A_373 = arith.constant 0 : i32
      %dma_start3A_374 = tpu.memref_slice %arg3[%add3A_367, %dma_start3A_372, %dma_start3A_373] : memref<1024x5x40xi32, #tpu.memory_space<hbm>> -> memref<1x5x40xi32, #tpu.memory_space<hbm>>
      %dma_start3A_375 = tpu.memref_squeeze %dma_start3A_374 : memref<1x5x40xi32, #tpu.memory_space<hbm>> -> memref<5x40xi32, #tpu.memory_space<hbm>>
      tpu.enqueue_dma source(%dma_start3A_375 : memref<5x40xi32, #tpu.memory_space<hbm>>) target(%arg8 : memref<5x40xi32, #tpu.memory_space<vmem>>) target_semaphore(%arg17 : memref<!tpu.dma_semaphore, #tpu.memory_space<semaphore_mem>>)
      %dma_start3A_376 = arith.constant 3 : i32
      %dma_start3A_377 = arith.constant 0 : i32
      %dma_start3A_378 = tpu.memref_slice %arg9[%dma_start3A_376, %dma_start3A_377] : memref<5x40xi32, #tpu.memory_space<vmem>> -> memref<1x40xi32, #tpu.memory_space<vmem>>
      %dma_start3A_379 = tpu.memref_squeeze %dma_start3A_378 : memref<1x40xi32, #tpu.memory_space<vmem>> -> memref<40xi32, #tpu.memory_space<vmem>>
      %dma_start3A_380 = arith.constant 0 : i32
      %dma_start3A_381 = arith.constant 0 : i32
      %dma_start3A_382 = tpu.memref_slice %arg4[%dma_start3A_380, %dma_start3A_381] : memref<100000x768xf32, #tpu.memory_space<hbm>> -> memref<100000x768xf32, #tpu.memory_space<hbm>>
      tpu.enqueue_indirect_dma source(%dma_start3A_382 : memref<100000x768xf32, #tpu.memory_space<hbm>>) target(%arg10 : memref<40x768xf32, #tpu.memory_space<vmem>>) offsets(%dma_start3A_379 : memref<40xi32, #tpu.memory_space<vmem>>) semaphore(%arg19 : memref<!tpu.dma_semaphore, #tpu.memory_space<semaphore_mem>>)
      %dma_wait3A_383 = arith.constant 0 : i32
      %dma_wait3A_384 = arith.constant 0 : i32
      %dma_wait3A_385 = tpu.memref_slice %arg4[%dma_wait3A_383, %dma_wait3A_384] : memref<100000x768xf32, #tpu.memory_space<hbm>> -> memref<40x768xf32, #tpu.memory_space<hbm>>
      %dma_wait3A_386 = arith.constant 0 : i32
      %dma_wait3A_387 = arith.constant 0 : i32
      %dma_wait3A_388 = tpu.memref_slice %arg4[%dma_wait3A_386, %dma_wait3A_387] : memref<100000x768xf32, #tpu.memory_space<hbm>> -> memref<40x768xf32, #tpu.memory_space<hbm>>
      tpu.wait_dma2 semaphore(%arg20 : memref<!tpu.dma_semaphore, #tpu.memory_space<semaphore_mem>>) src(%dma_wait3A_388 : memref<40x768xf32, #tpu.memory_space<hbm>>) dst(%arg11 : memref<40x768xf32, #tpu.memory_space<vmem>>)
      %dma_start3A_389 = arith.constant 4 : i32
      %dma_start3A_390 = arith.constant 0 : i32
      %dma_start3A_391 = tpu.memref_slice %arg9[%dma_start3A_389, %dma_start3A_390] : memref<5x40xi32, #tpu.memory_space<vmem>> -> memref<1x40xi32, #tpu.memory_space<vmem>>
      %dma_start3A_392 = tpu.memref_squeeze %dma_start3A_391 : memref<1x40xi32, #tpu.memory_space<vmem>> -> memref<40xi32, #tpu.memory_space<vmem>>
      %dma_start3A_393 = arith.constant 0 : i32
      %dma_start3A_394 = arith.constant 0 : i32
      %dma_start3A_395 = tpu.memref_slice %arg4[%dma_start3A_393, %dma_start3A_394] : memref<100000x768xf32, #tpu.memory_space<hbm>> -> memref<100000x768xf32, #tpu.memory_space<hbm>>
      tpu.enqueue_indirect_dma source(%dma_start3A_395 : memref<100000x768xf32, #tpu.memory_space<hbm>>) target(%arg11 : memref<40x768xf32, #tpu.memory_space<vmem>>) offsets(%dma_start3A_392 : memref<40xi32, #tpu.memory_space<vmem>>) semaphore(%arg20 : memref<!tpu.dma_semaphore, #tpu.memory_space<semaphore_mem>>)
      %dma_wait3A_396 = arith.constant 0 : i32
      %dma_wait3A_397 = arith.constant 0 : i32
      %dma_wait3A_398 = tpu.memref_slice %arg4[%dma_wait3A_396, %dma_wait3A_397] : memref<100000x768xf32, #tpu.memory_space<hbm>> -> memref<40x768xf32, #tpu.memory_space<hbm>>
      %dma_wait3A_399 = arith.constant 0 : i32
      %dma_wait3A_400 = arith.constant 0 : i32
      %dma_wait3A_401 = tpu.memref_slice %arg4[%dma_wait3A_399, %dma_wait3A_400] : memref<100000x768xf32, #tpu.memory_space<hbm>> -> memref<40x768xf32, #tpu.memory_space<hbm>>
      tpu.wait_dma2 semaphore(%arg21 : memref<!tpu.dma_semaphore, #tpu.memory_space<semaphore_mem>>) src(%dma_wait3A_401 : memref<40x768xf32, #tpu.memory_space<hbm>>) dst(%arg12 : memref<40x768xf32, #tpu.memory_space<vmem>>)
      %add3A_402 = arith.constant 1 : i32
      %add3A_403 = arith.addi %add3A_255, %add3A_402 : i32
      %dma_wait3A_404 = arith.constant 0 : i32
      %dma_wait3A_405 = arith.constant 0 : i32
      %dma_wait3A_406 = tpu.memref_slice %arg3[%add3A_403, %dma_wait3A_404, %dma_wait3A_405] : memref<1024x5x40xi32, #tpu.memory_space<hbm>> -> memref<1x5x40xi32, #tpu.memory_space<hbm>>
      %dma_wait3A_407 = tpu.memref_squeeze %dma_wait3A_406 : memref<1x5x40xi32, #tpu.memory_space<hbm>> -> memref<5x40xi32, #tpu.memory_space<hbm>>
      %dma_wait3A_408 = arith.constant 0 : i32
      %dma_wait3A_409 = arith.constant 0 : i32
      %dma_wait3A_410 = tpu.memref_slice %arg3[%add3A_403, %dma_wait3A_408, %dma_wait3A_409] : memref<1024x5x40xi32, #tpu.memory_space<hbm>> -> memref<1x5x40xi32, #tpu.memory_space<hbm>>
      %dma_wait3A_411 = tpu.memref_squeeze %dma_wait3A_410 : memref<1x5x40xi32, #tpu.memory_space<hbm>> -> memref<5x40xi32, #tpu.memory_space<hbm>>
      tpu.wait_dma2 semaphore(%arg17 : memref<!tpu.dma_semaphore, #tpu.memory_space<semaphore_mem>>) src(%dma_wait3A_411 : memref<5x40xi32, #tpu.memory_space<hbm>>) dst(%arg8 : memref<5x40xi32, #tpu.memory_space<vmem>>)
      %dma_start3A_412 = arith.constant 0 : i32
      %dma_start3A_413 = arith.constant 0 : i32
      %dma_start3A_414 = tpu.memref_slice %arg8[%dma_start3A_412, %dma_start3A_413] : memref<5x40xi32, #tpu.memory_space<vmem>> -> memref<1x40xi32, #tpu.memory_space<vmem>>
      %dma_start3A_415 = tpu.memref_squeeze %dma_start3A_414 : memref<1x40xi32, #tpu.memory_space<vmem>> -> memref<40xi32, #tpu.memory_space<vmem>>
      %dma_start3A_416 = arith.constant 0 : i32
      %dma_start3A_417 = arith.constant 0 : i32
      %dma_start3A_418 = tpu.memref_slice %arg4[%dma_start3A_416, %dma_start3A_417] : memref<100000x768xf32, #tpu.memory_space<hbm>> -> memref<100000x768xf32, #tpu.memory_space<hbm>>
      tpu.enqueue_indirect_dma source(%dma_start3A_418 : memref<100000x768xf32, #tpu.memory_space<hbm>>) target(%arg12 : memref<40x768xf32, #tpu.memory_space<vmem>>) offsets(%dma_start3A_415 : memref<40xi32, #tpu.memory_space<vmem>>) semaphore(%arg21 : memref<!tpu.dma_semaphore, #tpu.memory_space<semaphore_mem>>)
      %dma_wait3A_419 = arith.constant 0 : i32
      %dma_wait3A_420 = arith.constant 0 : i32
      %dma_wait3A_421 = tpu.memref_slice %arg4[%dma_wait3A_419, %dma_wait3A_420] : memref<100000x768xf32, #tpu.memory_space<hbm>> -> memref<40x768xf32, #tpu.memory_space<hbm>>
      %dma_wait3A_422 = arith.constant 0 : i32
      %dma_wait3A_423 = arith.constant 0 : i32
      %dma_wait3A_424 = tpu.memref_slice %arg4[%dma_wait3A_422, %dma_wait3A_423] : memref<100000x768xf32, #tpu.memory_space<hbm>> -> memref<40x768xf32, #tpu.memory_space<hbm>>
      tpu.wait_dma2 semaphore(%arg22 : memref<!tpu.dma_semaphore, #tpu.memory_space<semaphore_mem>>) src(%dma_wait3A_424 : memref<40x768xf32, #tpu.memory_space<hbm>>) dst(%arg13 : memref<40x768xf32, #tpu.memory_space<vmem>>)
      %dma_start3A_425 = arith.constant 1 : i32
      %dma_start3A_426 = arith.constant 0 : i32
      %dma_start3A_427 = tpu.memref_slice %arg8[%dma_start3A_425, %dma_start3A_426] : memref<5x40xi32, #tpu.memory_space<vmem>> -> memref<1x40xi32, #tpu.memory_space<vmem>>
      %dma_start3A_428 = tpu.memref_squeeze %dma_start3A_427 : memref<1x40xi32, #tpu.memory_space<vmem>> -> memref<40xi32, #tpu.memory_space<vmem>>
      %dma_start3A_429 = arith.constant 0 : i32
      %dma_start3A_430 = arith.constant 0 : i32
      %dma_start3A_431 = tpu.memref_slice %arg4[%dma_start3A_429, %dma_start3A_430] : memref<100000x768xf32, #tpu.memory_space<hbm>> -> memref<100000x768xf32, #tpu.memory_space<hbm>>
      tpu.enqueue_indirect_dma source(%dma_start3A_431 : memref<100000x768xf32, #tpu.memory_space<hbm>>) target(%arg13 : memref<40x768xf32, #tpu.memory_space<vmem>>) offsets(%dma_start3A_428 : memref<40xi32, #tpu.memory_space<vmem>>) semaphore(%arg22 : memref<!tpu.dma_semaphore, #tpu.memory_space<semaphore_mem>>)
      %dma_wait3A_432 = arith.constant 0 : i32
      %dma_wait3A_433 = arith.constant 0 : i32
      %dma_wait3A_434 = tpu.memref_slice %arg4[%dma_wait3A_432, %dma_wait3A_433] : memref<100000x768xf32, #tpu.memory_space<hbm>> -> memref<40x768xf32, #tpu.memory_space<hbm>>
      %dma_wait3A_435 = arith.constant 0 : i32
      %dma_wait3A_436 = arith.constant 0 : i32
      %dma_wait3A_437 = tpu.memref_slice %arg4[%dma_wait3A_435, %dma_wait3A_436] : memref<100000x768xf32, #tpu.memory_space<hbm>> -> memref<40x768xf32, #tpu.memory_space<hbm>>
      tpu.wait_dma2 semaphore(%arg19 : memref<!tpu.dma_semaphore, #tpu.memory_space<semaphore_mem>>) src(%dma_wait3A_437 : memref<40x768xf32, #tpu.memory_space<hbm>>) dst(%arg10 : memref<40x768xf32, #tpu.memory_space<vmem>>)
      %dma_start3A_438 = arith.constant 2 : i32
      %dma_start3A_439 = arith.constant 0 : i32
      %dma_start3A_440 = tpu.memref_slice %arg8[%dma_start3A_438, %dma_start3A_439] : memref<5x40xi32, #tpu.memory_space<vmem>> -> memref<1x40xi32, #tpu.memory_space<vmem>>
      %dma_start3A_441 = tpu.memref_squeeze %dma_start3A_440 : memref<1x40xi32, #tpu.memory_space<vmem>> -> memref<40xi32, #tpu.memory_space<vmem>>
      %dma_start3A_442 = arith.constant 0 : i32
      %dma_start3A_443 = arith.constant 0 : i32
      %dma_start3A_444 = tpu.memref_slice %arg4[%dma_start3A_442, %dma_start3A_443] : memref<100000x768xf32, #tpu.memory_space<hbm>> -> memref<100000x768xf32, #tpu.memory_space<hbm>>
      tpu.enqueue_indirect_dma source(%dma_start3A_444 : memref<100000x768xf32, #tpu.memory_space<hbm>>) target(%arg10 : memref<40x768xf32, #tpu.memory_space<vmem>>) offsets(%dma_start3A_441 : memref<40xi32, #tpu.memory_space<vmem>>) semaphore(%arg19 : memref<!tpu.dma_semaphore, #tpu.memory_space<semaphore_mem>>)
      %dma_wait3A_445 = arith.constant 0 : i32
      %dma_wait3A_446 = arith.constant 0 : i32
      %dma_wait3A_447 = tpu.memref_slice %arg4[%dma_wait3A_445, %dma_wait3A_446] : memref<100000x768xf32, #tpu.memory_space<hbm>> -> memref<40x768xf32, #tpu.memory_space<hbm>>
      %dma_wait3A_448 = arith.constant 0 : i32
      %dma_wait3A_449 = arith.constant 0 : i32
      %dma_wait3A_450 = tpu.memref_slice %arg4[%dma_wait3A_448, %dma_wait3A_449] : memref<100000x768xf32, #tpu.memory_space<hbm>> -> memref<40x768xf32, #tpu.memory_space<hbm>>
      tpu.wait_dma2 semaphore(%arg20 : memref<!tpu.dma_semaphore, #tpu.memory_space<semaphore_mem>>) src(%dma_wait3A_450 : memref<40x768xf32, #tpu.memory_space<hbm>>) dst(%arg11 : memref<40x768xf32, #tpu.memory_space<vmem>>)
      %mul3A_451 = arith.constant 200 : i32
      %mul3A_452 = arith.muli %add3A_255, %mul3A_451 : i32
      "tpu.region"() ({
        %run_scoped3A = tpu.sem_alloc : memref<!tpu.dma_semaphore, #tpu.memory_space<semaphore_mem>>
        %dma_start3A_825 = arith.constant 0 : i32
        %dma_start3A_826 = tpu.memref_slice %arg14[%dma_start3A_825] : memref<208xf32, #tpu.memory_space<vmem>> -> memref<200xf32, #tpu.memory_space<vmem>>
        %dma_start3A_827 = tpu.memref_slice %arg5[%mul3A_452] : memref<204800xf32, #tpu.memory_space<hbm>> -> memref<200xf32, #tpu.memory_space<hbm>>
        %dma_start3A_828 = tpu.memref_slice %arg5[%mul3A_452] : memref<204800xf32, #tpu.memory_space<hbm>> -> memref<200xf32, #tpu.memory_space<hbm>>
        %dma_start3A_829 = arith.constant 0 : i32
        %dma_start3A_830 = tpu.memref_slice %arg14[%dma_start3A_829] : memref<208xf32, #tpu.memory_space<vmem>> -> memref<200xf32, #tpu.memory_space<vmem>>
        tpu.enqueue_dma source(%dma_start3A_830 : memref<200xf32, #tpu.memory_space<vmem>>) target(%dma_start3A_828 : memref<200xf32, #tpu.memory_space<hbm>>) target_semaphore(%run_scoped3A : memref<!tpu.dma_semaphore, #tpu.memory_space<semaphore_mem>>)
        %dma_wait3A_831 = arith.constant 0 : i32
        %dma_wait3A_832 = tpu.memref_slice %arg14[%dma_wait3A_831] : memref<208xf32, #tpu.memory_space<vmem>> -> memref<200xf32, #tpu.memory_space<vmem>>
        %dma_wait3A_833 = tpu.memref_slice %arg5[%mul3A_452] : memref<204800xf32, #tpu.memory_space<hbm>> -> memref<200xf32, #tpu.memory_space<hbm>>
        %dma_wait3A_834 = tpu.memref_slice %arg5[%mul3A_452] : memref<204800xf32, #tpu.memory_space<hbm>> -> memref<200xf32, #tpu.memory_space<hbm>>
        %dma_wait3A_835 = arith.constant 0 : i32
        %dma_wait3A_836 = tpu.memref_slice %arg14[%dma_wait3A_835] : memref<208xf32, #tpu.memory_space<vmem>> -> memref<200xf32, #tpu.memory_space<vmem>>
        tpu.wait_dma2 semaphore(%run_scoped3A : memref<!tpu.dma_semaphore, #tpu.memory_space<semaphore_mem>>) src(%dma_wait3A_836 : memref<200xf32, #tpu.memory_space<vmem>>) dst(%dma_wait3A_834 : memref<200xf32, #tpu.memory_space<hbm>>)
        tpu.yield
      }) : () -> ()
      %mul3A_453 = arith.constant 4 : i32
      %mul3A_454 = arith.muli %mul3A_453, %scan3A_49 : i32
      %add3A_455 = arith.constant 2 : i32
      %add3A_456 = arith.addi %mul3A_454, %add3A_455 : i32
      %add3A_457 = arith.addi %mul3A_2, %add3A_456 : i32
      %dma_wait3A_458 = arith.constant 0 : i32
      %dma_wait3A_459 = tpu.memref_slice %arg2[%add3A_457, %dma_wait3A_458] : memref<1024x768xf32, #tpu.memory_space<hbm>> -> memref<1x768xf32, #tpu.memory_space<hbm>>
      %dma_wait3A_460 = tpu.memref_squeeze %dma_wait3A_459 : memref<1x768xf32, #tpu.memory_space<hbm>> -> memref<768xf32, #tpu.memory_space<hbm>>
      %dma_wait3A_461 = arith.constant 0 : i32
      %dma_wait3A_462 = tpu.memref_slice %arg2[%add3A_457, %dma_wait3A_461] : memref<1024x768xf32, #tpu.memory_space<hbm>> -> memref<1x768xf32, #tpu.memory_space<hbm>>
      %dma_wait3A_463 = tpu.memref_squeeze %dma_wait3A_462 : memref<1x768xf32, #tpu.memory_space<hbm>> -> memref<768xf32, #tpu.memory_space<hbm>>
      tpu.wait_dma2 semaphore(%arg15 : memref<!tpu.dma_semaphore, #tpu.memory_space<semaphore_mem>>) src(%dma_wait3A_463 : memref<768xf32, #tpu.memory_space<hbm>>) dst(%arg6 : memref<768xf32, #tpu.memory_space<vmem>>)
      %get3A_464 = arith.constant 0 : index
      %get3A_465 = tpu.vector_load %arg6[%get3A_464] {strides = array<i32>} : memref<768xf32, #tpu.memory_space<vmem>>, vector<16xf32>,
      %get3A_466 = arith.constant 16 : index
      %get3A_467 = tpu.vector_load %arg6[%get3A_466] {strides = array<i32>} : memref<768xf32, #tpu.memory_space<vmem>>, vector<16xf32>,
      %get3A_468 = arith.constant 32 : index
      %get3A_469 = tpu.vector_load %arg6[%get3A_468] {strides = array<i32>} : memref<768xf32, #tpu.memory_space<vmem>>, vector<16xf32>,
      %get3A_470 = arith.constant 48 : index
      %get3A_471 = tpu.vector_load %arg6[%get3A_470] {strides = array<i32>} : memref<768xf32, #tpu.memory_space<vmem>>, vector<16xf32>,
      %get3A_472 = arith.constant 64 : index
      %get3A_473 = tpu.vector_load %arg6[%get3A_472] {strides = array<i32>} : memref<768xf32, #tpu.memory_space<vmem>>, vector<16xf32>,
      %get3A_474 = arith.constant 80 : index
      %get3A_475 = tpu.vector_load %arg6[%get3A_474] {strides = array<i32>} : memref<768xf32, #tpu.memory_space<vmem>>, vector<16xf32>,
      %get3A_476 = arith.constant 96 : index
      %get3A_477 = tpu.vector_load %arg6[%get3A_476] {strides = array<i32>} : memref<768xf32, #tpu.memory_space<vmem>>, vector<16xf32>,
      %get3A_478 = arith.constant 112 : index
      %get3A_479 = tpu.vector_load %arg6[%get3A_478] {strides = array<i32>} : memref<768xf32, #tpu.memory_space<vmem>>, vector<16xf32>,
      %get3A_480 = arith.constant 128 : index
      %get3A_481 = tpu.vector_load %arg6[%get3A_480] {strides = array<i32>} : memref<768xf32, #tpu.memory_space<vmem>>, vector<16xf32>,
      %get3A_482 = arith.constant 144 : index
      %get3A_483 = tpu.vector_load %arg6[%get3A_482] {strides = array<i32>} : memref<768xf32, #tpu.memory_space<vmem>>, vector<16xf32>,
      %get3A_484 = arith.constant 160 : index
      %get3A_485 = tpu.vector_load %arg6[%get3A_484] {strides = array<i32>} : memref<768xf32, #tpu.memory_space<vmem>>, vector<16xf32>,
      %get3A_486 = arith.constant 176 : index
      %get3A_487 = tpu.vector_load %arg6[%get3A_486] {strides = array<i32>} : memref<768xf32, #tpu.memory_space<vmem>>, vector<16xf32>,
      %get3A_488 = arith.constant 192 : index
      %get3A_489 = tpu.vector_load %arg6[%get3A_488] {strides = array<i32>} : memref<768xf32, #tpu.memory_space<vmem>>, vector<16xf32>,
      %get3A_490 = arith.constant 208 : index
      %get3A_491 = tpu.vector_load %arg6[%get3A_490] {strides = array<i32>} : memref<768xf32, #tpu.memory_space<vmem>>, vector<16xf32>,
      %get3A_492 = arith.constant 224 : index
      %get3A_493 = tpu.vector_load %arg6[%get3A_492] {strides = array<i32>} : memref<768xf32, #tpu.memory_space<vmem>>, vector<16xf32>,
      %get3A_494 = arith.constant 240 : index
      %get3A_495 = tpu.vector_load %arg6[%get3A_494] {strides = array<i32>} : memref<768xf32, #tpu.memory_space<vmem>>, vector<16xf32>,
      %get3A_496 = arith.constant 256 : index
      %get3A_497 = tpu.vector_load %arg6[%get3A_496] {strides = array<i32>} : memref<768xf32, #tpu.memory_space<vmem>>, vector<16xf32>,
      %get3A_498 = arith.constant 272 : index
      %get3A_499 = tpu.vector_load %arg6[%get3A_498] {strides = array<i32>} : memref<768xf32, #tpu.memory_space<vmem>>, vector<16xf32>,
      %get3A_500 = arith.constant 288 : index
      %get3A_501 = tpu.vector_load %arg6[%get3A_500] {strides = array<i32>} : memref<768xf32, #tpu.memory_space<vmem>>, vector<16xf32>,
      %get3A_502 = arith.constant 304 : index
      %get3A_503 = tpu.vector_load %arg6[%get3A_502] {strides = array<i32>} : memref<768xf32, #tpu.memory_space<vmem>>, vector<16xf32>,
      %get3A_504 = arith.constant 320 : index
      %get3A_505 = tpu.vector_load %arg6[%get3A_504] {strides = array<i32>} : memref<768xf32, #tpu.memory_space<vmem>>, vector<16xf32>,
      %get3A_506 = arith.constant 336 : index
      %get3A_507 = tpu.vector_load %arg6[%get3A_506] {strides = array<i32>} : memref<768xf32, #tpu.memory_space<vmem>>, vector<16xf32>,
      %get3A_508 = arith.constant 352 : index
      %get3A_509 = tpu.vector_load %arg6[%get3A_508] {strides = array<i32>} : memref<768xf32, #tpu.memory_space<vmem>>, vector<16xf32>,
      %get3A_510 = arith.constant 368 : index
      %get3A_511 = tpu.vector_load %arg6[%get3A_510] {strides = array<i32>} : memref<768xf32, #tpu.memory_space<vmem>>, vector<16xf32>,
      %get3A_512 = arith.constant 384 : index
      %get3A_513 = tpu.vector_load %arg6[%get3A_512] {strides = array<i32>} : memref<768xf32, #tpu.memory_space<vmem>>, vector<16xf32>,
      %get3A_514 = arith.constant 400 : index
      %get3A_515 = tpu.vector_load %arg6[%get3A_514] {strides = array<i32>} : memref<768xf32, #tpu.memory_space<vmem>>, vector<16xf32>,
      %get3A_516 = arith.constant 416 : index
      %get3A_517 = tpu.vector_load %arg6[%get3A_516] {strides = array<i32>} : memref<768xf32, #tpu.memory_space<vmem>>, vector<16xf32>,
      %get3A_518 = arith.constant 432 : index
      %get3A_519 = tpu.vector_load %arg6[%get3A_518] {strides = array<i32>} : memref<768xf32, #tpu.memory_space<vmem>>, vector<16xf32>,
      %get3A_520 = arith.constant 448 : index
      %get3A_521 = tpu.vector_load %arg6[%get3A_520] {strides = array<i32>} : memref<768xf32, #tpu.memory_space<vmem>>, vector<16xf32>,
      %get3A_522 = arith.constant 464 : index
      %get3A_523 = tpu.vector_load %arg6[%get3A_522] {strides = array<i32>} : memref<768xf32, #tpu.memory_space<vmem>>, vector<16xf32>,
      %get3A_524 = arith.constant 480 : index
      %get3A_525 = tpu.vector_load %arg6[%get3A_524] {strides = array<i32>} : memref<768xf32, #tpu.memory_space<vmem>>, vector<16xf32>,
      %get3A_526 = arith.constant 496 : index
      %get3A_527 = tpu.vector_load %arg6[%get3A_526] {strides = array<i32>} : memref<768xf32, #tpu.memory_space<vmem>>, vector<16xf32>,
      %get3A_528 = arith.constant 512 : index
      %get3A_529 = tpu.vector_load %arg6[%get3A_528] {strides = array<i32>} : memref<768xf32, #tpu.memory_space<vmem>>, vector<16xf32>,
      %get3A_530 = arith.constant 528 : index
      %get3A_531 = tpu.vector_load %arg6[%get3A_530] {strides = array<i32>} : memref<768xf32, #tpu.memory_space<vmem>>, vector<16xf32>,
      %get3A_532 = arith.constant 544 : index
      %get3A_533 = tpu.vector_load %arg6[%get3A_532] {strides = array<i32>} : memref<768xf32, #tpu.memory_space<vmem>>, vector<16xf32>,
      %get3A_534 = arith.constant 560 : index
      %get3A_535 = tpu.vector_load %arg6[%get3A_534] {strides = array<i32>} : memref<768xf32, #tpu.memory_space<vmem>>, vector<16xf32>,
      %get3A_536 = arith.constant 576 : index
      %get3A_537 = tpu.vector_load %arg6[%get3A_536] {strides = array<i32>} : memref<768xf32, #tpu.memory_space<vmem>>, vector<16xf32>,
      %get3A_538 = arith.constant 592 : index
      %get3A_539 = tpu.vector_load %arg6[%get3A_538] {strides = array<i32>} : memref<768xf32, #tpu.memory_space<vmem>>, vector<16xf32>,
      %get3A_540 = arith.constant 608 : index
      %get3A_541 = tpu.vector_load %arg6[%get3A_540] {strides = array<i32>} : memref<768xf32, #tpu.memory_space<vmem>>, vector<16xf32>,
      %get3A_542 = arith.constant 624 : index
      %get3A_543 = tpu.vector_load %arg6[%get3A_542] {strides = array<i32>} : memref<768xf32, #tpu.memory_space<vmem>>, vector<16xf32>,
      %get3A_544 = arith.constant 640 : index
      %get3A_545 = tpu.vector_load %arg6[%get3A_544] {strides = array<i32>} : memref<768xf32, #tpu.memory_space<vmem>>, vector<16xf32>,
      %get3A_546 = arith.constant 656 : index
      %get3A_547 = tpu.vector_load %arg6[%get3A_546] {strides = array<i32>} : memref<768xf32, #tpu.memory_space<vmem>>, vector<16xf32>,
      %get3A_548 = arith.constant 672 : index
      %get3A_549 = tpu.vector_load %arg6[%get3A_548] {strides = array<i32>} : memref<768xf32, #tpu.memory_space<vmem>>, vector<16xf32>,
      %get3A_550 = arith.constant 688 : index
      %get3A_551 = tpu.vector_load %arg6[%get3A_550] {strides = array<i32>} : memref<768xf32, #tpu.memory_space<vmem>>, vector<16xf32>,
      %get3A_552 = arith.constant 704 : index
      %get3A_553 = tpu.vector_load %arg6[%get3A_552] {strides = array<i32>} : memref<768xf32, #tpu.memory_space<vmem>>, vector<16xf32>,
      %get3A_554 = arith.constant 720 : index
      %get3A_555 = tpu.vector_load %arg6[%get3A_554] {strides = array<i32>} : memref<768xf32, #tpu.memory_space<vmem>>, vector<16xf32>,
      %get3A_556 = arith.constant 736 : index
      %get3A_557 = tpu.vector_load %arg6[%get3A_556] {strides = array<i32>} : memref<768xf32, #tpu.memory_space<vmem>>, vector<16xf32>,
      %get3A_558 = arith.constant 752 : index
      %get3A_559 = tpu.vector_load %arg6[%get3A_558] {strides = array<i32>} : memref<768xf32, #tpu.memory_space<vmem>>, vector<16xf32>,
      %add3A_560 = arith.constant 1 : i32
      %add3A_561 = arith.addi %add3A_457, %add3A_560 : i32
      %dma_start3A_562 = arith.constant 0 : i32
      %dma_start3A_563 = tpu.memref_slice %arg2[%add3A_561, %dma_start3A_562] : memref<1024x768xf32, #tpu.memory_space<hbm>> -> memref<1x768xf32, #tpu.memory_space<hbm>>
      %dma_start3A_564 = tpu.memref_squeeze %dma_start3A_563 : memref<1x768xf32, #tpu.memory_space<hbm>> -> memref<768xf32, #tpu.memory_space<hbm>>
      %dma_start3A_565 = arith.constant 0 : i32
      %dma_start3A_566 = tpu.memref_slice %arg2[%add3A_561, %dma_start3A_565] : memref<1024x768xf32, #tpu.memory_space<hbm>> -> memref<1x768xf32, #tpu.memory_space<hbm>>
      %dma_start3A_567 = tpu.memref_squeeze %dma_start3A_566 : memref<1x768xf32, #tpu.memory_space<hbm>> -> memref<768xf32, #tpu.memory_space<hbm>>
      tpu.enqueue_dma source(%dma_start3A_567 : memref<768xf32, #tpu.memory_space<hbm>>) target(%arg7 : memref<768xf32, #tpu.memory_space<vmem>>) target_semaphore(%arg16 : memref<!tpu.dma_semaphore, #tpu.memory_space<semaphore_mem>>)
      %add3A_568 = arith.constant 1 : i32
      %add3A_569 = arith.addi %add3A_457, %add3A_568 : i32
      %dma_start3A_570 = arith.constant 0 : i32
      %dma_start3A_571 = arith.constant 0 : i32
      %dma_start3A_572 = tpu.memref_slice %arg3[%add3A_569, %dma_start3A_570, %dma_start3A_571] : memref<1024x5x40xi32, #tpu.memory_space<hbm>> -> memref<1x5x40xi32, #tpu.memory_space<hbm>>
      %dma_start3A_573 = tpu.memref_squeeze %dma_start3A_572 : memref<1x5x40xi32, #tpu.memory_space<hbm>> -> memref<5x40xi32, #tpu.memory_space<hbm>>
      %dma_start3A_574 = arith.constant 0 : i32
      %dma_start3A_575 = arith.constant 0 : i32
      %dma_start3A_576 = tpu.memref_slice %arg3[%add3A_569, %dma_start3A_574, %dma_start3A_575] : memref<1024x5x40xi32, #tpu.memory_space<hbm>> -> memref<1x5x40xi32, #tpu.memory_space<hbm>>
      %dma_start3A_577 = tpu.memref_squeeze %dma_start3A_576 : memref<1x5x40xi32, #tpu.memory_space<hbm>> -> memref<5x40xi32, #tpu.memory_space<hbm>>
      tpu.enqueue_dma source(%dma_start3A_577 : memref<5x40xi32, #tpu.memory_space<hbm>>) target(%arg9 : memref<5x40xi32, #tpu.memory_space<vmem>>) target_semaphore(%arg18 : memref<!tpu.dma_semaphore, #tpu.memory_space<semaphore_mem>>)
      %dma_start3A_578 = arith.constant 3 : i32
      %dma_start3A_579 = arith.constant 0 : i32
      %dma_start3A_580 = tpu.memref_slice %arg8[%dma_start3A_578, %dma_start3A_579] : memref<5x40xi32, #tpu.memory_space<vmem>> -> memref<1x40xi32, #tpu.memory_space<vmem>>
      %dma_start3A_581 = tpu.memref_squeeze %dma_start3A_580 : memref<1x40xi32, #tpu.memory_space<vmem>> -> memref<40xi32, #tpu.memory_space<vmem>>
      %dma_start3A_582 = arith.constant 0 : i32
      %dma_start3A_583 = arith.constant 0 : i32
      %dma_start3A_584 = tpu.memref_slice %arg4[%dma_start3A_582, %dma_start3A_583] : memref<100000x768xf32, #tpu.memory_space<hbm>> -> memref<100000x768xf32, #tpu.memory_space<hbm>>
      tpu.enqueue_indirect_dma source(%dma_start3A_584 : memref<100000x768xf32, #tpu.memory_space<hbm>>) target(%arg11 : memref<40x768xf32, #tpu.memory_space<vmem>>) offsets(%dma_start3A_581 : memref<40xi32, #tpu.memory_space<vmem>>) semaphore(%arg20 : memref<!tpu.dma_semaphore, #tpu.memory_space<semaphore_mem>>)
      %dma_wait3A_585 = arith.constant 0 : i32
      %dma_wait3A_586 = arith.constant 0 : i32
      %dma_wait3A_587 = tpu.memref_slice %arg4[%dma_wait3A_585, %dma_wait3A_586] : memref<100000x768xf32, #tpu.memory_space<hbm>> -> memref<40x768xf32, #tpu.memory_space<hbm>>
      %dma_wait3A_588 = arith.constant 0 : i32
      %dma_wait3A_589 = arith.constant 0 : i32
      %dma_wait3A_590 = tpu.memref_slice %arg4[%dma_wait3A_588, %dma_wait3A_589] : memref<100000x768xf32, #tpu.memory_space<hbm>> -> memref<40x768xf32, #tpu.memory_space<hbm>>
      tpu.wait_dma2 semaphore(%arg21 : memref<!tpu.dma_semaphore, #tpu.memory_space<semaphore_mem>>) src(%dma_wait3A_590 : memref<40x768xf32, #tpu.memory_space<hbm>>) dst(%arg12 : memref<40x768xf32, #tpu.memory_space<vmem>>)
      %dma_start3A_591 = arith.constant 4 : i32
      %dma_start3A_592 = arith.constant 0 : i32
      %dma_start3A_593 = tpu.memref_slice %arg8[%dma_start3A_591, %dma_start3A_592] : memref<5x40xi32, #tpu.memory_space<vmem>> -> memref<1x40xi32, #tpu.memory_space<vmem>>
      %dma_start3A_594 = tpu.memref_squeeze %dma_start3A_593 : memref<1x40xi32, #tpu.memory_space<vmem>> -> memref<40xi32, #tpu.memory_space<vmem>>
      %dma_start3A_595 = arith.constant 0 : i32
      %dma_start3A_596 = arith.constant 0 : i32
      %dma_start3A_597 = tpu.memref_slice %arg4[%dma_start3A_595, %dma_start3A_596] : memref<100000x768xf32, #tpu.memory_space<hbm>> -> memref<100000x768xf32, #tpu.memory_space<hbm>>
      tpu.enqueue_indirect_dma source(%dma_start3A_597 : memref<100000x768xf32, #tpu.memory_space<hbm>>) target(%arg12 : memref<40x768xf32, #tpu.memory_space<vmem>>) offsets(%dma_start3A_594 : memref<40xi32, #tpu.memory_space<vmem>>) semaphore(%arg21 : memref<!tpu.dma_semaphore, #tpu.memory_space<semaphore_mem>>)
      %dma_wait3A_598 = arith.constant 0 : i32
      %dma_wait3A_599 = arith.constant 0 : i32
      %dma_wait3A_600 = tpu.memref_slice %arg4[%dma_wait3A_598, %dma_wait3A_599] : memref<100000x768xf32, #tpu.memory_space<hbm>> -> memref<40x768xf32, #tpu.memory_space<hbm>>
      %dma_wait3A_601 = arith.constant 0 : i32
      %dma_wait3A_602 = arith.constant 0 : i32
      %dma_wait3A_603 = tpu.memref_slice %arg4[%dma_wait3A_601, %dma_wait3A_602] : memref<100000x768xf32, #tpu.memory_space<hbm>> -> memref<40x768xf32, #tpu.memory_space<hbm>>
      tpu.wait_dma2 semaphore(%arg22 : memref<!tpu.dma_semaphore, #tpu.memory_space<semaphore_mem>>) src(%dma_wait3A_603 : memref<40x768xf32, #tpu.memory_space<hbm>>) dst(%arg13 : memref<40x768xf32, #tpu.memory_space<vmem>>)
      %add3A_604 = arith.constant 1 : i32
      %add3A_605 = arith.addi %add3A_457, %add3A_604 : i32
      %dma_wait3A_606 = arith.constant 0 : i32
      %dma_wait3A_607 = arith.constant 0 : i32
      %dma_wait3A_608 = tpu.memref_slice %arg3[%add3A_605, %dma_wait3A_606, %dma_wait3A_607] : memref<1024x5x40xi32, #tpu.memory_space<hbm>> -> memref<1x5x40xi32, #tpu.memory_space<hbm>>
      %dma_wait3A_609 = tpu.memref_squeeze %dma_wait3A_608 : memref<1x5x40xi32, #tpu.memory_space<hbm>> -> memref<5x40xi32, #tpu.memory_space<hbm>>
      %dma_wait3A_610 = arith.constant 0 : i32
      %dma_wait3A_611 = arith.constant 0 : i32
      %dma_wait3A_612 = tpu.memref_slice %arg3[%add3A_605, %dma_wait3A_610, %dma_wait3A_611] : memref<1024x5x40xi32, #tpu.memory_space<hbm>> -> memref<1x5x40xi32, #tpu.memory_space<hbm>>
      %dma_wait3A_613 = tpu.memref_squeeze %dma_wait3A_612 : memref<1x5x40xi32, #tpu.memory_space<hbm>> -> memref<5x40xi32, #tpu.memory_space<hbm>>
      tpu.wait_dma2 semaphore(%arg18 : memref<!tpu.dma_semaphore, #tpu.memory_space<semaphore_mem>>) src(%dma_wait3A_613 : memref<5x40xi32, #tpu.memory_space<hbm>>) dst(%arg9 : memref<5x40xi32, #tpu.memory_space<vmem>>)
      %dma_start3A_614 = arith.constant 0 : i32
      %dma_start3A_615 = arith.constant 0 : i32
      %dma_start3A_616 = tpu.memref_slice %arg9[%dma_start3A_614, %dma_start3A_615] : memref<5x40xi32, #tpu.memory_space<vmem>> -> memref<1x40xi32, #tpu.memory_space<vmem>>
      %dma_start3A_617 = tpu.memref_squeeze %dma_start3A_616 : memref<1x40xi32, #tpu.memory_space<vmem>> -> memref<40xi32, #tpu.memory_space<vmem>>
      %dma_start3A_618 = arith.constant 0 : i32
      %dma_start3A_619 = arith.constant 0 : i32
      %dma_start3A_620 = tpu.memref_slice %arg4[%dma_start3A_618, %dma_start3A_619] : memref<100000x768xf32, #tpu.memory_space<hbm>> -> memref<100000x768xf32, #tpu.memory_space<hbm>>
      tpu.enqueue_indirect_dma source(%dma_start3A_620 : memref<100000x768xf32, #tpu.memory_space<hbm>>) target(%arg13 : memref<40x768xf32, #tpu.memory_space<vmem>>) offsets(%dma_start3A_617 : memref<40xi32, #tpu.memory_space<vmem>>) semaphore(%arg22 : memref<!tpu.dma_semaphore, #tpu.memory_space<semaphore_mem>>)
      %dma_wait3A_621 = arith.constant 0 : i32
      %dma_wait3A_622 = arith.constant 0 : i32
      %dma_wait3A_623 = tpu.memref_slice %arg4[%dma_wait3A_621, %dma_wait3A_622] : memref<100000x768xf32, #tpu.memory_space<hbm>> -> memref<40x768xf32, #tpu.memory_space<hbm>>
      %dma_wait3A_624 = arith.constant 0 : i32
      %dma_wait3A_625 = arith.constant 0 : i32
      %dma_wait3A_626 = tpu.memref_slice %arg4[%dma_wait3A_624, %dma_wait3A_625] : memref<100000x768xf32, #tpu.memory_space<hbm>> -> memref<40x768xf32, #tpu.memory_space<hbm>>
      tpu.wait_dma2 semaphore(%arg19 : memref<!tpu.dma_semaphore, #tpu.memory_space<semaphore_mem>>) src(%dma_wait3A_626 : memref<40x768xf32, #tpu.memory_space<hbm>>) dst(%arg10 : memref<40x768xf32, #tpu.memory_space<vmem>>)
      %dma_start3A_627 = arith.constant 1 : i32
      %dma_start3A_628 = arith.constant 0 : i32
      %dma_start3A_629 = tpu.memref_slice %arg9[%dma_start3A_627, %dma_start3A_628] : memref<5x40xi32, #tpu.memory_space<vmem>> -> memref<1x40xi32, #tpu.memory_space<vmem>>
      %dma_start3A_630 = tpu.memref_squeeze %dma_start3A_629 : memref<1x40xi32, #tpu.memory_space<vmem>> -> memref<40xi32, #tpu.memory_space<vmem>>
      %dma_start3A_631 = arith.constant 0 : i32
      %dma_start3A_632 = arith.constant 0 : i32
      %dma_start3A_633 = tpu.memref_slice %arg4[%dma_start3A_631, %dma_start3A_632] : memref<100000x768xf32, #tpu.memory_space<hbm>> -> memref<100000x768xf32, #tpu.memory_space<hbm>>
      tpu.enqueue_indirect_dma source(%dma_start3A_633 : memref<100000x768xf32, #tpu.memory_space<hbm>>) target(%arg10 : memref<40x768xf32, #tpu.memory_space<vmem>>) offsets(%dma_start3A_630 : memref<40xi32, #tpu.memory_space<vmem>>) semaphore(%arg19 : memref<!tpu.dma_semaphore, #tpu.memory_space<semaphore_mem>>)
      %dma_wait3A_634 = arith.constant 0 : i32
      %dma_wait3A_635 = arith.constant 0 : i32
      %dma_wait3A_636 = tpu.memref_slice %arg4[%dma_wait3A_634, %dma_wait3A_635] : memref<100000x768xf32, #tpu.memory_space<hbm>> -> memref<40x768xf32, #tpu.memory_space<hbm>>
      %dma_wait3A_637 = arith.constant 0 : i32
      %dma_wait3A_638 = arith.constant 0 : i32
      %dma_wait3A_639 = tpu.memref_slice %arg4[%dma_wait3A_637, %dma_wait3A_638] : memref<100000x768xf32, #tpu.memory_space<hbm>> -> memref<40x768xf32, #tpu.memory_space<hbm>>
      tpu.wait_dma2 semaphore(%arg20 : memref<!tpu.dma_semaphore, #tpu.memory_space<semaphore_mem>>) src(%dma_wait3A_639 : memref<40x768xf32, #tpu.memory_space<hbm>>) dst(%arg11 : memref<40x768xf32, #tpu.memory_space<vmem>>)
      %dma_start3A_640 = arith.constant 2 : i32
      %dma_start3A_641 = arith.constant 0 : i32
      %dma_start3A_642 = tpu.memref_slice %arg9[%dma_start3A_640, %dma_start3A_641] : memref<5x40xi32, #tpu.memory_space<vmem>> -> memref<1x40xi32, #tpu.memory_space<vmem>>
      %dma_start3A_643 = tpu.memref_squeeze %dma_start3A_642 : memref<1x40xi32, #tpu.memory_space<vmem>> -> memref<40xi32, #tpu.memory_space<vmem>>
      %dma_start3A_644 = arith.constant 0 : i32
      %dma_start3A_645 = arith.constant 0 : i32
      %dma_start3A_646 = tpu.memref_slice %arg4[%dma_start3A_644, %dma_start3A_645] : memref<100000x768xf32, #tpu.memory_space<hbm>> -> memref<100000x768xf32, #tpu.memory_space<hbm>>
      tpu.enqueue_indirect_dma source(%dma_start3A_646 : memref<100000x768xf32, #tpu.memory_space<hbm>>) target(%arg11 : memref<40x768xf32, #tpu.memory_space<vmem>>) offsets(%dma_start3A_643 : memref<40xi32, #tpu.memory_space<vmem>>) semaphore(%arg20 : memref<!tpu.dma_semaphore, #tpu.memory_space<semaphore_mem>>)
      %dma_wait3A_647 = arith.constant 0 : i32
      %dma_wait3A_648 = arith.constant 0 : i32
      %dma_wait3A_649 = tpu.memref_slice %arg4[%dma_wait3A_647, %dma_wait3A_648] : memref<100000x768xf32, #tpu.memory_space<hbm>> -> memref<40x768xf32, #tpu.memory_space<hbm>>
      %dma_wait3A_650 = arith.constant 0 : i32
      %dma_wait3A_651 = arith.constant 0 : i32
      %dma_wait3A_652 = tpu.memref_slice %arg4[%dma_wait3A_650, %dma_wait3A_651] : memref<100000x768xf32, #tpu.memory_space<hbm>> -> memref<40x768xf32, #tpu.memory_space<hbm>>
      tpu.wait_dma2 semaphore(%arg21 : memref<!tpu.dma_semaphore, #tpu.memory_space<semaphore_mem>>) src(%dma_wait3A_652 : memref<40x768xf32, #tpu.memory_space<hbm>>) dst(%arg12 : memref<40x768xf32, #tpu.memory_space<vmem>>)
      %mul3A_653 = arith.constant 200 : i32
      %mul3A_654 = arith.muli %add3A_457, %mul3A_653 : i32
      "tpu.region"() ({
        %run_scoped3A = tpu.sem_alloc : memref<!tpu.dma_semaphore, #tpu.memory_space<semaphore_mem>>
        %dma_start3A_825 = arith.constant 0 : i32
        %dma_start3A_826 = tpu.memref_slice %arg14[%dma_start3A_825] : memref<208xf32, #tpu.memory_space<vmem>> -> memref<200xf32, #tpu.memory_space<vmem>>
        %dma_start3A_827 = tpu.memref_slice %arg5[%mul3A_654] : memref<204800xf32, #tpu.memory_space<hbm>> -> memref<200xf32, #tpu.memory_space<hbm>>
        %dma_start3A_828 = tpu.memref_slice %arg5[%mul3A_654] : memref<204800xf32, #tpu.memory_space<hbm>> -> memref<200xf32, #tpu.memory_space<hbm>>
        %dma_start3A_829 = arith.constant 0 : i32
        %dma_start3A_830 = tpu.memref_slice %arg14[%dma_start3A_829] : memref<208xf32, #tpu.memory_space<vmem>> -> memref<200xf32, #tpu.memory_space<vmem>>
        tpu.enqueue_dma source(%dma_start3A_830 : memref<200xf32, #tpu.memory_space<vmem>>) target(%dma_start3A_828 : memref<200xf32, #tpu.memory_space<hbm>>) target_semaphore(%run_scoped3A : memref<!tpu.dma_semaphore, #tpu.memory_space<semaphore_mem>>)
        %dma_wait3A_831 = arith.constant 0 : i32
        %dma_wait3A_832 = tpu.memref_slice %arg14[%dma_wait3A_831] : memref<208xf32, #tpu.memory_space<vmem>> -> memref<200xf32, #tpu.memory_space<vmem>>
        %dma_wait3A_833 = tpu.memref_slice %arg5[%mul3A_654] : memref<204800xf32, #tpu.memory_space<hbm>> -> memref<200xf32, #tpu.memory_space<hbm>>
        %dma_wait3A_834 = tpu.memref_slice %arg5[%mul3A_654] : memref<204800xf32, #tpu.memory_space<hbm>> -> memref<200xf32, #tpu.memory_space<hbm>>
        %dma_wait3A_835 = arith.constant 0 : i32
        %dma_wait3A_836 = tpu.memref_slice %arg14[%dma_wait3A_835] : memref<208xf32, #tpu.memory_space<vmem>> -> memref<200xf32, #tpu.memory_space<vmem>>
        tpu.wait_dma2 semaphore(%run_scoped3A : memref<!tpu.dma_semaphore, #tpu.memory_space<semaphore_mem>>) src(%dma_wait3A_836 : memref<200xf32, #tpu.memory_space<vmem>>) dst(%dma_wait3A_834 : memref<200xf32, #tpu.memory_space<hbm>>)
        tpu.yield
      }) : () -> ()
      %mul3A_655 = arith.constant 4 : i32
      %mul3A_656 = arith.muli %mul3A_655, %scan3A_49 : i32
      %add3A_657 = arith.constant 3 : i32
      %add3A_658 = arith.addi %mul3A_656, %add3A_657 : i32
      %add3A_659 = arith.addi %mul3A_2, %add3A_658 : i32
      %dma_wait3A_660 = arith.constant 0 : i32
      %dma_wait3A_661 = tpu.memref_slice %arg2[%add3A_659, %dma_wait3A_660] : memref<1024x768xf32, #tpu.memory_space<hbm>> -> memref<1x768xf32, #tpu.memory_space<hbm>>
      %dma_wait3A_662 = tpu.memref_squeeze %dma_wait3A_661 : memref<1x768xf32, #tpu.memory_space<hbm>> -> memref<768xf32, #tpu.memory_space<hbm>>
      %dma_wait3A_663 = arith.constant 0 : i32
      %dma_wait3A_664 = tpu.memref_slice %arg2[%add3A_659, %dma_wait3A_663] : memref<1024x768xf32, #tpu.memory_space<hbm>> -> memref<1x768xf32, #tpu.memory_space<hbm>>
      %dma_wait3A_665 = tpu.memref_squeeze %dma_wait3A_664 : memref<1x768xf32, #tpu.memory_space<hbm>> -> memref<768xf32, #tpu.memory_space<hbm>>
      tpu.wait_dma2 semaphore(%arg16 : memref<!tpu.dma_semaphore, #tpu.memory_space<semaphore_mem>>) src(%dma_wait3A_665 : memref<768xf32, #tpu.memory_space<hbm>>) dst(%arg7 : memref<768xf32, #tpu.memory_space<vmem>>)
      %get3A_666 = arith.constant 0 : index
      %get3A_667 = tpu.vector_load %arg7[%get3A_666] {strides = array<i32>} : memref<768xf32, #tpu.memory_space<vmem>>, vector<16xf32>,
      %get3A_668 = arith.constant 16 : index
      %get3A_669 = tpu.vector_load %arg7[%get3A_668] {strides = array<i32>} : memref<768xf32, #tpu.memory_space<vmem>>, vector<16xf32>,
      %get3A_670 = arith.constant 32 : index
      %get3A_671 = tpu.vector_load %arg7[%get3A_670] {strides = array<i32>} : memref<768xf32, #tpu.memory_space<vmem>>, vector<16xf32>,
      %get3A_672 = arith.constant 48 : index
      %get3A_673 = tpu.vector_load %arg7[%get3A_672] {strides = array<i32>} : memref<768xf32, #tpu.memory_space<vmem>>, vector<16xf32>,
      %get3A_674 = arith.constant 64 : index
      %get3A_675 = tpu.vector_load %arg7[%get3A_674] {strides = array<i32>} : memref<768xf32, #tpu.memory_space<vmem>>, vector<16xf32>,
      %get3A_676 = arith.constant 80 : index
      %get3A_677 = tpu.vector_load %arg7[%get3A_676] {strides = array<i32>} : memref<768xf32, #tpu.memory_space<vmem>>, vector<16xf32>,
      %get3A_678 = arith.constant 96 : index
      %get3A_679 = tpu.vector_load %arg7[%get3A_678] {strides = array<i32>} : memref<768xf32, #tpu.memory_space<vmem>>, vector<16xf32>,
      %get3A_680 = arith.constant 112 : index
      %get3A_681 = tpu.vector_load %arg7[%get3A_680] {strides = array<i32>} : memref<768xf32, #tpu.memory_space<vmem>>, vector<16xf32>,
      %get3A_682 = arith.constant 128 : index
      %get3A_683 = tpu.vector_load %arg7[%get3A_682] {strides = array<i32>} : memref<768xf32, #tpu.memory_space<vmem>>, vector<16xf32>,
      %get3A_684 = arith.constant 144 : index
      %get3A_685 = tpu.vector_load %arg7[%get3A_684] {strides = array<i32>} : memref<768xf32, #tpu.memory_space<vmem>>, vector<16xf32>,
      %get3A_686 = arith.constant 160 : index
      %get3A_687 = tpu.vector_load %arg7[%get3A_686] {strides = array<i32>} : memref<768xf32, #tpu.memory_space<vmem>>, vector<16xf32>,
      %get3A_688 = arith.constant 176 : index
      %get3A_689 = tpu.vector_load %arg7[%get3A_688] {strides = array<i32>} : memref<768xf32, #tpu.memory_space<vmem>>, vector<16xf32>,
      %get3A_690 = arith.constant 192 : index
      %get3A_691 = tpu.vector_load %arg7[%get3A_690] {strides = array<i32>} : memref<768xf32, #tpu.memory_space<vmem>>, vector<16xf32>,
      %get3A_692 = arith.constant 208 : index
      %get3A_693 = tpu.vector_load %arg7[%get3A_692] {strides = array<i32>} : memref<768xf32, #tpu.memory_space<vmem>>, vector<16xf32>,
      %get3A_694 = arith.constant 224 : index
      %get3A_695 = tpu.vector_load %arg7[%get3A_694] {strides = array<i32>} : memref<768xf32, #tpu.memory_space<vmem>>, vector<16xf32>,
      %get3A_696 = arith.constant 240 : index
      %get3A_697 = tpu.vector_load %arg7[%get3A_696] {strides = array<i32>} : memref<768xf32, #tpu.memory_space<vmem>>, vector<16xf32>,
      %get3A_698 = arith.constant 256 : index
      %get3A_699 = tpu.vector_load %arg7[%get3A_698] {strides = array<i32>} : memref<768xf32, #tpu.memory_space<vmem>>, vector<16xf32>,
      %get3A_700 = arith.constant 272 : index
      %get3A_701 = tpu.vector_load %arg7[%get3A_700] {strides = array<i32>} : memref<768xf32, #tpu.memory_space<vmem>>, vector<16xf32>,
      %get3A_702 = arith.constant 288 : index
      %get3A_703 = tpu.vector_load %arg7[%get3A_702] {strides = array<i32>} : memref<768xf32, #tpu.memory_space<vmem>>, vector<16xf32>,
      %get3A_704 = arith.constant 304 : index
      %get3A_705 = tpu.vector_load %arg7[%get3A_704] {strides = array<i32>} : memref<768xf32, #tpu.memory_space<vmem>>, vector<16xf32>,
      %get3A_706 = arith.constant 320 : index
      %get3A_707 = tpu.vector_load %arg7[%get3A_706] {strides = array<i32>} : memref<768xf32, #tpu.memory_space<vmem>>, vector<16xf32>,
      %get3A_708 = arith.constant 336 : index
      %get3A_709 = tpu.vector_load %arg7[%get3A_708] {strides = array<i32>} : memref<768xf32, #tpu.memory_space<vmem>>, vector<16xf32>,
      %get3A_710 = arith.constant 352 : index
      %get3A_711 = tpu.vector_load %arg7[%get3A_710] {strides = array<i32>} : memref<768xf32, #tpu.memory_space<vmem>>, vector<16xf32>,
      %get3A_712 = arith.constant 368 : index
      %get3A_713 = tpu.vector_load %arg7[%get3A_712] {strides = array<i32>} : memref<768xf32, #tpu.memory_space<vmem>>, vector<16xf32>,
      %get3A_714 = arith.constant 384 : index
      %get3A_715 = tpu.vector_load %arg7[%get3A_714] {strides = array<i32>} : memref<768xf32, #tpu.memory_space<vmem>>, vector<16xf32>,
      %get3A_716 = arith.constant 400 : index
      %get3A_717 = tpu.vector_load %arg7[%get3A_716] {strides = array<i32>} : memref<768xf32, #tpu.memory_space<vmem>>, vector<16xf32>,
      %get3A_718 = arith.constant 416 : index
      %get3A_719 = tpu.vector_load %arg7[%get3A_718] {strides = array<i32>} : memref<768xf32, #tpu.memory_space<vmem>>, vector<16xf32>,
      %get3A_720 = arith.constant 432 : index
      %get3A_721 = tpu.vector_load %arg7[%get3A_720] {strides = array<i32>} : memref<768xf32, #tpu.memory_space<vmem>>, vector<16xf32>,
      %get3A_722 = arith.constant 448 : index
      %get3A_723 = tpu.vector_load %arg7[%get3A_722] {strides = array<i32>} : memref<768xf32, #tpu.memory_space<vmem>>, vector<16xf32>,
      %get3A_724 = arith.constant 464 : index
      %get3A_725 = tpu.vector_load %arg7[%get3A_724] {strides = array<i32>} : memref<768xf32, #tpu.memory_space<vmem>>, vector<16xf32>,
      %get3A_726 = arith.constant 480 : index
      %get3A_727 = tpu.vector_load %arg7[%get3A_726] {strides = array<i32>} : memref<768xf32, #tpu.memory_space<vmem>>, vector<16xf32>,
      %get3A_728 = arith.constant 496 : index
      %get3A_729 = tpu.vector_load %arg7[%get3A_728] {strides = array<i32>} : memref<768xf32, #tpu.memory_space<vmem>>, vector<16xf32>,
      %get3A_730 = arith.constant 512 : index
      %get3A_731 = tpu.vector_load %arg7[%get3A_730] {strides = array<i32>} : memref<768xf32, #tpu.memory_space<vmem>>, vector<16xf32>,
      %get3A_732 = arith.constant 528 : index
      %get3A_733 = tpu.vector_load %arg7[%get3A_732] {strides = array<i32>} : memref<768xf32, #tpu.memory_space<vmem>>, vector<16xf32>,
      %get3A_734 = arith.constant 544 : index
      %get3A_735 = tpu.vector_load %arg7[%get3A_734] {strides = array<i32>} : memref<768xf32, #tpu.memory_space<vmem>>, vector<16xf32>,
      %get3A_736 = arith.constant 560 : index
      %get3A_737 = tpu.vector_load %arg7[%get3A_736] {strides = array<i32>} : memref<768xf32, #tpu.memory_space<vmem>>, vector<16xf32>,
      %get3A_738 = arith.constant 576 : index
      %get3A_739 = tpu.vector_load %arg7[%get3A_738] {strides = array<i32>} : memref<768xf32, #tpu.memory_space<vmem>>, vector<16xf32>,
      %get3A_740 = arith.constant 592 : index
      %get3A_741 = tpu.vector_load %arg7[%get3A_740] {strides = array<i32>} : memref<768xf32, #tpu.memory_space<vmem>>, vector<16xf32>,
      %get3A_742 = arith.constant 608 : index
      %get3A_743 = tpu.vector_load %arg7[%get3A_742] {strides = array<i32>} : memref<768xf32, #tpu.memory_space<vmem>>, vector<16xf32>,
      %get3A_744 = arith.constant 624 : index
      %get3A_745 = tpu.vector_load %arg7[%get3A_744] {strides = array<i32>} : memref<768xf32, #tpu.memory_space<vmem>>, vector<16xf32>,
      %get3A_746 = arith.constant 640 : index
      %get3A_747 = tpu.vector_load %arg7[%get3A_746] {strides = array<i32>} : memref<768xf32, #tpu.memory_space<vmem>>, vector<16xf32>,
      %get3A_748 = arith.constant 656 : index
      %get3A_749 = tpu.vector_load %arg7[%get3A_748] {strides = array<i32>} : memref<768xf32, #tpu.memory_space<vmem>>, vector<16xf32>,
      %get3A_750 = arith.constant 672 : index
      %get3A_751 = tpu.vector_load %arg7[%get3A_750] {strides = array<i32>} : memref<768xf32, #tpu.memory_space<vmem>>, vector<16xf32>,
      %get3A_752 = arith.constant 688 : index
      %get3A_753 = tpu.vector_load %arg7[%get3A_752] {strides = array<i32>} : memref<768xf32, #tpu.memory_space<vmem>>, vector<16xf32>,
      %get3A_754 = arith.constant 704 : index
      %get3A_755 = tpu.vector_load %arg7[%get3A_754] {strides = array<i32>} : memref<768xf32, #tpu.memory_space<vmem>>, vector<16xf32>,
      %get3A_756 = arith.constant 720 : index
      %get3A_757 = tpu.vector_load %arg7[%get3A_756] {strides = array<i32>} : memref<768xf32, #tpu.memory_space<vmem>>, vector<16xf32>,
      %get3A_758 = arith.constant 736 : index
      %get3A_759 = tpu.vector_load %arg7[%get3A_758] {strides = array<i32>} : memref<768xf32, #tpu.memory_space<vmem>>, vector<16xf32>,
      %get3A_760 = arith.constant 752 : index
      %get3A_761 = tpu.vector_load %arg7[%get3A_760] {strides = array<i32>} : memref<768xf32, #tpu.memory_space<vmem>>, vector<16xf32>,
      %lt3A = arith.constant 7 : i32
      %lt3A_762 = arith.cmpi slt, %scan3A_49, %lt3A : i32
      %convert_element_type3A = arith.extui %lt3A_762 : i1 to i32
      %cond3A = arith.constant 0 : i32
      %cond3A_763 = arith.cmpi ne, %convert_element_type3A, %cond3A : i32
      scf.if %cond3A_763 {
        %add3A_825 = arith.constant 1 : i32
        %add3A_826 = arith.addi %add3A_659, %add3A_825 : i32
        %dma_start3A_827 = arith.constant 0 : i32
        %dma_start3A_828 = tpu.memref_slice %arg2[%add3A_826, %dma_start3A_827] : memref<1024x768xf32, #tpu.memory_space<hbm>> -> memref<1x768xf32, #tpu.memory_space<hbm>>
        %dma_start3A_829 = tpu.memref_squeeze %dma_start3A_828 : memref<1x768xf32, #tpu.memory_space<hbm>> -> memref<768xf32, #tpu.memory_space<hbm>>
        %dma_start3A_830 = arith.constant 0 : i32
        %dma_start3A_831 = tpu.memref_slice %arg2[%add3A_826, %dma_start3A_830] : memref<1024x768xf32, #tpu.memory_space<hbm>> -> memref<1x768xf32, #tpu.memory_space<hbm>>
        %dma_start3A_832 = tpu.memref_squeeze %dma_start3A_831 : memref<1x768xf32, #tpu.memory_space<hbm>> -> memref<768xf32, #tpu.memory_space<hbm>>
        tpu.enqueue_dma source(%dma_start3A_832 : memref<768xf32, #tpu.memory_space<hbm>>) target(%arg6 : memref<768xf32, #tpu.memory_space<vmem>>) target_semaphore(%arg15 : memref<!tpu.dma_semaphore, #tpu.memory_space<semaphore_mem>>)
        %add3A_833 = arith.constant 1 : i32
        %add3A_834 = arith.addi %add3A_659, %add3A_833 : i32
        %dma_start3A_835 = arith.constant 0 : i32
        %dma_start3A_836 = arith.constant 0 : i32
        %dma_start3A_837 = tpu.memref_slice %arg3[%add3A_834, %dma_start3A_835, %dma_start3A_836] : memref<1024x5x40xi32, #tpu.memory_space<hbm>> -> memref<1x5x40xi32, #tpu.memory_space<hbm>>
        %dma_start3A_838 = tpu.memref_squeeze %dma_start3A_837 : memref<1x5x40xi32, #tpu.memory_space<hbm>> -> memref<5x40xi32, #tpu.memory_space<hbm>>
        %dma_start3A_839 = arith.constant 0 : i32
        %dma_start3A_840 = arith.constant 0 : i32
        %dma_start3A_841 = tpu.memref_slice %arg3[%add3A_834, %dma_start3A_839, %dma_start3A_840] : memref<1024x5x40xi32, #tpu.memory_space<hbm>> -> memref<1x5x40xi32, #tpu.memory_space<hbm>>
        %dma_start3A_842 = tpu.memref_squeeze %dma_start3A_841 : memref<1x5x40xi32, #tpu.memory_space<hbm>> -> memref<5x40xi32, #tpu.memory_space<hbm>>
        tpu.enqueue_dma source(%dma_start3A_842 : memref<5x40xi32, #tpu.memory_space<hbm>>) target(%arg8 : memref<5x40xi32, #tpu.memory_space<vmem>>) target_semaphore(%arg17 : memref<!tpu.dma_semaphore, #tpu.memory_space<semaphore_mem>>)
      } else {
      }
      %dma_start3A_764 = arith.constant 3 : i32
      %dma_start3A_765 = arith.constant 0 : i32
      %dma_start3A_766 = tpu.memref_slice %arg9[%dma_start3A_764, %dma_start3A_765] : memref<5x40xi32, #tpu.memory_space<vmem>> -> memref<1x40xi32, #tpu.memory_space<vmem>>
      %dma_start3A_767 = tpu.memref_squeeze %dma_start3A_766 : memref<1x40xi32, #tpu.memory_space<vmem>> -> memref<40xi32, #tpu.memory_space<vmem>>
      %dma_start3A_768 = arith.constant 0 : i32
      %dma_start3A_769 = arith.constant 0 : i32
      %dma_start3A_770 = tpu.memref_slice %arg4[%dma_start3A_768, %dma_start3A_769] : memref<100000x768xf32, #tpu.memory_space<hbm>> -> memref<100000x768xf32, #tpu.memory_space<hbm>>
      tpu.enqueue_indirect_dma source(%dma_start3A_770 : memref<100000x768xf32, #tpu.memory_space<hbm>>) target(%arg12 : memref<40x768xf32, #tpu.memory_space<vmem>>) offsets(%dma_start3A_767 : memref<40xi32, #tpu.memory_space<vmem>>) semaphore(%arg21 : memref<!tpu.dma_semaphore, #tpu.memory_space<semaphore_mem>>)
      %dma_wait3A_771 = arith.constant 0 : i32
      %dma_wait3A_772 = arith.constant 0 : i32
      %dma_wait3A_773 = tpu.memref_slice %arg4[%dma_wait3A_771, %dma_wait3A_772] : memref<100000x768xf32, #tpu.memory_space<hbm>> -> memref<40x768xf32, #tpu.memory_space<hbm>>
      %dma_wait3A_774 = arith.constant 0 : i32
      %dma_wait3A_775 = arith.constant 0 : i32
      %dma_wait3A_776 = tpu.memref_slice %arg4[%dma_wait3A_774, %dma_wait3A_775] : memref<100000x768xf32, #tpu.memory_space<hbm>> -> memref<40x768xf32, #tpu.memory_space<hbm>>
      tpu.wait_dma2 semaphore(%arg22 : memref<!tpu.dma_semaphore, #tpu.memory_space<semaphore_mem>>) src(%dma_wait3A_776 : memref<40x768xf32, #tpu.memory_space<hbm>>) dst(%arg13 : memref<40x768xf32, #tpu.memory_space<vmem>>)
      %dma_start3A_777 = arith.constant 4 : i32
      %dma_start3A_778 = arith.constant 0 : i32
      %dma_start3A_779 = tpu.memref_slice %arg9[%dma_start3A_777, %dma_start3A_778] : memref<5x40xi32, #tpu.memory_space<vmem>> -> memref<1x40xi32, #tpu.memory_space<vmem>>
      %dma_start3A_780 = tpu.memref_squeeze %dma_start3A_779 : memref<1x40xi32, #tpu.memory_space<vmem>> -> memref<40xi32, #tpu.memory_space<vmem>>
      %dma_start3A_781 = arith.constant 0 : i32
      %dma_start3A_782 = arith.constant 0 : i32
      %dma_start3A_783 = tpu.memref_slice %arg4[%dma_start3A_781, %dma_start3A_782] : memref<100000x768xf32, #tpu.memory_space<hbm>> -> memref<100000x768xf32, #tpu.memory_space<hbm>>
      tpu.enqueue_indirect_dma source(%dma_start3A_783 : memref<100000x768xf32, #tpu.memory_space<hbm>>) target(%arg13 : memref<40x768xf32, #tpu.memory_space<vmem>>) offsets(%dma_start3A_780 : memref<40xi32, #tpu.memory_space<vmem>>) semaphore(%arg22 : memref<!tpu.dma_semaphore, #tpu.memory_space<semaphore_mem>>)
      %dma_wait3A_784 = arith.constant 0 : i32
      %dma_wait3A_785 = arith.constant 0 : i32
      %dma_wait3A_786 = tpu.memref_slice %arg4[%dma_wait3A_784, %dma_wait3A_785] : memref<100000x768xf32, #tpu.memory_space<hbm>> -> memref<40x768xf32, #tpu.memory_space<hbm>>
      %dma_wait3A_787 = arith.constant 0 : i32
      %dma_wait3A_788 = arith.constant 0 : i32
      %dma_wait3A_789 = tpu.memref_slice %arg4[%dma_wait3A_787, %dma_wait3A_788] : memref<100000x768xf32, #tpu.memory_space<hbm>> -> memref<40x768xf32, #tpu.memory_space<hbm>>
      tpu.wait_dma2 semaphore(%arg19 : memref<!tpu.dma_semaphore, #tpu.memory_space<semaphore_mem>>) src(%dma_wait3A_789 : memref<40x768xf32, #tpu.memory_space<hbm>>) dst(%arg10 : memref<40x768xf32, #tpu.memory_space<vmem>>)
      %lt3A_790 = arith.constant 7 : i32
      %lt3A_791 = arith.cmpi slt, %scan3A_49, %lt3A_790 : i32
      %convert_element_type3A_792 = arith.extui %lt3A_791 : i1 to i32
      %cond3A_793 = arith.constant 0 : i32
      %cond3A_794 = arith.cmpi ne, %convert_element_type3A_792, %cond3A_793 : i32
      scf.if %cond3A_794 {
        %add3A_825 = arith.constant 1 : i32
        %add3A_826 = arith.addi %add3A_659, %add3A_825 : i32
        %dma_wait3A_827 = arith.constant 0 : i32
        %dma_wait3A_828 = arith.constant 0 : i32
        %dma_wait3A_829 = tpu.memref_slice %arg3[%add3A_826, %dma_wait3A_827, %dma_wait3A_828] : memref<1024x5x40xi32, #tpu.memory_space<hbm>> -> memref<1x5x40xi32, #tpu.memory_space<hbm>>
        %dma_wait3A_830 = tpu.memref_squeeze %dma_wait3A_829 : memref<1x5x40xi32, #tpu.memory_space<hbm>> -> memref<5x40xi32, #tpu.memory_space<hbm>>
        %dma_wait3A_831 = arith.constant 0 : i32
        %dma_wait3A_832 = arith.constant 0 : i32
        %dma_wait3A_833 = tpu.memref_slice %arg3[%add3A_826, %dma_wait3A_831, %dma_wait3A_832] : memref<1024x5x40xi32, #tpu.memory_space<hbm>> -> memref<1x5x40xi32, #tpu.memory_space<hbm>>
        %dma_wait3A_834 = tpu.memref_squeeze %dma_wait3A_833 : memref<1x5x40xi32, #tpu.memory_space<hbm>> -> memref<5x40xi32, #tpu.memory_space<hbm>>
        tpu.wait_dma2 semaphore(%arg17 : memref<!tpu.dma_semaphore, #tpu.memory_space<semaphore_mem>>) src(%dma_wait3A_834 : memref<5x40xi32, #tpu.memory_space<hbm>>) dst(%arg8 : memref<5x40xi32, #tpu.memory_space<vmem>>)
        %dma_start3A_835 = arith.constant 0 : i32
        %dma_start3A_836 = arith.constant 0 : i32
        %dma_start3A_837 = tpu.memref_slice %arg8[%dma_start3A_835, %dma_start3A_836] : memref<5x40xi32, #tpu.memory_space<vmem>> -> memref<1x40xi32, #tpu.memory_space<vmem>>
        %dma_start3A_838 = tpu.memref_squeeze %dma_start3A_837 : memref<1x40xi32, #tpu.memory_space<vmem>> -> memref<40xi32, #tpu.memory_space<vmem>>
        %dma_start3A_839 = arith.constant 0 : i32
        %dma_start3A_840 = arith.constant 0 : i32
        %dma_start3A_841 = tpu.memref_slice %arg4[%dma_start3A_839, %dma_start3A_840] : memref<100000x768xf32, #tpu.memory_space<hbm>> -> memref<100000x768xf32, #tpu.memory_space<hbm>>
        tpu.enqueue_indirect_dma source(%dma_start3A_841 : memref<100000x768xf32, #tpu.memory_space<hbm>>) target(%arg10 : memref<40x768xf32, #tpu.memory_space<vmem>>) offsets(%dma_start3A_838 : memref<40xi32, #tpu.memory_space<vmem>>) semaphore(%arg19 : memref<!tpu.dma_semaphore, #tpu.memory_space<semaphore_mem>>)
      } else {
      }
      %dma_wait3A_795 = arith.constant 0 : i32
      %dma_wait3A_796 = arith.constant 0 : i32
      %dma_wait3A_797 = tpu.memref_slice %arg4[%dma_wait3A_795, %dma_wait3A_796] : memref<100000x768xf32, #tpu.memory_space<hbm>> -> memref<40x768xf32, #tpu.memory_space<hbm>>
      %dma_wait3A_798 = arith.constant 0 : i32
      %dma_wait3A_799 = arith.constant 0 : i32
      %dma_wait3A_800 = tpu.memref_slice %arg4[%dma_wait3A_798, %dma_wait3A_799] : memref<100000x768xf32, #tpu.memory_space<hbm>> -> memref<40x768xf32, #tpu.memory_space<hbm>>
      tpu.wait_dma2 semaphore(%arg20 : memref<!tpu.dma_semaphore, #tpu.memory_space<semaphore_mem>>) src(%dma_wait3A_800 : memref<40x768xf32, #tpu.memory_space<hbm>>) dst(%arg11 : memref<40x768xf32, #tpu.memory_space<vmem>>)
      %lt3A_801 = arith.constant 7 : i32
      %lt3A_802 = arith.cmpi slt, %scan3A_49, %lt3A_801 : i32
      %convert_element_type3A_803 = arith.extui %lt3A_802 : i1 to i32
      %cond3A_804 = arith.constant 0 : i32
      %cond3A_805 = arith.cmpi ne, %convert_element_type3A_803, %cond3A_804 : i32
      scf.if %cond3A_805 {
        %dma_start3A_825 = arith.constant 1 : i32
        %dma_start3A_826 = arith.constant 0 : i32
        %dma_start3A_827 = tpu.memref_slice %arg8[%dma_start3A_825, %dma_start3A_826] : memref<5x40xi32, #tpu.memory_space<vmem>> -> memref<1x40xi32, #tpu.memory_space<vmem>>
        %dma_start3A_828 = tpu.memref_squeeze %dma_start3A_827 : memref<1x40xi32, #tpu.memory_space<vmem>> -> memref<40xi32, #tpu.memory_space<vmem>>
        %dma_start3A_829 = arith.constant 0 : i32
        %dma_start3A_830 = arith.constant 0 : i32
        %dma_start3A_831 = tpu.memref_slice %arg4[%dma_start3A_829, %dma_start3A_830] : memref<100000x768xf32, #tpu.memory_space<hbm>> -> memref<100000x768xf32, #tpu.memory_space<hbm>>
        tpu.enqueue_indirect_dma source(%dma_start3A_831 : memref<100000x768xf32, #tpu.memory_space<hbm>>) target(%arg11 : memref<40x768xf32, #tpu.memory_space<vmem>>) offsets(%dma_start3A_828 : memref<40xi32, #tpu.memory_space<vmem>>) semaphore(%arg20 : memref<!tpu.dma_semaphore, #tpu.memory_space<semaphore_mem>>)
      } else {
      }
      %dma_wait3A_806 = arith.constant 0 : i32
      %dma_wait3A_807 = arith.constant 0 : i32
      %dma_wait3A_808 = tpu.memref_slice %arg4[%dma_wait3A_806, %dma_wait3A_807] : memref<100000x768xf32, #tpu.memory_space<hbm>> -> memref<40x768xf32, #tpu.memory_space<hbm>>
      %dma_wait3A_809 = arith.constant 0 : i32
      %dma_wait3A_810 = arith.constant 0 : i32
      %dma_wait3A_811 = tpu.memref_slice %arg4[%dma_wait3A_809, %dma_wait3A_810] : memref<100000x768xf32, #tpu.memory_space<hbm>> -> memref<40x768xf32, #tpu.memory_space<hbm>>
      tpu.wait_dma2 semaphore(%arg21 : memref<!tpu.dma_semaphore, #tpu.memory_space<semaphore_mem>>) src(%dma_wait3A_811 : memref<40x768xf32, #tpu.memory_space<hbm>>) dst(%arg12 : memref<40x768xf32, #tpu.memory_space<vmem>>)
      %lt3A_812 = arith.constant 7 : i32
      %lt3A_813 = arith.cmpi slt, %scan3A_49, %lt3A_812 : i32
      %convert_element_type3A_814 = arith.extui %lt3A_813 : i1 to i32
      %cond3A_815 = arith.constant 0 : i32
      %cond3A_816 = arith.cmpi ne, %convert_element_type3A_814, %cond3A_815 : i32
      scf.if %cond3A_816 {
        %dma_start3A_825 = arith.constant 2 : i32
        %dma_start3A_826 = arith.constant 0 : i32
        %dma_start3A_827 = tpu.memref_slice %arg8[%dma_start3A_825, %dma_start3A_826] : memref<5x40xi32, #tpu.memory_space<vmem>> -> memref<1x40xi32, #tpu.memory_space<vmem>>
        %dma_start3A_828 = tpu.memref_squeeze %dma_start3A_827 : memref<1x40xi32, #tpu.memory_space<vmem>> -> memref<40xi32, #tpu.memory_space<vmem>>
        %dma_start3A_829 = arith.constant 0 : i32
        %dma_start3A_830 = arith.constant 0 : i32
        %dma_start3A_831 = tpu.memref_slice %arg4[%dma_start3A_829, %dma_start3A_830] : memref<100000x768xf32, #tpu.memory_space<hbm>> -> memref<100000x768xf32, #tpu.memory_space<hbm>>
        tpu.enqueue_indirect_dma source(%dma_start3A_831 : memref<100000x768xf32, #tpu.memory_space<hbm>>) target(%arg12 : memref<40x768xf32, #tpu.memory_space<vmem>>) offsets(%dma_start3A_828 : memref<40xi32, #tpu.memory_space<vmem>>) semaphore(%arg21 : memref<!tpu.dma_semaphore, #tpu.memory_space<semaphore_mem>>)
      } else {
      }
      %dma_wait3A_817 = arith.constant 0 : i32
      %dma_wait3A_818 = arith.constant 0 : i32
      %dma_wait3A_819 = tpu.memref_slice %arg4[%dma_wait3A_817, %dma_wait3A_818] : memref<100000x768xf32, #tpu.memory_space<hbm>> -> memref<40x768xf32, #tpu.memory_space<hbm>>
      %dma_wait3A_820 = arith.constant 0 : i32
      %dma_wait3A_821 = arith.constant 0 : i32
      %dma_wait3A_822 = tpu.memref_slice %arg4[%dma_wait3A_820, %dma_wait3A_821] : memref<100000x768xf32, #tpu.memory_space<hbm>> -> memref<40x768xf32, #tpu.memory_space<hbm>>
      tpu.wait_dma2 semaphore(%arg22 : memref<!tpu.dma_semaphore, #tpu.memory_space<semaphore_mem>>) src(%dma_wait3A_822 : memref<40x768xf32, #tpu.memory_space<hbm>>) dst(%arg13 : memref<40x768xf32, #tpu.memory_space<vmem>>)
      %mul3A_823 = arith.constant 200 : i32
      %mul3A_824 = arith.muli %add3A_659, %mul3A_823 : i32
      "tpu.region"() ({
        %run_scoped3A = tpu.sem_alloc : memref<!tpu.dma_semaphore, #tpu.memory_space<semaphore_mem>>
        %dma_start3A_825 = arith.constant 0 : i32
        %dma_start3A_826 = tpu.memref_slice %arg14[%dma_start3A_825] : memref<208xf32, #tpu.memory_space<vmem>> -> memref<200xf32, #tpu.memory_space<vmem>>
        %dma_start3A_827 = tpu.memref_slice %arg5[%mul3A_824] : memref<204800xf32, #tpu.memory_space<hbm>> -> memref<200xf32, #tpu.memory_space<hbm>>
        %dma_start3A_828 = tpu.memref_slice %arg5[%mul3A_824] : memref<204800xf32, #tpu.memory_space<hbm>> -> memref<200xf32, #tpu.memory_space<hbm>>
        %dma_start3A_829 = arith.constant 0 : i32
        %dma_start3A_830 = tpu.memref_slice %arg14[%dma_start3A_829] : memref<208xf32, #tpu.memory_space<vmem>> -> memref<200xf32, #tpu.memory_space<vmem>>
        tpu.enqueue_dma source(%dma_start3A_830 : memref<200xf32, #tpu.memory_space<vmem>>) target(%dma_start3A_828 : memref<200xf32, #tpu.memory_space<hbm>>) target_semaphore(%run_scoped3A : memref<!tpu.dma_semaphore, #tpu.memory_space<semaphore_mem>>)
        %dma_wait3A_831 = arith.constant 0 : i32
        %dma_wait3A_832 = tpu.memref_slice %arg14[%dma_wait3A_831] : memref<208xf32, #tpu.memory_space<vmem>> -> memref<200xf32, #tpu.memory_space<vmem>>
        %dma_wait3A_833 = tpu.memref_slice %arg5[%mul3A_824] : memref<204800xf32, #tpu.memory_space<hbm>> -> memref<200xf32, #tpu.memory_space<hbm>>
        %dma_wait3A_834 = tpu.memref_slice %arg5[%mul3A_824] : memref<204800xf32, #tpu.memory_space<hbm>> -> memref<200xf32, #tpu.memory_space<hbm>>
        %dma_wait3A_835 = arith.constant 0 : i32
        %dma_wait3A_836 = tpu.memref_slice %arg14[%dma_wait3A_835] : memref<208xf32, #tpu.memory_space<vmem>> -> memref<200xf32, #tpu.memory_space<vmem>>
        tpu.wait_dma2 semaphore(%run_scoped3A : memref<!tpu.dma_semaphore, #tpu.memory_space<semaphore_mem>>) src(%dma_wait3A_836 : memref<200xf32, #tpu.memory_space<vmem>>) dst(%dma_wait3A_834 : memref<200xf32, #tpu.memory_space<hbm>>)
        tpu.yield
      }) : () -> ()
    }
    %scan3A_48 = arith.constant 8 : i32
    return
  }
}

</mosaic_0001>

<sc_bundles>
// kernel: _scores_sc.3.cloned.1.call-start
scs
__scs_entry_jumppad:
0x0: {  	(pc) =	sbr.rel $0x88, $3  }
0x1: {  	(tag) =	ssettag $0x0;
	lr =	simm.s32 $0x1  }
0x2: {  	[smem:$0x3F9E] =	sst lr;
	_ =	strace $0xD0000000  }
0x3: {  	_ = 	snop  }
0x4: {  	_ = 	snop  }
0x5: {  	_ = 	snop  }
0x6: {  	_ = 	snop  }
0x7: {  	_ = 	snop  }
__scs_overlays_trampoline_lowered:
0x8: {  	[smem:$0x3FAD] =	sst s0  }
0x9: {  	[smem:$0x3FAE] =	sst s1  }
0xa: {  	[smem:$0x3FAF] =	sst s2  }
0xb: {  	[smem:$0x3FB0] =	sst s3  }
0xc: {  	[smem:$0x3FB1] =	sst s4  }
0xd: {  	[smem:$0x3FB2] =	sst s5  }
0xe: {  	[smem:$0x3FB3] =	sst s6  }
0xf: {  	[smem:$0x3FB4] =	sst s7  }
0x10: {  	[smem:$0x3FB5] =	sst s8  }
0x11: {  	[smem:$0x3FB6] =	sst s9;
	s0 =	simm.s32 @!p0 $0x0  }
0x12: {  	s1 =	sld [smem:$0x3F9C];
	s0 =	simm.s32 @p0 $0x1  }
0x13: {  	[smem:$0x3FB7] =	sst s0;
	s0 =	simm.s32 @!p1 $0x0  }
0x14: {  	s2 =	sld [smem:$0x3F9B];
	s0 =	simm.s32 @p1 $0x1  }
0x15: {  	[smem:$0x3FB8] =	sst s0;
	s0 =	simm.s32 @!p2 $0x0  }
0x16: {  	s3 =	sld [smem:$0x3FDB];
	s0 =	simm.s32 @p2 $0x1  }
0x17: {  	s4 =	simm.s32 $0x1BF5;
	[smem:$0x3FBA] =	sst s0  }
0x18: {  	s0 =	sld [smem:$0x3F9D];
	_ =	swait.ge [sflag:s4], $0x0  }
0x19: {  	s7 =	sld [smem:$0x3F9E]  }
0x1a: {  	s8 =	sadd.s32 $0xFFFFE003, lr  }
0x1b: {  	s9 =	sadd.s32 $0xFFFFFEF7, lr;
	s5 =	simm.s32 $0xFFFFFFFF;
	p2 =	slt.u32 s8, $0xFFFFF086  }
0x1c: {  	p1 =	slt.u32 s9, $0xF7A;
	s5 =	simm.s32 @!p2 $0x0  }
0x1d: {  	s5 =	simm.s32 @p1 $0x1;
	p0 =	seq.s32 s7, s2  }
0x1e: {  	s7 =	smul.u32 @!p0 $0xF7A, s2;
	p2 =	seq.s32 @!p0 s5, $0x0  }
0x1f: {  	s9 =	smul.u32 $0xF7A, s1;
	s8 =	simm.s32 @!p0 $0x1BF5;
	p2 =	por !p2, p0  }
0x20: {  	[sflag:s8] =	ssyncset.s32 @!p0 $0xFFFFF086;
	s6 =	sadd.s32 @!p0 s3, s7;
	s7 =	simm.s32 @!p0 $0x108  }
0x21: {  	s3 =	sadd.s32 s3, s9;
	s6 =	sadd.s32 @!p0 $0x88, s6;
	s7 =	simm.s32 @p2 $0x1082  }
0x22: {  	[simem:s7], [sflag:s8] =	dma.local @!p0 [hbm:s6], $0xF7A  }
0x23: {  	s9 =	sor.u32 $0xD0000000, s2;
	s6 =	simm.s32 $0x108;
	_ =	swait.ge @!p0 [sflag:s8], $0x0  }
0x24: {  	s3 =	sadd.s32 $0x88, s3;
	s6 =	simm.s32 @!p1 $0x1082;
	[sflag:s4] =	ssyncset.s32 $0xFFFFF086  }
0x25: {  	[simem:s6], [sflag:s4] =	dma.local [hbm:s3], $0xF7A  }
0x26: {  	[smem:$0x3F9E] =	sst s1;
	(tag) =	ssettag s2;
	_ =	strace s9  }
0x27: {  	s1 =	sld [smem:$0x3FAE]  }
0x28: {  	s2 =	sld [smem:$0x3FAF]  }
0x29: {  	s4 =	sld [smem:$0x3FB1]  }
0x2a: {  	p0 =	seq.s32 s5, $0x0;
	s5 =	sld [smem:$0x3FB2]  }
0x2b: {  	s6 =	sld [smem:$0x3FB3]  }
0x2c: {  	s7 =	sld [smem:$0x3FB4]  }
0x2d: {  	s3 =	simm.s32 $0x108;
	s8 =	sld [smem:$0x3FB5]  }
0x2e: {  	s3 =	simm.s32 @!p0 $0x1082;
	s9 =	sld [smem:$0x3FB6]  }
0x2f: {  	lr =	sadd.s32 s0, s3;
	s0 =	sld [smem:$0x3FAD]  }
0x30: {  	s3 =	sld [smem:$0x3FB0]  }
0x31: {  	[smem:$0x3FB9] =	sst s10  }
0x32: {  	s10 =	sld [smem:$0x3FB7];
	_ =	sdelay $0x3  }
0x33: {  	p0 =	seq.s32 s10, $0x1;
	s10 =	sld [smem:$0x3FB9];
	_ =	sdelay $0x3  }
0x34: {  	[smem:$0x3FB9] =	sst s10  }
0x35: {  	s10 =	sld [smem:$0x3FB8];
	_ =	sdelay $0x3  }
0x36: {  	p1 =	seq.s32 s10, $0x1;
	s10 =	sld [smem:$0x3FB9];
	_ =	sdelay $0x3  }
0x37: {  	[smem:$0x3FB9] =	sst s10  }
0x38: {  	s10 =	sld [smem:$0x3FBA]  }
0x39: {  	_ = 	snop;
	(pc) =	sbr.ind lr, $3  }
0x3a: {  	_ = 	snop  }
0x3b: {  	_ = 	snop  }
0x3c: {  	p2 =	seq.s32 s10, $0x1;
	s10 =	sld [smem:$0x3FB9]  }
0x3d: {  	_ =	shalt  }
0x3e: {  	_ =	shalt  }
0x3f: {  	_ =	shalt  }
0x40: {  	_ =	shalt  }
0x41: {  	_ =	shalt  }
0x42: {  	_ =	shalt  }
0x43: {  	_ =	shalt  }
0x44: {  	_ =	shalt  }
0x45: {  	_ =	shalt  }
0x46: {  	_ =	shalt  }
0x47: {  	_ =	shalt  }
0x48: {  	_ =	shalt  }
0x49: {  	_ =	shalt  }
0x4a: {  	_ =	shalt  }
0x4b: {  	_ =	shalt  }
0x4c: {  	_ =	shalt  }
0x4d: {  	_ =	shalt  }
0x4e: {  	_ =	shalt  }
0x4f: {  	_ =	shalt  }
0x50: {  	_ =	shalt  }
0x51: {  	_ =	shalt  }
0x52: {  	_ =	shalt  }
0x53: {  	_ =	shalt  }
0x54: {  	_ =	shalt  }
0x55: {  	_ =	shalt  }
0x56: {  	_ =	shalt  }
0x57: {  	_ =	shalt  }
0x58: {  	_ =	shalt  }
0x59: {  	_ =	shalt  }
0x5a: {  	_ =	shalt  }
0x5b: {  	_ =	shalt  }
0x5c: {  	_ =	shalt  }
0x5d: {  	_ =	shalt  }
0x5e: {  	_ =	shalt  }
0x5f: {  	_ =	shalt  }
0x60: {  	_ =	shalt  }
0x61: {  	_ =	shalt  }
0x62: {  	_ =	shalt  }
0x63: {  	_ =	shalt  }
0x64: {  	_ =	shalt  }
0x65: {  	_ =	shalt  }
0x66: {  	_ =	shalt  }
0x67: {  	_ =	shalt  }
0x68: {  	_ =	shalt  }
0x69: {  	_ =	shalt  }
0x6a: {  	_ =	shalt  }
0x6b: {  	_ =	shalt  }
0x6c: {  	_ =	shalt  }
0x6d: {  	_ =	shalt  }
0x6e: {  	_ =	shalt  }
0x6f: {  	_ =	shalt  }
0x70: {  	_ =	shalt  }
0x71: {  	_ =	shalt  }
0x72: {  	_ =	shalt  }
0x73: {  	_ =	shalt  }
0x74: {  	_ =	shalt  }
0x75: {  	_ =	shalt  }
0x76: {  	_ =	shalt  }
0x77: {  	_ =	shalt  }
0x78: {  	_ =	shalt  }
0x79: {  	_ =	shalt  }
0x7a: {  	_ =	shalt  }
0x7b: {  	_ =	shalt  }
0x7c: {  	_ =	shalt  }
0x7d: {  	_ =	shalt  }
0x7e: {  	_ =	shalt  }
0x7f: {  	_ =	shalt  }
0x80: {  	_ =	shalt  }
0x81: {  	_ =	shalt  }
0x82: {  	_ =	shalt  }
0x83: {  	_ =	shalt  }
0x84: {  	_ =	shalt  }
0x85: {  	_ =	shalt  }
0x86: {  	_ =	shalt  }
0x87: {  	_ =	shalt  }
.Lfunc_end0:
.L_simem_size_0:
called_computation_lowered:
.L_overlay_start_0:
0x88: {  	s2 =	sld [smem:$0x3FD9]  }
0x89: {  	s3 =	sld [smem:$0x3FFE];
	_ =	sdelay $0x1  }
0x8a: {  	s1 =	srdreg.scid  }
0x8b: {  	s0 =	sand.u32 $0x1, s1  }
0x8c: {  	s17 =	sshll.u32 s0, $0xA;
	s2 =	sadd.s32 s3, s2  }
0x8d: {  	s2 =	sadd.s32 s2, s17  }
0x8e: {  	[smem:$0x3FC5] =	sst s2  }
0x8f: {  	_ = 	snop  }
0x90: {  	s2 =	sld [smem:$0x3FC9]  }
0x91: {  	s18 =	sld [smem:$0x3FC7]  }
0x92: {  	s4 =	sld [smem:$0x3FD0];
	(tm) =	ssettm $0x1  }
0x93: {  	s5 =	sld [smem:$0x3FFB];
	_ =	sdelay $0x3  }
0x94: {  	_ =	strace s5  }
0x95: {  	s5 =	sld [smem:$0x3FFC];
	_ =	sdelay $0x3  }
0x96: {  	_ =	strace s5  }
0x97: {  	s5 =	sld [smem:$0x3FFD];
	_ =	sdelay $0x3  }
0x98: {  	_ =	strace s5  }
0x99: {  	_ =	strace $0x8FFFFFFF  }
0x9a: {  	s19 =	sld [smem:$0x3FDB];
	_ =	sdelay $0x1  }
0x9b: {  	s6 =	simm.s32 $_scs_section_size  }
0x9c: {  	s7 =	simm.s32 $_size__tile_overlayer_lowered;
	s8 =	simm.s32 $_tile_overlayer_lowered  }
0x9d: {  	s22 =	simm.s32 $0x1BFF;
	s21 =	sshll.u32 s8, $0x1;
	s5 =	sadd.s32 s6, s19  }
0x9e: {  	s9 =	simm.s32 $0x0;
	s20 =	sshll.u32 s7, $0x1;
	s7 =	sadd.s32 s21, s5  }
0x9f: {  	[timem:s9], [sflag:s22] =	dma.local [hbm:s7], s20  }
0xa0: {  	_ =	swait.ge [sflag:s22], s20  }
0xa1: {  	s6 =	ssub.s32 $0x0, s20;
	[sflag:s22] =	ssyncset.done $0x0  }
0xa2: {  	[sflag:s22] =	ssyncadd.s32 s6;
	_ =	sdelay $0x1  }
0xa3: {  	s23 =	simm.s32 $0x1B8B  }
0xa4: {  	_ =	swait.ge [sflag:s23], $0x1  }
0xa5: {  	[sflag:s23] =	ssyncset.done $0x0  }
0xa6: {  	s25 =	simm.s32 $0x1B8E;
	s24 =	sld [smem:$0x3FFE];
	[sflag:s23] =	ssyncadd.s32 $0xFFFFFFFF  }
0xa7: {  	s26 =	simm.s32 $execute0_lowered;
	[smem:$0x3FD2] =	sst s25  }
0xa8: {  	s7 =	sshll.u32 s26, $0x1;
	_ =	strace $0x80000046;
	[dreg:$0x1] =	wrdreg $0xFFFFFFFF  }
0xa9: {  	s28 =	simm.s32 $_size_execute0_lowered;
	s5 =	sadd.s32 s5, s7;
	[dreg:$0x0] =	wrdreg $0x0  }
0xaa: {  	s7 =	sshll.u32 s28, $0x1;
	[dreg:$0x2] =	wrdreg s5  }
0xab: {  	[dreg:$0x3] =	wrdreg s7  }
0xac: {  	[dreg:$0x4] =	wrdreg $0xC0  }
0xad: {  	_ =	task [dreg:s9], $0x5FFFF  }
0xae: {  	[dreg:$0x1] =	wrdreg $0xFFFFFFFF  }
0xaf: {  	[dreg:$0x0] =	wrdreg $0x60  }
0xb0: {  	[dreg:$0x2] =	wrdreg s2  }
0xb1: {  	[dreg:$0x3] =	wrdreg s24  }
0xb2: {  	[dreg:$0x4] =	wrdreg s18  }
0xb3: {  	[dreg:$0x5] =	wrdreg s4  }
0xb4: {  	[dreg:$0x6] =	wrdreg $0x9  }
0xb5: {  	_ =	task.clear_ibuf [dreg:s9], $0x7FFFF;
	_ =	strace $0x90000046  }
0xb6: {  	s29 =	simm.s32 $0x9;
	_ =	strace $0x80000048  }
0xb7: {  	_ =	swait.ge [sflag:s29], $0x1  }
0xb8: {  	[sflag:s29] =	ssyncadd.s32 $0xFFFFFFFF  }
0xb9: {  	_ =	strace $0x90000048  }
0xba: {  	_ =	sfence  }
0xbb: {  	s30 =	sld [smem:$0x0];
	_ =	sdelay $0x2  }
0xbc: {  	s31 =	sshll.u32 s1, $0xD;
	s1 =	sshrl.u32 s1, $0x2  }
0xbd: {  	s3 =	sand.u32 $0x4000, s31;
	s1 =	sadd.s32 s1, s30  }
0xbe: {  	s0 =	sor.u32 s3, s0;
	s1 =	sshll.u32 s1, $0x11  }
0xbf: {  	s0 =	sor.u32 s1, s0  }
0xc0: {  	s0 =	sadd.s32 $0x8F2B, s0  }
0xc1: {  	[sflag:s0] =	ssyncadd.remote.s32 $0x1  }
0xc2: {  	_ =	sfence.sel $0xFFFF  }
0xc3: {  	[dreg:$0x0] =	wrdreg $0xFFFFFFFF;
	(pc) =	sbr.abs _section_cstart, $3  }
0xc4: {  	[dreg:$0x1] =	wrdreg $0xFFFFFFFF  }
0xc5: {  	_ =	task.clear_ibuf [dreg:s9], $0x2FFFF;
	_ =	strace $0x9FFFFFFF  }
0xc6: {  	(tm) =	ssettm $0x7FFFFFFF  }
0xc7: {  	_ =	shalt  }
tec
execute0_lowered:
.L_overlay_start_1:
0x0: {  	(tag) =	ssettag $0x1  }
0x1: {  	s9 =	rddreg [dreg:$0x0]  }
0x2: {  	s0 =	rddreg [dreg:$0x1];
	s1 =	srdreg.scid  }
0x3: {  	s3 =	rddreg [dreg:$0x2];
	s10 =	stileid.u32  }
0x4: {  	s2 =	rddreg [dreg:$0x3];
	s4 =	simm.s32 $0x0;
	s11 =	simm.s32 $0x3  }
0x5: {  	s31 =	simm.s32 $0x1600;
	s16 =	simm.s32 $0x5600;
	s29 =	simm.s32 $0x6E00  }
0x6: {  	s30 =	simm.s32 $0x7600;
	s28 =	simm.s32 $0x8600;
	s12 =	simm.s32 $0x9600  }
0x7: {  	s14 =	simm.s32 $0x14600;
	s15 =	simm.s32 $0x14E00;
	s13 =	simm.s32 $0x16E00  }
0x8: {  	s1 =	sand.u32 $0x1, s1;
	s5 =	sshll.u32 s10, $0x6;
	[smem:$0x7FF] =	sst s4  }
0x9: {  	s0 =	sadd.s32 $0x400, s0;
	s21 =	smul.u32 $0x640, s10;
	s10 =	sshll.u32 s10, $0xD  }
0xa: {  	s6 =	sshll.u32 s1, $0x5;
	s17 =	ssub.s32 $0x2, s1;
	_ =	strace $0x80000047  }
0xb: {  	s23 =	smul.u32 $0x320, s1;
	s1 =	sshll.u32 s1, $0xC;
	s5 =	sor.u32 s6, s5  }
0xc: {  	s8 =	sshrl.u32 s17, $0x1;
	s2 =	sadd.s32 s21, s2;
	s25 =	sor.u32 s1, s10  }
0xd: {  	s21 =	simm.s32 $0x2600;
	s7 =	sshrl.u32 s5, $0x3;
	s6 =	ssub.s32 s17, s8  }
0xe: {  	s18 =	sshll.u32 s5, $0x7;
	s8 =	sadd.s32 $0x200, s3;
	s20 =	sor.u32 $0x4, s5  }
0xf: {  	s26 =	sadd.s32 s23, s2;
	[dreg:$0xa] =	wrdreg s25;
	s23 =	simm.s32 $0x4E00  }
0x10: {  	s2 =	simm.s32 $0x6600;
	s5 =	simm.s32 $0x8E00;
	s17 =	simm.s32 $0x15E00  }
0x11: {  	s7 =	smul.u32 $0x300, s7;
	s19 =	sadd.s32 s0, s18;
	s6 =	smax.u32 s6, $0x1  }
0x12: {  	[dreg:$0x7] =	wrdreg s20;
	s22 =	sshll.u32 s20, $0x7;
	s1 =	sadd.s32 $0x32, s26  }
0x13: {  	s18 =	simm.s32 $0x1E00;
	s20 =	simm.s32 $0x3600;
	[dreg:$0x6] =	wrdreg s19  }
0x14: {  	s26 =	simm.s32 $0x5E00;
	[dreg:$0x8] =	wrdreg s6;
	s24 =	sadd.s32 s22, s0  }
.Ltmp0:
0x15: {  	[dreg:$0xb] =	wrdreg s1;
	s0 =	sadd.s32 s0, s25;
	(pc) =	sbr.rel .LBB2_1-.Ltmp0, $4  }
0x16: {  	s19 =	simm.s32 $0xE00;
	s22 =	simm.s32 $0x2E00;
	s25 =	simm.s32 $0x16600  }
0x17: {  	v2 =	vlaneseq.u32;
	s1 =	simm.s32 $0x0;
	s7 =	sadd.s32 s9, s7;
	[dreg:$0x9] =	wrdreg s24  }
0x18: {  	vm0 =	vmmov $0xffff;
	v1 =	vshrl.u32 v2, $0x3;
	[dreg:$0xc] =	wrdreg s0;
	s24 =	simm.s32 $0x3E00;
	s9 =	simm.s32 $0x4600  }
0x19: {  	v0 =	vand.u32 $0x7, v2;
	v2 =	vor.u32 $0x8, v2;
	v1 =	vmul.u32 $0x8, v1;
	s0 =	simm.s32 $0x15600;
	[dreg:$0x5] =	wrdreg s7;
	s7 =	sadd.s32 $0x100, s3  }
.LBB2_6:
0x1a: {  	s1 =	rddreg [dreg:$0xd]  }
0x1b: {  	s6 =	rddreg [dreg:$0x8];
	s1 =	sadd.s32 $0x1, s1  }
0x1c: {  	p0 =	sne.s32 s1, s6  }
.Ltmp1:
0x1d: {  	_ = 	snop;
	(pc) =	sbr.rel @!p0 .LBB2_7-.Ltmp1, $4  }
0x1e: {  	_ = 	snop  }
0x1f: {  	s11 =	simm.s32 $0x3  }
0x20: {  	s2 =	simm.s32 $0x6600;
	s29 =	simm.s32 $0x6E00;
	s30 =	simm.s32 $0x7600  }
0x21: {  	s28 =	simm.s32 $0x8600;
	s5 =	simm.s32 $0x8E00;
	s12 =	simm.s32 $0x9600  }
.LBB2_1:
0x22: {  	[dreg:$0xd] =	wrdreg s1  }
0x23: {  	s6 =	rddreg [dreg:$0x5];
	s1 =	simm.s32 $0x80;
	s10 =	simm.s32 $0x400  }
0x24: {  	[tilespmem:s4], [sflag:$0x1] =	stream.strided.gather [hbm4b:s6+s1], $0x300, s10, s1, $0x38;
	[tilespmem:$0x1EF00] =	vst v63  }
0x25: {  	s1 =	rddreg [dreg:$0x6];
	s10 =	simm.s32 $0x600  }
0x26: {  	[tilespmem:s10], [sflag:$0x3] =	stream.linear.gather [hbm4b:s1+s4], $0x280, $0x38;
	[tilespmem:$0x1EF00] =	vst v63  }
0x27: {  	_ =	swait.ge [sflag:s11], $0x280  }
0x28: {  	[sflag:s11] =	ssyncset.done $0x0  }
0x29: {  	[sflag:s11] =	ssyncadd.s32 $0xFFFFFD80  }
0x2a: {  	v3 =	vld [tilespmem:$0x600];
	_ =	sdelay $0x4  }
0x2b: {  	v4 =	vshrl.u32 v3, $0x3  }
0x2c: {  	v4 =	vmul.u32 $0x30, v4  }
0x2d: {  	v3 =	vand.u32 $0x7, v3  }
0x2e: {  	v3 =	vor.u32 v3, v4  }
0x2f: {  	v4 =	vperm.xlane v3, v0;
	_ =	sdelay $0x1  }
0x30: {  	v4 =	vadd.s32 v1, v4;
	_ =	sdelay $0x3  }
0x31: {  	v3 =	vperm.xlane v3, v2  }
0x32: {  	[tilespmem:s19], [sflag:$0x5] =	stream.indirect_vreg.gather [hbm4b:s3+s4], $0x80, v4, vm0, $0xb8;
	[tilespmem:$0x1EF00] =	vst v63  }
0x33: {  	v3 =	vadd.s32 v1, v3  }
0x34: {  	[tilespmem:s31], [sflag:$0x5] =	stream.indirect_vreg.gather [hbm4b:s7+s4], $0x80, v4, vm0, $0xb8;
	[tilespmem:$0x1EF00] =	vst v63  }
0x35: {  	_ = 	snop  }
0x36: {  	[tilespmem:s18], [sflag:$0x5] =	stream.indirect_vreg.gather [hbm4b:s8+s4], $0x80, v4, vm0, $0xb8;
	[tilespmem:$0x1EF00] =	vst v63  }
0x37: {  	_ = 	snop  }
0x38: {  	[tilespmem:s21], [sflag:$0x5] =	stream.indirect_vreg.gather [hbm4b:s3+s4], $0x80, v3, vm0, $0xb8;
	[tilespmem:$0x1EF00] =	vst v63  }
0x39: {  	_ = 	snop  }
0x3a: {  	[tilespmem:s22], [sflag:$0x5] =	stream.indirect_vreg.gather [hbm4b:s7+s4], $0x80, v3, vm0, $0xb8;
	[tilespmem:$0x1EF00] =	vst v63  }
0x3b: {  	_ = 	snop  }
0x3c: {  	[tilespmem:s20], [sflag:$0x5] =	stream.indirect_vreg.gather [hbm4b:s8+s4], $0x80, v3, vm0, $0xb8;
	[tilespmem:$0x1EF00] =	vst v63  }
0x3d: {  	v3 =	vld [tilespmem:$0x610];
	_ =	sdelay $0x4  }
0x3e: {  	v56 =	vshrl.u32 v3, $0x3  }
0x3f: {  	v4 =	vmul.u32 $0x30, v56  }
0x40: {  	v3 =	vand.u32 $0x7, v3  }
0x41: {  	v3 =	vor.u32 v3, v4  }
0x42: {  	v4 =	vperm.xlane v3, v0;
	_ =	sdelay $0x1  }
0x43: {  	v4 =	vadd.s32 v1, v4;
	_ =	sdelay $0x3  }
0x44: {  	v3 =	vperm.xlane v3, v2  }
0x45: {  	[tilespmem:s24], [sflag:$0x5] =	stream.indirect_vreg.gather [hbm4b:s3+s4], $0x80, v4, vm0, $0xb8;
	[tilespmem:$0x1EF00] =	vst v63  }
0x46: {  	v3 =	vadd.s32 v1, v3  }
0x47: {  	[tilespmem:s9], [sflag:$0x5] =	stream.indirect_vreg.gather [hbm4b:s7+s4], $0x80, v4, vm0, $0xb8;
	[tilespmem:$0x1EF00] =	vst v63  }
0x48: {  	_ = 	snop  }
0x49: {  	[tilespmem:s23], [sflag:$0x5] =	stream.indirect_vreg.gather [hbm4b:s8+s4], $0x80, v4, vm0, $0xb8;
	[tilespmem:$0x1EF00] =	vst v63  }
0x4a: {  	_ = 	snop  }
0x4b: {  	[tilespmem:s16], [sflag:$0x5] =	stream.indirect_vreg.gather [hbm4b:s3+s4], $0x80, v3, vm0, $0xb8;
	[tilespmem:$0x1EF00] =	vst v63  }
0x4c: {  	_ = 	snop  }
0x4d: {  	[tilespmem:s26], [sflag:$0x5] =	stream.indirect_vreg.gather [hbm4b:s7+s4], $0x80, v3, vm0, $0xb8;
	[tilespmem:$0x1EF00] =	vst v63  }
0x4e: {  	_ = 	snop  }
0x4f: {  	[tilespmem:s2], [sflag:$0x5] =	stream.indirect_vreg.gather [hbm4b:s8+s4], $0x80, v3, vm0, $0xb8;
	[tilespmem:$0x1EF00] =	vst v63  }
0x50: {  	v3 =	vld.msk [tilespmem:$0x620], $0xff;
	_ =	sdelay $0x4  }
0x51: {  	v57 =	vshrl.u32 v3, $0x3  }
0x52: {  	v4 =	vmul.u32 $0x30, v57  }
0x53: {  	v3 =	vand.u32 $0x7, v3  }
0x54: {  	v3 =	vor.u32 v3, v4  }
0x55: {  	v3 =	vperm.xlane v3, v0;
	_ =	sdelay $0x1  }
0x56: {  	v3 =	vadd.s32 v1, v3;
	_ =	sdelay $0x4  }
0x57: {  	[tilespmem:s29], [sflag:$0x5] =	stream.indirect_vreg.gather [hbm4b:s3+s4], $0x80, v3, vm0, $0xb8;
	[tilespmem:$0x1EF00] =	vst v63  }
0x58: {  	_ = 	snop  }
0x59: {  	[tilespmem:s30], [sflag:$0x5] =	stream.indirect_vreg.gather [hbm4b:s7+s4], $0x80, v3, vm0, $0xb8;
	[tilespmem:$0x1EF00] =	vst v63  }
0x5a: {  	s6 =	simm.s32 $0x7E00  }
0x5b: {  	[tilespmem:s6], [sflag:$0x5] =	stream.indirect_vreg.gather [hbm4b:s8+s4], $0x80, v3, vm0, $0xb8;
	[tilespmem:$0x1EF00] =	vst v63  }
0x5c: {  	v3 =	vld [tilespmem:$0x680];
	_ =	sdelay $0x4  }
0x5d: {  	v58 =	vshrl.u32 v3, $0x3  }
0x5e: {  	v4 =	vmul.u32 $0x30, v58  }
0x5f: {  	v3 =	vand.u32 $0x7, v3  }
0x60: {  	v3 =	vor.u32 v3, v4  }
0x61: {  	v4 =	vperm.xlane v3, v0;
	_ =	sdelay $0x1  }
0x62: {  	v4 =	vadd.s32 v1, v4;
	_ =	sdelay $0x3  }
0x63: {  	v3 =	vperm.xlane v3, v2  }
0x64: {  	[tilespmem:s28], [sflag:$0x6] =	stream.indirect_vreg.gather [hbm4b:s3+s4], $0x80, v4, vm0, $0xb8;
	[tilespmem:$0x1EF00] =	vst v63  }
0x65: {  	v3 =	vadd.s32 v1, v3  }
0x66: {  	[tilespmem:s5], [sflag:$0x6] =	stream.indirect_vreg.gather [hbm4b:s7+s4], $0x80, v4, vm0, $0xb8;
	[tilespmem:$0x1EF00] =	vst v63  }
0x67: {  	_ = 	snop  }
0x68: {  	[tilespmem:s12], [sflag:$0x6] =	stream.indirect_vreg.gather [hbm4b:s8+s4], $0x80, v4, vm0, $0xb8;
	[tilespmem:$0x1EF00] =	vst v63  }
0x69: {  	s10 =	simm.s32 $0x9E00  }
0x6a: {  	[tilespmem:s10], [sflag:$0x6] =	stream.indirect_vreg.gather [hbm4b:s3+s4], $0x80, v3, vm0, $0xb8;
	[tilespmem:$0x1EF00] =	vst v63  }
0x6b: {  	s11 =	simm.s32 $0xA600  }
0x6c: {  	[tilespmem:s11], [sflag:$0x6] =	stream.indirect_vreg.gather [hbm4b:s7+s4], $0x80, v3, vm0, $0xb8;
	[tilespmem:$0x1EF00] =	vst v63  }
0x6d: {  	s12 =	simm.s32 $0xAE00  }
0x6e: {  	[tilespmem:s12], [sflag:$0x6] =	stream.indirect_vreg.gather [hbm4b:s8+s4], $0x80, v3, vm0, $0xb8;
	[tilespmem:$0x1EF00] =	vst v63  }
0x6f: {  	v3 =	vld [tilespmem:$0x690];
	_ =	sdelay $0x4  }
0x70: {  	v59 =	vshrl.u32 v3, $0x3  }
0x71: {  	v4 =	vmul.u32 $0x30, v59  }
0x72: {  	v3 =	vand.u32 $0x7, v3  }
0x73: {  	v3 =	vor.u32 v3, v4  }
0x74: {  	v4 =	vperm.xlane v3, v0;
	_ =	sdelay $0x1  }
0x75: {  	v4 =	vadd.s32 v1, v4;
	_ =	sdelay $0x3  }
0x76: {  	s29 =	simm.s32 $0xB600;
	v3 =	vperm.xlane v3, v2  }
0x77: {  	[tilespmem:s29], [sflag:$0x6] =	stream.indirect_vreg.gather [hbm4b:s3+s4], $0x80, v4, vm0, $0xb8;
	[tilespmem:$0x1EF00] =	vst v63  }
0x78: {  	s30 =	simm.s32 $0xBE00;
	v3 =	vadd.s32 v1, v3  }
0x79: {  	[tilespmem:s30], [sflag:$0x6] =	stream.indirect_vreg.gather [hbm4b:s7+s4], $0x80, v4, vm0, $0xb8;
	[tilespmem:$0x1EF00] =	vst v63  }
0x7a: {  	s2 =	simm.s32 $0xC600  }
0x7b: {  	[tilespmem:s2], [sflag:$0x6] =	stream.indirect_vreg.gather [hbm4b:s8+s4], $0x80, v4, vm0, $0xb8;
	[tilespmem:$0x1EF00] =	vst v63  }
0x7c: {  	s5 =	simm.s32 $0xCE00  }
0x7d: {  	[tilespmem:s5], [sflag:$0x6] =	stream.indirect_vreg.gather [hbm4b:s3+s4], $0x80, v3, vm0, $0xb8;
	[tilespmem:$0x1EF00] =	vst v63  }
0x7e: {  	s6 =	simm.s32 $0xD600  }
0x7f: {  	[tilespmem:s6], [sflag:$0x6] =	stream.indirect_vreg.gather [hbm4b:s7+s4], $0x80, v3, vm0, $0xb8;
	[tilespmem:$0x1EF00] =	vst v63  }
0x80: {  	s10 =	simm.s32 $0xDE00  }
0x81: {  	[tilespmem:s10], [sflag:$0x6] =	stream.indirect_vreg.gather [hbm4b:s8+s4], $0x80, v3, vm0, $0xb8;
	[tilespmem:$0x1EF00] =	vst v63  }
0x82: {  	v3 =	vld.msk [tilespmem:$0x6A0], $0xff;
	_ =	sdelay $0x4  }
0x83: {  	v60 =	vshrl.u32 v3, $0x3  }
0x84: {  	v4 =	vmul.u32 $0x30, v60  }
0x85: {  	v3 =	vand.u32 $0x7, v3  }
0x86: {  	v3 =	vor.u32 v3, v4  }
0x87: {  	v3 =	vperm.xlane v3, v0;
	_ =	sdelay $0x1  }
0x88: {  	v3 =	vadd.s32 v1, v3;
	_ =	sdelay $0x3  }
0x89: {  	s11 =	simm.s32 $0xE600  }
0x8a: {  	[tilespmem:s11], [sflag:$0x6] =	stream.indirect_vreg.gather [hbm4b:s3+s4], $0x80, v3, vm0, $0xb8;
	[tilespmem:$0x1EF00] =	vst v63  }
0x8b: {  	s12 =	simm.s32 $0xEE00  }
0x8c: {  	[tilespmem:s12], [sflag:$0x6] =	stream.indirect_vreg.gather [hbm4b:s7+s4], $0x80, v3, vm0, $0xb8;
	[tilespmem:$0x1EF00] =	vst v63  }
0x8d: {  	s29 =	simm.s32 $0xF600  }
0x8e: {  	[tilespmem:s29], [sflag:$0x6] =	stream.indirect_vreg.gather [hbm4b:s8+s4], $0x80, v3, vm0, $0xb8;
	[tilespmem:$0x1EF00] =	vst v63  }
0x8f: {  	v3 =	vld [tilespmem:$0x700];
	_ =	sdelay $0x4  }
0x90: {  	v61 =	vshrl.u32 v3, $0x3  }
0x91: {  	v4 =	vmul.u32 $0x30, v61  }
0x92: {  	v3 =	vand.u32 $0x7, v3  }
0x93: {  	v3 =	vor.u32 v3, v4  }
0x94: {  	v4 =	vperm.xlane v3, v0;
	_ =	sdelay $0x1  }
0x95: {  	v4 =	vadd.s32 v1, v4;
	_ =	sdelay $0x3  }
0x96: {  	s30 =	simm.s32 $0xFE00;
	v3 =	vperm.xlane v3, v2  }
0x97: {  	[tilespmem:s30], [sflag:$0x7] =	stream.indirect_vreg.gather [hbm4b:s3+s4], $0x80, v4, vm0, $0xb8;
	[tilespmem:$0x1EF00] =	vst v63  }
0x98: {  	s2 =	simm.s32 $0x10600;
	v3 =	vadd.s32 v1, v3  }
0x99: {  	[tilespmem:s2], [sflag:$0x7] =	stream.indirect_vreg.gather [hbm4b:s7+s4], $0x80, v4, vm0, $0xb8;
	[tilespmem:$0x1EF00] =	vst v63  }
0x9a: {  	s5 =	simm.s32 $0x10E00  }
0x9b: {  	[tilespmem:s5], [sflag:$0x7] =	stream.indirect_vreg.gather [hbm4b:s8+s4], $0x80, v4, vm0, $0xb8;
	[tilespmem:$0x1EF00] =	vst v63  }
0x9c: {  	s6 =	simm.s32 $0x11600  }
0x9d: {  	[tilespmem:s6], [sflag:$0x7] =	stream.indirect_vreg.gather [hbm4b:s3+s4], $0x80, v3, vm0, $0xb8;
	[tilespmem:$0x1EF00] =	vst v63  }
0x9e: {  	s10 =	simm.s32 $0x11E00  }
0x9f: {  	[tilespmem:s10], [sflag:$0x7] =	stream.indirect_vreg.gather [hbm4b:s7+s4], $0x80, v3, vm0, $0xb8;
	[tilespmem:$0x1EF00] =	vst v63  }
0xa0: {  	s11 =	simm.s32 $0x12600  }
0xa1: {  	[tilespmem:s11], [sflag:$0x7] =	stream.indirect_vreg.gather [hbm4b:s8+s4], $0x80, v3, vm0, $0xb8;
	[tilespmem:$0x1EF00] =	vst v63  }
0xa2: {  	v3 =	vld [tilespmem:$0x710];
	_ =	sdelay $0x4  }
0xa3: {  	v62 =	vshrl.u32 v3, $0x3  }
0xa4: {  	v4 =	vmul.u32 $0x30, v62  }
0xa5: {  	v3 =	vand.u32 $0x7, v3  }
0xa6: {  	v3 =	vor.u32 v3, v4  }
0xa7: {  	v4 =	vperm.xlane v3, v0;
	_ =	sdelay $0x1  }
0xa8: {  	v4 =	vadd.s32 v1, v4;
	_ =	sdelay $0x3  }
0xa9: {  	s12 =	simm.s32 $0x12E00;
	v3 =	vperm.xlane v3, v2  }
0xaa: {  	[tilespmem:s12], [sflag:$0x7] =	stream.indirect_vreg.gather [hbm4b:s3+s4], $0x80, v4, vm0, $0xb8;
	[tilespmem:$0x1EF00] =	vst v63  }
0xab: {  	s29 =	simm.s32 $0x13600;
	v3 =	vadd.s32 v1, v3  }
0xac: {  	[tilespmem:s29], [sflag:$0x7] =	stream.indirect_vreg.gather [hbm4b:s7+s4], $0x80, v4, vm0, $0xb8;
	[tilespmem:$0x1EF00] =	vst v63  }
0xad: {  	s30 =	simm.s32 $0x13E00  }
0xae: {  	[tilespmem:s30], [sflag:$0x7] =	stream.indirect_vreg.gather [hbm4b:s8+s4], $0x80, v4, vm0, $0xb8;
	[tilespmem:$0x1EF00] =	vst v63  }
0xaf: {  	_ = 	snop  }
0xb0: {  	[tilespmem:s14], [sflag:$0x7] =	stream.indirect_vreg.gather [hbm4b:s3+s4], $0x80, v3, vm0, $0xb8;
	[tilespmem:$0x1EF00] =	vst v63  }
0xb1: {  	_ = 	snop  }
0xb2: {  	[tilespmem:s15], [sflag:$0x7] =	stream.indirect_vreg.gather [hbm4b:s7+s4], $0x80, v3, vm0, $0xb8;
	[tilespmem:$0x1EF00] =	vst v63  }
0xb3: {  	_ = 	snop  }
0xb4: {  	[tilespmem:s0], [sflag:$0x7] =	stream.indirect_vreg.gather [hbm4b:s8+s4], $0x80, v3, vm0, $0xb8;
	[tilespmem:$0x1EF00] =	vst v63  }
0xb5: {  	v3 =	vld.msk [tilespmem:$0x720], $0xff;
	_ =	sdelay $0x4  }
0xb6: {  	v63 =	vshrl.u32 v3, $0x3  }
0xb7: {  	v4 =	vmul.u32 $0x30, v63  }
0xb8: {  	v3 =	vand.u32 $0x7, v3  }
0xb9: {  	v3 =	vor.u32 v3, v4  }
0xba: {  	v3 =	vperm.xlane v3, v0;
	_ =	sdelay $0x1  }
0xbb: {  	v3 =	vadd.s32 v1, v3;
	_ =	sdelay $0x4  }
0xbc: {  	[tilespmem:s17], [sflag:$0x7] =	stream.indirect_vreg.gather [hbm4b:s3+s4], $0x80, v3, vm0, $0xb8;
	[tilespmem:$0x1EF00] =	vst v63  }
.Ltmp2:
0xbd: {  	_ = 	snop;
	(pc) =	sbr.rel .LBB2_2-.Ltmp2, $4  }
0xbe: {  	s28 =	rddreg [dreg:$0x7]  }
0xbf: {  	[tilespmem:s25], [sflag:$0x7] =	stream.indirect_vreg.gather [hbm4b:s7+s4], $0x80, v3, vm0, $0xb8;
	[tilespmem:$0x1EF00] =	vst v63  }
0xc0: {  	s1 =	simm.s32 $0x1EE00;
	s6 =	rddreg [dreg:$0xb];
	s10 =	simm.s32 $0x0  }
0xc1: {  	[tilespmem:s13], [sflag:$0x7] =	stream.indirect_vreg.gather [hbm4b:s8+s4], $0x80, v3, vm0, $0xb8;
	[tilespmem:$0x1EF00] =	vst v63  }
.LBB2_4:
0xc2: {  	s0 =	simm.s32 $0x3  }
0xc3: {  	_ =	swait.ge [sflag:s0], $0x280  }
0xc4: {  	[sflag:s0] =	ssyncset.done $0x0  }
0xc5: {  	[sflag:s0] =	ssyncadd.s32 $0xFFFFFD80  }
0xc6: {  	v3 =	vld [tilespmem:$0x600];
	_ =	sdelay $0x4  }
0xc7: {  	v4 =	vshrl.u32 v3, $0x3  }
0xc8: {  	v4 =	vmul.u32 $0x30, v4  }
0xc9: {  	v3 =	vand.u32 $0x7, v3  }
0xca: {  	v3 =	vor.u32 v3, v4  }
0xcb: {  	v4 =	vperm.xlane v3, v0;
	_ =	sdelay $0x1  }
0xcc: {  	v4 =	vadd.s32 v1, v4;
	_ =	sdelay $0x3  }
0xcd: {  	s15 =	simm.s32 $0xE00;
	v3 =	vperm.xlane v3, v2  }
0xce: {  	[tilespmem:s15], [sflag:$0x5] =	stream.indirect_vreg.gather [hbm4b:s3+s4], $0x80, v4, vm0, $0xb8;
	[tilespmem:$0x1EF00] =	vst v63  }
0xcf: {  	s16 =	simm.s32 $0x1600;
	v3 =	vadd.s32 v1, v3  }
0xd0: {  	[tilespmem:s16], [sflag:$0x5] =	stream.indirect_vreg.gather [hbm4b:s7+s4], $0x80, v4, vm0, $0xb8;
	[tilespmem:$0x1EF00] =	vst v63  }
0xd1: {  	s18 =	simm.s32 $0x1E00  }
0xd2: {  	[tilespmem:s18], [sflag:$0x5] =	stream.indirect_vreg.gather [hbm4b:s8+s4], $0x80, v4, vm0, $0xb8;
	[tilespmem:$0x1EF00] =	vst v63  }
0xd3: {  	s19 =	simm.s32 $0x2600  }
0xd4: {  	[tilespmem:s19], [sflag:$0x5] =	stream.indirect_vreg.gather [hbm4b:s3+s4], $0x80, v3, vm0, $0xb8;
	[tilespmem:$0x1EF00] =	vst v63  }
0xd5: {  	s21 =	simm.s32 $0x2E00  }
0xd6: {  	[tilespmem:s21], [sflag:$0x5] =	stream.indirect_vreg.gather [hbm4b:s7+s4], $0x80, v3, vm0, $0xb8;
	[tilespmem:$0x1EF00] =	vst v63  }
0xd7: {  	s22 =	simm.s32 $0x3600  }
0xd8: {  	[tilespmem:s22], [sflag:$0x5] =	stream.indirect_vreg.gather [hbm4b:s8+s4], $0x80, v3, vm0, $0xb8;
	[tilespmem:$0x1EF00] =	vst v63  }
0xd9: {  	v3 =	vld [tilespmem:$0x610];
	_ =	sdelay $0x4  }
0xda: {  	v56 =	vshrl.u32 v3, $0x3  }
0xdb: {  	v4 =	vmul.u32 $0x30, v56  }
0xdc: {  	v3 =	vand.u32 $0x7, v3  }
0xdd: {  	v3 =	vor.u32 v3, v4  }
0xde: {  	v4 =	vperm.xlane v3, v0;
	_ =	sdelay $0x1  }
0xdf: {  	v4 =	vadd.s32 v1, v4;
	_ =	sdelay $0x3  }
0xe0: {  	s23 =	simm.s32 $0x3E00;
	v3 =	vperm.xlane v3, v2  }
0xe1: {  	[tilespmem:s23], [sflag:$0x5] =	stream.indirect_vreg.gather [hbm4b:s3+s4], $0x80, v4, vm0, $0xb8;
	[tilespmem:$0x1EF00] =	vst v63  }
0xe2: {  	s24 =	simm.s32 $0x4600;
	v3 =	vadd.s32 v1, v3  }
0xe3: {  	[tilespmem:s24], [sflag:$0x5] =	stream.indirect_vreg.gather [hbm4b:s7+s4], $0x80, v4, vm0, $0xb8;
	[tilespmem:$0x1EF00] =	vst v63  }
0xe4: {  	s26 =	simm.s32 $0x4E00  }
0xe5: {  	[tilespmem:s26], [sflag:$0x5] =	stream.indirect_vreg.gather [hbm4b:s8+s4], $0x80, v4, vm0, $0xb8;
	[tilespmem:$0x1EF00] =	vst v63  }
0xe6: {  	s29 =	simm.s32 $0x5600  }
0xe7: {  	[tilespmem:s29], [sflag:$0x5] =	stream.indirect_vreg.gather [hbm4b:s3+s4], $0x80, v3, vm0, $0xb8;
	[tilespmem:$0x1EF00] =	vst v63  }
0xe8: {  	s1 =	simm.s32 $0x5E00  }
0xe9: {  	[tilespmem:s1], [sflag:$0x5] =	stream.indirect_vreg.gather [hbm4b:s7+s4], $0x80, v3, vm0, $0xb8;
	[tilespmem:$0x1EF00] =	vst v63  }
0xea: {  	s15 =	simm.s32 $0x6600  }
0xeb: {  	[tilespmem:s15], [sflag:$0x5] =	stream.indirect_vreg.gather [hbm4b:s8+s4], $0x80, v3, vm0, $0xb8;
	[tilespmem:$0x1EF00] =	vst v63  }
0xec: {  	v3 =	vld.msk [tilespmem:$0x620], $0xff;
	_ =	sdelay $0x4  }
0xed: {  	v57 =	vshrl.u32 v3, $0x3  }
0xee: {  	v4 =	vmul.u32 $0x30, v57  }
0xef: {  	v3 =	vand.u32 $0x7, v3  }
0xf0: {  	v3 =	vor.u32 v3, v4  }
0xf1: {  	v3 =	vperm.xlane v3, v0;
	_ =	sdelay $0x1  }
0xf2: {  	v3 =	vadd.s32 v1, v3;
	_ =	sdelay $0x3  }
0xf3: {  	s1 =	simm.s32 $0x6E00  }
0xf4: {  	[tilespmem:s1], [sflag:$0x5] =	stream.indirect_vreg.gather [hbm4b:s3+s4], $0x80, v3, vm0, $0xb8;
	[tilespmem:$0x1EF00] =	vst v63  }
0xf5: {  	s16 =	simm.s32 $0x7600  }
0xf6: {  	[tilespmem:s16], [sflag:$0x5] =	stream.indirect_vreg.gather [hbm4b:s7+s4], $0x80, v3, vm0, $0xb8;
	[tilespmem:$0x1EF00] =	vst v63  }
0xf7: {  	s18 =	simm.s32 $0x7E00  }
0xf8: {  	[tilespmem:s18], [sflag:$0x5] =	stream.indirect_vreg.gather [hbm4b:s8+s4], $0x80, v3, vm0, $0xb8;
	[tilespmem:$0x1EF00] =	vst v63  }
0xf9: {  	_ =	swait.ge [sflag:s5], $0x7800  }
0xfa: {  	[sflag:s5] =	ssyncset.done $0x0  }
0xfb: {  	[sflag:s5] =	ssyncadd.s32 $0xFFFF8800  }
0xfc: {  	v3 =	vld [tilespmem:$0x680];
	_ =	sdelay $0x4  }
0xfd: {  	v58 =	vshrl.u32 v3, $0x3  }
0xfe: {  	v4 =	vmul.u32 $0x30, v58  }
0xff: {  	v3 =	vand.u32 $0x7, v3  }
0x100: {  	v3 =	vor.u32 v3, v4  }
0x101: {  	v4 =	vperm.xlane v3, v0;
	_ =	sdelay $0x1  }
0x102: {  	v4 =	vadd.s32 v1, v4;
	_ =	sdelay $0x3  }
0x103: {  	s19 =	simm.s32 $0x8600;
	v3 =	vperm.xlane v3, v2  }
0x104: {  	[tilespmem:s19], [sflag:$0x6] =	stream.indirect_vreg.gather [hbm4b:s3+s4], $0x80, v4, vm0, $0xb8;
	[tilespmem:$0x1EF00] =	vst v63  }
0x105: {  	s21 =	simm.s32 $0x8E00;
	v3 =	vadd.s32 v1, v3  }
0x106: {  	[tilespmem:s21], [sflag:$0x6] =	stream.indirect_vreg.gather [hbm4b:s7+s4], $0x80, v4, vm0, $0xb8;
	[tilespmem:$0x1EF00] =	vst v63  }
0x107: {  	s22 =	simm.s32 $0x9600  }
0x108: {  	[tilespmem:s22], [sflag:$0x6] =	stream.indirect_vreg.gather [hbm4b:s8+s4], $0x80, v4, vm0, $0xb8;
	[tilespmem:$0x1EF00] =	vst v63  }
0x109: {  	s23 =	simm.s32 $0x9E00  }
0x10a: {  	[tilespmem:s23], [sflag:$0x6] =	stream.indirect_vreg.gather [hbm4b:s3+s4], $0x80, v3, vm0, $0xb8;
	[tilespmem:$0x1EF00] =	vst v63  }
0x10b: {  	s24 =	simm.s32 $0xA600  }
0x10c: {  	[tilespmem:s24], [sflag:$0x6] =	stream.indirect_vreg.gather [hbm4b:s7+s4], $0x80, v3, vm0, $0xb8;
	[tilespmem:$0x1EF00] =	vst v63  }
0x10d: {  	_ = 	snop  }
0x10e: {  	[tilespmem:s20], [sflag:$0x6] =	stream.indirect_vreg.gather [hbm4b:s8+s4], $0x80, v3, vm0, $0xb8;
	[tilespmem:$0x1EF00] =	vst v63  }
0x10f: {  	v3 =	vld [tilespmem:$0x690];
	_ =	sdelay $0x4  }
0x110: {  	v59 =	vshrl.u32 v3, $0x3  }
0x111: {  	v4 =	vmul.u32 $0x30, v59  }
0x112: {  	v3 =	vand.u32 $0x7, v3  }
0x113: {  	v3 =	vor.u32 v3, v4  }
0x114: {  	v4 =	vperm.xlane v3, v0;
	_ =	sdelay $0x1  }
0x115: {  	v4 =	vadd.s32 v1, v4;
	_ =	sdelay $0x3  }
0x116: {  	s26 =	simm.s32 $0xB600;
	v3 =	vperm.xlane v3, v2  }
0x117: {  	[tilespmem:s26], [sflag:$0x6] =	stream.indirect_vreg.gather [hbm4b:s3+s4], $0x80, v4, vm0, $0xb8;
	[tilespmem:$0x1EF00] =	vst v63  }
0x118: {  	s29 =	simm.s32 $0xBE00;
	v3 =	vadd.s32 v1, v3  }
0x119: {  	[tilespmem:s29], [sflag:$0x6] =	stream.indirect_vreg.gather [hbm4b:s7+s4], $0x80, v4, vm0, $0xb8;
	[tilespmem:$0x1EF00] =	vst v63  }
0x11a: {  	s1 =	simm.s32 $0xC600  }
0x11b: {  	[tilespmem:s1], [sflag:$0x6] =	stream.indirect_vreg.gather [hbm4b:s8+s4], $0x80, v4, vm0, $0xb8;
	[tilespmem:$0x1EF00] =	vst v63  }
0x11c: {  	s5 =	simm.s32 $0xCE00  }
0x11d: {  	[tilespmem:s5], [sflag:$0x6] =	stream.indirect_vreg.gather [hbm4b:s3+s4], $0x80, v3, vm0, $0xb8;
	[tilespmem:$0x1EF00] =	vst v63  }
0x11e: {  	s15 =	simm.s32 $0xD600  }
0x11f: {  	[tilespmem:s15], [sflag:$0x6] =	stream.indirect_vreg.gather [hbm4b:s7+s4], $0x80, v3, vm0, $0xb8;
	[tilespmem:$0x1EF00] =	vst v63  }
0x120: {  	s16 =	simm.s32 $0xDE00  }
0x121: {  	[tilespmem:s16], [sflag:$0x6] =	stream.indirect_vreg.gather [hbm4b:s8+s4], $0x80, v3, vm0, $0xb8;
	[tilespmem:$0x1EF00] =	vst v63  }
0x122: {  	v3 =	vld.msk [tilespmem:$0x6A0], $0xff;
	_ =	sdelay $0x4  }
0x123: {  	v60 =	vshrl.u32 v3, $0x3  }
0x124: {  	v4 =	vmul.u32 $0x30, v60  }
0x125: {  	v3 =	vand.u32 $0x7, v3  }
0x126: {  	v3 =	vor.u32 v3, v4  }
0x127: {  	v3 =	vperm.xlane v3, v0;
	_ =	sdelay $0x1  }
0x128: {  	v3 =	vadd.s32 v1, v3;
	_ =	sdelay $0x3  }
0x129: {  	s18 =	simm.s32 $0xE600  }
0x12a: {  	[tilespmem:s18], [sflag:$0x6] =	stream.indirect_vreg.gather [hbm4b:s3+s4], $0x80, v3, vm0, $0xb8;
	[tilespmem:$0x1EF00] =	vst v63  }
0x12b: {  	s19 =	simm.s32 $0xEE00  }
0x12c: {  	[tilespmem:s19], [sflag:$0x6] =	stream.indirect_vreg.gather [hbm4b:s7+s4], $0x80, v3, vm0, $0xb8;
	[tilespmem:$0x1EF00] =	vst v63  }
0x12d: {  	s20 =	simm.s32 $0xF600  }
0x12e: {  	[tilespmem:s20], [sflag:$0x6] =	stream.indirect_vreg.gather [hbm4b:s8+s4], $0x80, v3, vm0, $0xb8;
	[tilespmem:$0x1EF00] =	vst v63  }
0x12f: {  	_ =	swait.ge [sflag:s31], $0x7800  }
0x130: {  	[sflag:s31] =	ssyncset.done $0x0  }
0x131: {  	[sflag:s31] =	ssyncadd.s32 $0xFFFF8800  }
0x132: {  	v3 =	vld [tilespmem:$0x700];
	_ =	sdelay $0x4  }
0x133: {  	v61 =	vshrl.u32 v3, $0x3  }
0x134: {  	v4 =	vmul.u32 $0x30, v61  }
0x135: {  	v3 =	vand.u32 $0x7, v3  }
0x136: {  	v3 =	vor.u32 v3, v4  }
0x137: {  	v4 =	vperm.xlane v3, v0;
	_ =	sdelay $0x1  }
0x138: {  	v4 =	vadd.s32 v1, v4;
	_ =	sdelay $0x3  }
0x139: {  	v3 =	vperm.xlane v3, v2  }
0x13a: {  	[tilespmem:s11], [sflag:$0x7] =	stream.indirect_vreg.gather [hbm4b:s3+s4], $0x80, v4, vm0, $0xb8;
	[tilespmem:$0x1EF00] =	vst v63  }
0x13b: {  	v3 =	vadd.s32 v1, v3  }
0x13c: {  	[tilespmem:s9], [sflag:$0x7] =	stream.indirect_vreg.gather [hbm4b:s7+s4], $0x80, v4, vm0, $0xb8;
	[tilespmem:$0x1EF00] =	vst v63  }
0x13d: {  	_ = 	snop  }
0x13e: {  	[tilespmem:s25], [sflag:$0x7] =	stream.indirect_vreg.gather [hbm4b:s8+s4], $0x80, v4, vm0, $0xb8;
	[tilespmem:$0x1EF00] =	vst v63  }
0x13f: {  	_ = 	snop  }
0x140: {  	[tilespmem:s13], [sflag:$0x7] =	stream.indirect_vreg.gather [hbm4b:s3+s4], $0x80, v3, vm0, $0xb8;
	[tilespmem:$0x1EF00] =	vst v63  }
0x141: {  	_ = 	snop  }
0x142: {  	[tilespmem:s14], [sflag:$0x7] =	stream.indirect_vreg.gather [hbm4b:s7+s4], $0x80, v3, vm0, $0xb8;
	[tilespmem:$0x1EF00] =	vst v63  }
0x143: {  	_ = 	snop  }
0x144: {  	[tilespmem:s17], [sflag:$0x7] =	stream.indirect_vreg.gather [hbm4b:s8+s4], $0x80, v3, vm0, $0xb8;
	[tilespmem:$0x1EF00] =	vst v63  }
0x145: {  	v3 =	vld [tilespmem:$0x710];
	_ =	sdelay $0x4  }
0x146: {  	v62 =	vshrl.u32 v3, $0x3  }
0x147: {  	v4 =	vmul.u32 $0x30, v62  }
0x148: {  	v3 =	vand.u32 $0x7, v3  }
0x149: {  	v3 =	vor.u32 v3, v4  }
0x14a: {  	v4 =	vperm.xlane v3, v0;
	_ =	sdelay $0x1  }
0x14b: {  	v4 =	vadd.s32 v1, v4;
	_ =	sdelay $0x3  }
0x14c: {  	v3 =	vperm.xlane v3, v2  }
0x14d: {  	[tilespmem:s30], [sflag:$0x7] =	stream.indirect_vreg.gather [hbm4b:s3+s4], $0x80, v4, vm0, $0xb8;
	[tilespmem:$0x1EF00] =	vst v63  }
0x14e: {  	s21 =	simm.s32 $0x13600;
	v3 =	vadd.s32 v1, v3  }
0x14f: {  	[tilespmem:s21], [sflag:$0x7] =	stream.indirect_vreg.gather [hbm4b:s7+s4], $0x80, v4, vm0, $0xb8;
	[tilespmem:$0x1EF00] =	vst v63  }
0x150: {  	s22 =	simm.s32 $0x13E00  }
0x151: {  	[tilespmem:s22], [sflag:$0x7] =	stream.indirect_vreg.gather [hbm4b:s8+s4], $0x80, v4, vm0, $0xb8;
	[tilespmem:$0x1EF00] =	vst v63  }
0x152: {  	s23 =	simm.s32 $0x14600  }
0x153: {  	[tilespmem:s23], [sflag:$0x7] =	stream.indirect_vreg.gather [hbm4b:s3+s4], $0x80, v3, vm0, $0xb8;
	[tilespmem:$0x1EF00] =	vst v63  }
0x154: {  	s24 =	simm.s32 $0x14E00  }
0x155: {  	[tilespmem:s24], [sflag:$0x7] =	stream.indirect_vreg.gather [hbm4b:s7+s4], $0x80, v3, vm0, $0xb8;
	[tilespmem:$0x1EF00] =	vst v63  }
0x156: {  	s25 =	simm.s32 $0x15600  }
0x157: {  	[tilespmem:s25], [sflag:$0x7] =	stream.indirect_vreg.gather [hbm4b:s8+s4], $0x80, v3, vm0, $0xb8;
	[tilespmem:$0x1EF00] =	vst v63  }
0x158: {  	v3 =	vld.msk [tilespmem:$0x720], $0xff;
	_ =	sdelay $0x4  }
0x159: {  	v63 =	vshrl.u32 v3, $0x3  }
0x15a: {  	v4 =	vmul.u32 $0x30, v63  }
0x15b: {  	v3 =	vand.u32 $0x7, v3  }
0x15c: {  	v3 =	vor.u32 v3, v4  }
0x15d: {  	v3 =	vperm.xlane v3, v0;
	_ =	sdelay $0x1  }
0x15e: {  	s0 =	simm.s32 $0x15600;
	s26 =	simm.s32 $0x15E00;
	v3 =	vadd.s32 v1, v3  }
0x15f: {  	s29 =	simm.s32 $0x16600;
	s15 =	simm.s32 $0x14E00;
	s16 =	simm.s32 $0x5600  }
0x160: {  	s18 =	simm.s32 $0x1E00;
	s19 =	simm.s32 $0xE00;
	s20 =	simm.s32 $0x3600  }
0x161: {  	s31 =	simm.s32 $0x1600;
	s9 =	simm.s32 $0x4600;
	s13 =	simm.s32 $0x16E00  }
0x162: {  	s14 =	simm.s32 $0x14600;
	s17 =	simm.s32 $0x15E00;
	s30 =	simm.s32 $0x16E00  }
0x163: {  	[tilespmem:s26], [sflag:$0x7] =	stream.indirect_vreg.gather [hbm4b:s3+s4], $0x80, v3, vm0, $0xb8;
	[tilespmem:$0x1EF00] =	vst v63  }
0x164: {  	s21 =	simm.s32 $0x2600;
	s22 =	simm.s32 $0x2E00;
	s23 =	simm.s32 $0x4E00  }
0x165: {  	[tilespmem:s29], [sflag:$0x7] =	stream.indirect_vreg.gather [hbm4b:s7+s4], $0x80, v3, vm0, $0xb8;
	[tilespmem:$0x1EF00] =	vst v63  }
0x166: {  	s24 =	simm.s32 $0x3E00;
	s25 =	simm.s32 $0x16600;
	s26 =	simm.s32 $0x5E00  }
0x167: {  	[tilespmem:s30], [sflag:$0x7] =	stream.indirect_vreg.gather [hbm4b:s8+s4], $0x80, v3, vm0, $0xb8;
	[tilespmem:$0x1EF00] =	vst v63  }
.LBB2_5:
0x168: {  	_ =	swait.ge [sflag:s2], $0x7800;
	s10 =	sadd.s32 $0x200, s10  }
0x169: {  	s11 =	sadd.s32 $0x19, s6;
	[sflag:s2] =	ssyncset.done $0x0;
	p0 =	sne.s32 s10, $0x1000  }
.Ltmp3:
0x16a: {  	s1 =	simm.s32 $0x1EE00;
	[sflag:s2] =	ssyncadd.s32 $0xFFFF8800;
	(pc) =	sbr.rel @!p0 .LBB2_6-.Ltmp3, $4  }
0x16b: {  	[hbm4b:s11+s4] =	stream.linear.scatter [tilespmem:s1], [sflag:$0x9], $0xC8, $0x38;
	[tilespmem:$0x1EF00] =	vst v63  }
0x16c: {  	_ =	swait.ge [sflag:s12], $0xC8  }
0x16d: {  	[sflag:s12] =	ssyncset.done $0x0  }
0x16e: {  	s28 =	sadd.s32 $0x4, s28;
	s6 =	sadd.s32 $0x64, s6;
	[sflag:s12] =	ssyncadd.s32 $0xFFFFFF38  }
.LBB2_2:
0x16f: {  	s11 =	sadd.s32 $0xFFFFFFFC, s28;
	s0 =	rddreg [dreg:$0xa]  }
0x170: {  	s25 =	simm.s32 $0x1;
	s11 =	sshrl.u32 s11, $0x3;
	s17 =	sadd.s32 s10, s0  }
0x171: {  	_ =	swait.ge [sflag:s25], $0x300;
	s13 =	smul.u32 $0x1800, s11;
	s15 =	sadd.s32 $0x80, s17  }
0x172: {  	[sflag:s25] =	ssyncset.done $0x0;
	s11 =	sand.u32 $0x280, s15  }
0x173: {  	[sflag:s25] =	ssyncadd.s32 $0xFFFFFD00;
	s11 =	sor.u32 s13, s11  }
0x174: {  	s5 =	simm.s32 $0x80;
	s25 =	rddreg [dreg:$0x0];
	s11 =	sshrl.u32 s11, $0x3  }
0x175: {  	s29 =	simm.s32 $0x400;
	s2 =	simm.s32 $0x300;
	s11 =	sadd.s32 s25, s11  }
0x176: {  	[tilespmem:s2], [sflag:$0x2] =	stream.strided.gather [hbm4b:s11+s5], $0x300, s29, s5, $0x38;
	[tilespmem:$0x1EF00] =	vst v63  }
0x177: {  	s5 =	rddreg [dreg:$0xc]  }
0x178: {  	s11 =	sadd.s32 s10, s5  }
0x179: {  	s12 =	simm.s32 $0xA00;
	s14 =	sadd.s32 $0x80, s11  }
0x17a: {  	[tilespmem:s12], [sflag:$0x4] =	stream.linear.gather [hbm4b:s14+s4], $0x280, $0x38;
	[tilespmem:$0x1EF00] =	vst v63  }
0x17b: {  	v3 =	vld [tilespmem:$0x780];
	_ =	sdelay $0x4  }
0x17c: {  	v4 =	vshrl.u32 v3, $0x3  }
0x17d: {  	v4 =	vmul.u32 $0x30, v4  }
0x17e: {  	v3 =	vand.u32 $0x7, v3  }
0x17f: {  	v3 =	vor.u32 v3, v4  }
0x180: {  	v4 =	vperm.xlane v3, v0;
	_ =	sdelay $0x1  }
0x181: {  	v4 =	vadd.s32 v1, v4;
	_ =	sdelay $0x3  }
0x182: {  	s15 =	simm.s32 $0x17600;
	v3 =	vperm.xlane v3, v2  }
0x183: {  	[tilespmem:s15], [sflag:$0x8] =	stream.indirect_vreg.gather [hbm4b:s3+s4], $0x80, v4, vm0, $0xb8;
	[tilespmem:$0x1EF00] =	vst v63  }
0x184: {  	s29 =	simm.s32 $0x17E00;
	v3 =	vadd.s32 v1, v3  }
0x185: {  	[tilespmem:s29], [sflag:$0x8] =	stream.indirect_vreg.gather [hbm4b:s7+s4], $0x80, v4, vm0, $0xb8;
	[tilespmem:$0x1EF00] =	vst v63  }
0x186: {  	s0 =	simm.s32 $0x18600  }
0x187: {  	[tilespmem:s0], [sflag:$0x8] =	stream.indirect_vreg.gather [hbm4b:s8+s4], $0x80, v4, vm0, $0xb8;
	[tilespmem:$0x1EF00] =	vst v63  }
0x188: {  	s2 =	simm.s32 $0x18E00  }
0x189: {  	[tilespmem:s2], [sflag:$0x8] =	stream.indirect_vreg.gather [hbm4b:s3+s4], $0x80, v3, vm0, $0xb8;
	[tilespmem:$0x1EF00] =	vst v63  }
0x18a: {  	s5 =	simm.s32 $0x19600  }
0x18b: {  	[tilespmem:s5], [sflag:$0x8] =	stream.indirect_vreg.gather [hbm4b:s7+s4], $0x80, v3, vm0, $0xb8;
	[tilespmem:$0x1EF00] =	vst v63  }
0x18c: {  	s12 =	simm.s32 $0x19E00  }
0x18d: {  	[tilespmem:s12], [sflag:$0x8] =	stream.indirect_vreg.gather [hbm4b:s8+s4], $0x80, v3, vm0, $0xb8;
	[tilespmem:$0x1EF00] =	vst v63  }
0x18e: {  	v3 =	vld [tilespmem:$0x790];
	_ =	sdelay $0x4  }
0x18f: {  	v14 =	vshrl.u32 v3, $0x3  }
0x190: {  	v4 =	vmul.u32 $0x30, v14  }
0x191: {  	v3 =	vand.u32 $0x7, v3  }
0x192: {  	v3 =	vor.u32 v3, v4  }
0x193: {  	v4 =	vperm.xlane v3, v0;
	_ =	sdelay $0x1  }
0x194: {  	v4 =	vadd.s32 v1, v4;
	_ =	sdelay $0x3  }
0x195: {  	s15 =	simm.s32 $0x1A600;
	v3 =	vperm.xlane v3, v2  }
0x196: {  	[tilespmem:s15], [sflag:$0x8] =	stream.indirect_vreg.gather [hbm4b:s3+s4], $0x80, v4, vm0, $0xb8;
	[tilespmem:$0x1EF00] =	vst v63  }
0x197: {  	s29 =	simm.s32 $0x1AE00;
	v3 =	vadd.s32 v1, v3  }
0x198: {  	[tilespmem:s29], [sflag:$0x8] =	stream.indirect_vreg.gather [hbm4b:s7+s4], $0x80, v4, vm0, $0xb8;
	[tilespmem:$0x1EF00] =	vst v63  }
0x199: {  	s0 =	simm.s32 $0x1B600  }
0x19a: {  	[tilespmem:s0], [sflag:$0x8] =	stream.indirect_vreg.gather [hbm4b:s8+s4], $0x80, v4, vm0, $0xb8;
	[tilespmem:$0x1EF00] =	vst v63  }
0x19b: {  	s2 =	simm.s32 $0x1BE00  }
0x19c: {  	[tilespmem:s2], [sflag:$0x8] =	stream.indirect_vreg.gather [hbm4b:s3+s4], $0x80, v3, vm0, $0xb8;
	[tilespmem:$0x1EF00] =	vst v63  }
0x19d: {  	s5 =	simm.s32 $0x1C600  }
0x19e: {  	[tilespmem:s5], [sflag:$0x8] =	stream.indirect_vreg.gather [hbm4b:s7+s4], $0x80, v3, vm0, $0xb8;
	[tilespmem:$0x1EF00] =	vst v63  }
0x19f: {  	s12 =	simm.s32 $0x1CE00  }
0x1a0: {  	[tilespmem:s12], [sflag:$0x8] =	stream.indirect_vreg.gather [hbm4b:s8+s4], $0x80, v3, vm0, $0xb8;
	[tilespmem:$0x1EF00] =	vst v63  }
0x1a1: {  	v3 =	vld.msk [tilespmem:$0x7A0], $0xff;
	_ =	sdelay $0x4  }
0x1a2: {  	v15 =	vshrl.u32 v3, $0x3  }
0x1a3: {  	v4 =	vmul.u32 $0x30, v15  }
0x1a4: {  	v3 =	vand.u32 $0x7, v3  }
0x1a5: {  	v3 =	vor.u32 v3, v4  }
0x1a6: {  	v3 =	vperm.xlane v3, v0;
	_ =	sdelay $0x1  }
0x1a7: {  	v3 =	vadd.s32 v1, v3;
	_ =	sdelay $0x3  }
0x1a8: {  	s29 =	simm.s32 $0x1D600  }
0x1a9: {  	[tilespmem:s29], [sflag:$0x8] =	stream.indirect_vreg.gather [hbm4b:s3+s4], $0x80, v3, vm0, $0xb8;
	[tilespmem:$0x1EF00] =	vst v63  }
0x1aa: {  	s0 =	simm.s32 $0x1DE00  }
0x1ab: {  	[tilespmem:s0], [sflag:$0x8] =	stream.indirect_vreg.gather [hbm4b:s7+s4], $0x80, v3, vm0, $0xb8;
	[tilespmem:$0x1EF00] =	vst v63  }
0x1ac: {  	s12 =	simm.s32 $0x1E600;
	s29 =	simm.s32 $0x5  }
0x1ad: {  	[tilespmem:s12], [sflag:$0x8] =	stream.indirect_vreg.gather [hbm4b:s8+s4], $0x80, v3, vm0, $0xb8;
	[tilespmem:$0x1EF00] =	vst v63  }
0x1ae: {  	_ =	swait.ge [sflag:s29], $0x7800  }
0x1af: {  	[sflag:s29] =	ssyncset.done $0x0  }
0x1b0: {  	[sflag:s29] =	ssyncadd.s32 $0xFFFF8800  }
0x1b1: {  	v3 =	vld [tilespmem:$0x800];
	_ =	sdelay $0x4  }
0x1b2: {  	v16 =	vshrl.u32 v3, $0x3  }
0x1b3: {  	v4 =	vmul.u32 $0x30, v16  }
0x1b4: {  	v3 =	vand.u32 $0x7, v3  }
0x1b5: {  	v3 =	vor.u32 v3, v4  }
0x1b6: {  	v4 =	vperm.xlane v3, v0;
	_ =	sdelay $0x1  }
0x1b7: {  	v4 =	vadd.s32 v1, v4;
	_ =	sdelay $0x3  }
0x1b8: {  	v3 =	vperm.xlane v3, v2  }
0x1b9: {  	[tilespmem:s19], [sflag:$0x5] =	stream.indirect_vreg.gather [hbm4b:s3+s4], $0x80, v4, vm0, $0xb8;
	[tilespmem:$0x1EF00] =	vst v63  }
0x1ba: {  	v3 =	vadd.s32 v1, v3  }
0x1bb: {  	[tilespmem:s31], [sflag:$0x5] =	stream.indirect_vreg.gather [hbm4b:s7+s4], $0x80, v4, vm0, $0xb8;
	[tilespmem:$0x1EF00] =	vst v63  }
0x1bc: {  	_ = 	snop  }
0x1bd: {  	[tilespmem:s18], [sflag:$0x5] =	stream.indirect_vreg.gather [hbm4b:s8+s4], $0x80, v4, vm0, $0xb8;
	[tilespmem:$0x1EF00] =	vst v63  }
0x1be: {  	_ = 	snop  }
0x1bf: {  	[tilespmem:s21], [sflag:$0x5] =	stream.indirect_vreg.gather [hbm4b:s3+s4], $0x80, v3, vm0, $0xb8;
	[tilespmem:$0x1EF00] =	vst v63  }
0x1c0: {  	_ = 	snop  }
0x1c1: {  	[tilespmem:s22], [sflag:$0x5] =	stream.indirect_vreg.gather [hbm4b:s7+s4], $0x80, v3, vm0, $0xb8;
	[tilespmem:$0x1EF00] =	vst v63  }
0x1c2: {  	_ = 	snop  }
0x1c3: {  	[tilespmem:s20], [sflag:$0x5] =	stream.indirect_vreg.gather [hbm4b:s8+s4], $0x80, v3, vm0, $0xb8;
	[tilespmem:$0x1EF00] =	vst v63  }
0x1c4: {  	v3 =	vld [tilespmem:$0x810];
	_ =	sdelay $0x4  }
0x1c5: {  	v17 =	vshrl.u32 v3, $0x3  }
0x1c6: {  	v4 =	vmul.u32 $0x30, v17  }
0x1c7: {  	v3 =	vand.u32 $0x7, v3  }
0x1c8: {  	v3 =	vor.u32 v3, v4  }
0x1c9: {  	v4 =	vperm.xlane v3, v0;
	_ =	sdelay $0x1  }
0x1ca: {  	v4 =	vadd.s32 v1, v4;
	_ =	sdelay $0x3  }
0x1cb: {  	v3 =	vperm.xlane v3, v2  }
0x1cc: {  	[tilespmem:s24], [sflag:$0x5] =	stream.indirect_vreg.gather [hbm4b:s3+s4], $0x80, v4, vm0, $0xb8;
	[tilespmem:$0x1EF00] =	vst v63  }
0x1cd: {  	v3 =	vadd.s32 v1, v3  }
0x1ce: {  	[tilespmem:s9], [sflag:$0x5] =	stream.indirect_vreg.gather [hbm4b:s7+s4], $0x80, v4, vm0, $0xb8;
	[tilespmem:$0x1EF00] =	vst v63  }
0x1cf: {  	_ = 	snop  }
0x1d0: {  	[tilespmem:s23], [sflag:$0x5] =	stream.indirect_vreg.gather [hbm4b:s8+s4], $0x80, v4, vm0, $0xb8;
	[tilespmem:$0x1EF00] =	vst v63  }
0x1d1: {  	_ = 	snop  }
0x1d2: {  	[tilespmem:s16], [sflag:$0x5] =	stream.indirect_vreg.gather [hbm4b:s3+s4], $0x80, v3, vm0, $0xb8;
	[tilespmem:$0x1EF00] =	vst v63  }
0x1d3: {  	_ = 	snop  }
0x1d4: {  	[tilespmem:s26], [sflag:$0x5] =	stream.indirect_vreg.gather [hbm4b:s7+s4], $0x80, v3, vm0, $0xb8;
	[tilespmem:$0x1EF00] =	vst v63  }
0x1d5: {  	s16 =	simm.s32 $0x6600  }
0x1d6: {  	[tilespmem:s16], [sflag:$0x5] =	stream.indirect_vreg.gather [hbm4b:s8+s4], $0x80, v3, vm0, $0xb8;
	[tilespmem:$0x1EF00] =	vst v63  }
0x1d7: {  	v3 =	vld.msk [tilespmem:$0x820], $0xff;
	_ =	sdelay $0x4  }
0x1d8: {  	v18 =	vshrl.u32 v3, $0x3  }
0x1d9: {  	v4 =	vmul.u32 $0x30, v18  }
0x1da: {  	v3 =	vand.u32 $0x7, v3  }
0x1db: {  	v3 =	vor.u32 v3, v4  }
0x1dc: {  	v3 =	vperm.xlane v3, v0;
	_ =	sdelay $0x1  }
0x1dd: {  	v3 =	vadd.s32 v1, v3;
	_ =	sdelay $0x3  }
0x1de: {  	s18 =	simm.s32 $0x6E00  }
0x1df: {  	[tilespmem:s18], [sflag:$0x5] =	stream.indirect_vreg.gather [hbm4b:s3+s4], $0x80, v3, vm0, $0xb8;
	[tilespmem:$0x1EF00] =	vst v63  }
0x1e0: {  	s19 =	simm.s32 $0x7600  }
0x1e1: {  	[tilespmem:s19], [sflag:$0x5] =	stream.indirect_vreg.gather [hbm4b:s7+s4], $0x80, v3, vm0, $0xb8;
	[tilespmem:$0x1EF00] =	vst v63  }
0x1e2: {  	s31 =	simm.s32 $0x6;
	s20 =	simm.s32 $0x7E00  }
0x1e3: {  	[tilespmem:s20], [sflag:$0x5] =	stream.indirect_vreg.gather [hbm4b:s8+s4], $0x80, v3, vm0, $0xb8;
	[tilespmem:$0x1EF00] =	vst v63  }
0x1e4: {  	_ =	swait.ge [sflag:s31], $0x7800  }
0x1e5: {  	[sflag:s31] =	ssyncset.done $0x0  }
0x1e6: {  	s21 =	simm.s32 $0x4;
	[sflag:s31] =	ssyncadd.s32 $0xFFFF8800  }
0x1e7: {  	_ =	swait.ge [sflag:s21], $0x280  }
0x1e8: {  	[sflag:s21] =	ssyncset.done $0x0  }
0x1e9: {  	[sflag:s21] =	ssyncadd.s32 $0xFFFFFD80  }
0x1ea: {  	v3 =	vld [tilespmem:$0xA00];
	_ =	sdelay $0x4  }
0x1eb: {  	v19 =	vshrl.u32 v3, $0x3  }
0x1ec: {  	v4 =	vmul.u32 $0x30, v19  }
0x1ed: {  	v3 =	vand.u32 $0x7, v3  }
0x1ee: {  	v3 =	vor.u32 v3, v4  }
0x1ef: {  	v4 =	vperm.xlane v3, v0;
	_ =	sdelay $0x1  }
0x1f0: {  	v4 =	vadd.s32 v1, v4;
	_ =	sdelay $0x3  }
0x1f1: {  	s22 =	simm.s32 $0x8600;
	v3 =	vperm.xlane v3, v2  }
0x1f2: {  	[tilespmem:s22], [sflag:$0x6] =	stream.indirect_vreg.gather [hbm4b:s3+s4], $0x80, v4, vm0, $0xb8;
	[tilespmem:$0x1EF00] =	vst v63  }
0x1f3: {  	s23 =	simm.s32 $0x8E00;
	v3 =	vadd.s32 v1, v3  }
0x1f4: {  	[tilespmem:s23], [sflag:$0x6] =	stream.indirect_vreg.gather [hbm4b:s7+s4], $0x80, v4, vm0, $0xb8;
	[tilespmem:$0x1EF00] =	vst v63  }
0x1f5: {  	s24 =	simm.s32 $0x9600  }
0x1f6: {  	[tilespmem:s24], [sflag:$0x6] =	stream.indirect_vreg.gather [hbm4b:s8+s4], $0x80, v4, vm0, $0xb8;
	[tilespmem:$0x1EF00] =	vst v63  }
0x1f7: {  	s26 =	simm.s32 $0x9E00  }
0x1f8: {  	[tilespmem:s26], [sflag:$0x6] =	stream.indirect_vreg.gather [hbm4b:s3+s4], $0x80, v3, vm0, $0xb8;
	[tilespmem:$0x1EF00] =	vst v63  }
0x1f9: {  	s9 =	simm.s32 $0xA600  }
0x1fa: {  	[tilespmem:s9], [sflag:$0x6] =	stream.indirect_vreg.gather [hbm4b:s7+s4], $0x80, v3, vm0, $0xb8;
	[tilespmem:$0x1EF00] =	vst v63  }
0x1fb: {  	s0 =	simm.s32 $0xAE00  }
0x1fc: {  	[tilespmem:s0], [sflag:$0x6] =	stream.indirect_vreg.gather [hbm4b:s8+s4], $0x80, v3, vm0, $0xb8;
	[tilespmem:$0x1EF00] =	vst v63  }
0x1fd: {  	v3 =	vld [tilespmem:$0xA10];
	_ =	sdelay $0x4  }
0x1fe: {  	v20 =	vshrl.u32 v3, $0x3  }
0x1ff: {  	v4 =	vmul.u32 $0x30, v20  }
0x200: {  	v3 =	vand.u32 $0x7, v3  }
0x201: {  	v3 =	vor.u32 v3, v4  }
0x202: {  	v4 =	vperm.xlane v3, v0;
	_ =	sdelay $0x1  }
0x203: {  	v4 =	vadd.s32 v1, v4;
	_ =	sdelay $0x3  }
0x204: {  	s12 =	simm.s32 $0xB600;
	v3 =	vperm.xlane v3, v2  }
0x205: {  	[tilespmem:s12], [sflag:$0x6] =	stream.indirect_vreg.gather [hbm4b:s3+s4], $0x80, v4, vm0, $0xb8;
	[tilespmem:$0x1EF00] =	vst v63  }
0x206: {  	v3 =	vadd.s32 v1, v3;
	s12 =	simm.s32 $0xBE00  }
0x207: {  	[tilespmem:s12], [sflag:$0x6] =	stream.indirect_vreg.gather [hbm4b:s7+s4], $0x80, v4, vm0, $0xb8;
	[tilespmem:$0x1EF00] =	vst v63  }
0x208: {  	s14 =	simm.s32 $0xC600  }
0x209: {  	[tilespmem:s14], [sflag:$0x6] =	stream.indirect_vreg.gather [hbm4b:s8+s4], $0x80, v4, vm0, $0xb8;
	[tilespmem:$0x1EF00] =	vst v63  }
0x20a: {  	s16 =	simm.s32 $0xCE00  }
0x20b: {  	[tilespmem:s16], [sflag:$0x6] =	stream.indirect_vreg.gather [hbm4b:s3+s4], $0x80, v3, vm0, $0xb8;
	[tilespmem:$0x1EF00] =	vst v63  }
0x20c: {  	s18 =	simm.s32 $0xD600  }
0x20d: {  	[tilespmem:s18], [sflag:$0x6] =	stream.indirect_vreg.gather [hbm4b:s7+s4], $0x80, v3, vm0, $0xb8;
	[tilespmem:$0x1EF00] =	vst v63  }
0x20e: {  	s19 =	simm.s32 $0xDE00  }
0x20f: {  	[tilespmem:s19], [sflag:$0x6] =	stream.indirect_vreg.gather [hbm4b:s8+s4], $0x80, v3, vm0, $0xb8;
	[tilespmem:$0x1EF00] =	vst v63  }
0x210: {  	v3 =	vld.msk [tilespmem:$0xA20], $0xff;
	_ =	sdelay $0x4  }
0x211: {  	v21 =	vshrl.u32 v3, $0x3  }
0x212: {  	v4 =	vmul.u32 $0x30, v21  }
0x213: {  	v3 =	vand.u32 $0x7, v3  }
0x214: {  	v3 =	vor.u32 v3, v4  }
0x215: {  	v3 =	vperm.xlane v3, v0;
	_ =	sdelay $0x1  }
0x216: {  	v3 =	vadd.s32 v1, v3;
	_ =	sdelay $0x3  }
0x217: {  	s20 =	simm.s32 $0xE600  }
0x218: {  	[tilespmem:s20], [sflag:$0x6] =	stream.indirect_vreg.gather [hbm4b:s3+s4], $0x80, v3, vm0, $0xb8;
	[tilespmem:$0x1EF00] =	vst v63  }
0x219: {  	s21 =	simm.s32 $0xEE00  }
0x21a: {  	[tilespmem:s21], [sflag:$0x6] =	stream.indirect_vreg.gather [hbm4b:s7+s4], $0x80, v3, vm0, $0xb8;
	[tilespmem:$0x1EF00] =	vst v63  }
0x21b: {  	s22 =	simm.s32 $0xF600;
	s16 =	simm.s32 $0x7  }
0x21c: {  	[tilespmem:s22], [sflag:$0x6] =	stream.indirect_vreg.gather [hbm4b:s8+s4], $0x80, v3, vm0, $0xb8;
	[tilespmem:$0x1EF00] =	vst v63  }
0x21d: {  	_ =	swait.ge [sflag:s16], $0x7800  }
0x21e: {  	[sflag:s16] =	ssyncset.done $0x0  }
0x21f: {  	[sflag:s16] =	ssyncadd.s32 $0xFFFF8800  }
0x220: {  	v3 =	vld [tilespmem:$0xA80];
	_ =	sdelay $0x4  }
0x221: {  	v22 =	vshrl.u32 v3, $0x3  }
0x222: {  	v4 =	vmul.u32 $0x30, v22  }
0x223: {  	v3 =	vand.u32 $0x7, v3  }
0x224: {  	v3 =	vor.u32 v3, v4  }
0x225: {  	v4 =	vperm.xlane v3, v0;
	_ =	sdelay $0x1  }
0x226: {  	v4 =	vadd.s32 v1, v4;
	_ =	sdelay $0x3  }
0x227: {  	s23 =	simm.s32 $0xFE00;
	v3 =	vperm.xlane v3, v2  }
0x228: {  	[tilespmem:s23], [sflag:$0x7] =	stream.indirect_vreg.gather [hbm4b:s3+s4], $0x80, v4, vm0, $0xb8;
	[tilespmem:$0x1EF00] =	vst v63  }
0x229: {  	s24 =	simm.s32 $0x10600;
	v3 =	vadd.s32 v1, v3  }
0x22a: {  	[tilespmem:s24], [sflag:$0x7] =	stream.indirect_vreg.gather [hbm4b:s7+s4], $0x80, v4, vm0, $0xb8;
	[tilespmem:$0x1EF00] =	vst v63  }
0x22b: {  	s26 =	simm.s32 $0x10E00  }
0x22c: {  	[tilespmem:s26], [sflag:$0x7] =	stream.indirect_vreg.gather [hbm4b:s8+s4], $0x80, v4, vm0, $0xb8;
	[tilespmem:$0x1EF00] =	vst v63  }
0x22d: {  	s0 =	simm.s32 $0x11600  }
0x22e: {  	[tilespmem:s0], [sflag:$0x7] =	stream.indirect_vreg.gather [hbm4b:s3+s4], $0x80, v3, vm0, $0xb8;
	[tilespmem:$0x1EF00] =	vst v63  }
0x22f: {  	s12 =	simm.s32 $0x11E00  }
0x230: {  	[tilespmem:s12], [sflag:$0x7] =	stream.indirect_vreg.gather [hbm4b:s7+s4], $0x80, v3, vm0, $0xb8;
	[tilespmem:$0x1EF00] =	vst v63  }
0x231: {  	s18 =	simm.s32 $0x12600  }
0x232: {  	[tilespmem:s18], [sflag:$0x7] =	stream.indirect_vreg.gather [hbm4b:s8+s4], $0x80, v3, vm0, $0xb8;
	[tilespmem:$0x1EF00] =	vst v63  }
0x233: {  	v3 =	vld [tilespmem:$0xA90];
	_ =	sdelay $0x4  }
0x234: {  	v23 =	vshrl.u32 v3, $0x3  }
0x235: {  	v4 =	vmul.u32 $0x30, v23  }
0x236: {  	v3 =	vand.u32 $0x7, v3  }
0x237: {  	v3 =	vor.u32 v3, v4  }
0x238: {  	v4 =	vperm.xlane v3, v0;
	_ =	sdelay $0x1  }
0x239: {  	v4 =	vadd.s32 v1, v4;
	_ =	sdelay $0x3  }
0x23a: {  	s19 =	simm.s32 $0x12E00;
	v3 =	vperm.xlane v3, v2  }
0x23b: {  	[tilespmem:s19], [sflag:$0x7] =	stream.indirect_vreg.gather [hbm4b:s3+s4], $0x80, v4, vm0, $0xb8;
	[tilespmem:$0x1EF00] =	vst v63  }
0x23c: {  	s20 =	simm.s32 $0x13600;
	v3 =	vadd.s32 v1, v3  }
0x23d: {  	[tilespmem:s20], [sflag:$0x7] =	stream.indirect_vreg.gather [hbm4b:s7+s4], $0x80, v4, vm0, $0xb8;
	[tilespmem:$0x1EF00] =	vst v63  }
0x23e: {  	s21 =	simm.s32 $0x13E00  }
0x23f: {  	[tilespmem:s21], [sflag:$0x7] =	stream.indirect_vreg.gather [hbm4b:s8+s4], $0x80, v4, vm0, $0xb8;
	[tilespmem:$0x1EF00] =	vst v63  }
0x240: {  	s22 =	simm.s32 $0x14600  }
0x241: {  	[tilespmem:s22], [sflag:$0x7] =	stream.indirect_vreg.gather [hbm4b:s3+s4], $0x80, v3, vm0, $0xb8;
	[tilespmem:$0x1EF00] =	vst v63  }
0x242: {  	s23 =	simm.s32 $0x14E00  }
0x243: {  	[tilespmem:s23], [sflag:$0x7] =	stream.indirect_vreg.gather [hbm4b:s7+s4], $0x80, v3, vm0, $0xb8;
	[tilespmem:$0x1EF00] =	vst v63  }
0x244: {  	s24 =	simm.s32 $0x15600  }
0x245: {  	[tilespmem:s24], [sflag:$0x7] =	stream.indirect_vreg.gather [hbm4b:s8+s4], $0x80, v3, vm0, $0xb8;
	[tilespmem:$0x1EF00] =	vst v63  }
0x246: {  	v3 =	vld.msk [tilespmem:$0xAA0], $0xff;
	_ =	sdelay $0x4  }
0x247: {  	v24 =	vshrl.u32 v3, $0x3  }
0x248: {  	v4 =	vmul.u32 $0x30, v24  }
0x249: {  	v3 =	vand.u32 $0x7, v3  }
0x24a: {  	v3 =	vor.u32 v3, v4  }
0x24b: {  	v3 =	vperm.xlane v3, v0;
	_ =	sdelay $0x1  }
0x24c: {  	v3 =	vadd.s32 v1, v3;
	_ =	sdelay $0x3  }
0x24d: {  	s26 =	simm.s32 $0x15E00  }
0x24e: {  	[tilespmem:s26], [sflag:$0x7] =	stream.indirect_vreg.gather [hbm4b:s3+s4], $0x80, v3, vm0, $0xb8;
	[tilespmem:$0x1EF00] =	vst v63  }
0x24f: {  	s0 =	simm.s32 $0x16600  }
0x250: {  	[tilespmem:s0], [sflag:$0x7] =	stream.indirect_vreg.gather [hbm4b:s7+s4], $0x80, v3, vm0, $0xb8;
	[tilespmem:$0x1EF00] =	vst v63  }
0x251: {  	s15 =	simm.s32 $0x8;
	s12 =	simm.s32 $0x16E00  }
0x252: {  	[tilespmem:s12], [sflag:$0x7] =	stream.indirect_vreg.gather [hbm4b:s8+s4], $0x80, v3, vm0, $0xb8;
	[tilespmem:$0x1EF00] =	vst v63  }
0x253: {  	_ =	swait.ge [sflag:s15], $0x7800  }
0x254: {  	[sflag:s15] =	ssyncset.done $0x0  }
0x255: {  	[sflag:s15] =	ssyncadd.s32 $0xFFFF8800  }
0x256: {  	v3 =	vld [tilespmem:$0xB00];
	_ =	sdelay $0x4  }
0x257: {  	v25 =	vshrl.u32 v3, $0x3  }
0x258: {  	v4 =	vmul.u32 $0x30, v25  }
0x259: {  	v3 =	vand.u32 $0x7, v3  }
0x25a: {  	v3 =	vor.u32 v3, v4  }
0x25b: {  	v4 =	vperm.xlane v3, v0;
	_ =	sdelay $0x1  }
0x25c: {  	v4 =	vadd.s32 v1, v4;
	_ =	sdelay $0x3  }
0x25d: {  	s14 =	simm.s32 $0x17600;
	v3 =	vperm.xlane v3, v2  }
0x25e: {  	[tilespmem:s14], [sflag:$0x8] =	stream.indirect_vreg.gather [hbm4b:s3+s4], $0x80, v4, vm0, $0xb8;
	[tilespmem:$0x1EF00] =	vst v63  }
0x25f: {  	s30 =	simm.s32 $0x17E00;
	v3 =	vadd.s32 v1, v3  }
0x260: {  	[tilespmem:s30], [sflag:$0x8] =	stream.indirect_vreg.gather [hbm4b:s7+s4], $0x80, v4, vm0, $0xb8;
	[tilespmem:$0x1EF00] =	vst v63  }
0x261: {  	s18 =	simm.s32 $0x18600  }
0x262: {  	[tilespmem:s18], [sflag:$0x8] =	stream.indirect_vreg.gather [hbm4b:s8+s4], $0x80, v4, vm0, $0xb8;
	[tilespmem:$0x1EF00] =	vst v63  }
0x263: {  	s19 =	simm.s32 $0x18E00  }
0x264: {  	[tilespmem:s19], [sflag:$0x8] =	stream.indirect_vreg.gather [hbm4b:s3+s4], $0x80, v3, vm0, $0xb8;
	[tilespmem:$0x1EF00] =	vst v63  }
0x265: {  	s20 =	simm.s32 $0x19600  }
0x266: {  	[tilespmem:s20], [sflag:$0x8] =	stream.indirect_vreg.gather [hbm4b:s7+s4], $0x80, v3, vm0, $0xb8;
	[tilespmem:$0x1EF00] =	vst v63  }
0x267: {  	s21 =	simm.s32 $0x19E00  }
0x268: {  	[tilespmem:s21], [sflag:$0x8] =	stream.indirect_vreg.gather [hbm4b:s8+s4], $0x80, v3, vm0, $0xb8;
	[tilespmem:$0x1EF00] =	vst v63  }
0x269: {  	v3 =	vld [tilespmem:$0xB10];
	_ =	sdelay $0x4  }
0x26a: {  	v26 =	vshrl.u32 v3, $0x3  }
0x26b: {  	v4 =	vmul.u32 $0x30, v26  }
0x26c: {  	v3 =	vand.u32 $0x7, v3  }
0x26d: {  	v3 =	vor.u32 v3, v4  }
0x26e: {  	v4 =	vperm.xlane v3, v0;
	_ =	sdelay $0x1  }
0x26f: {  	v4 =	vadd.s32 v1, v4;
	_ =	sdelay $0x3  }
0x270: {  	s22 =	simm.s32 $0x1A600;
	v3 =	vperm.xlane v3, v2  }
0x271: {  	[tilespmem:s22], [sflag:$0x8] =	stream.indirect_vreg.gather [hbm4b:s3+s4], $0x80, v4, vm0, $0xb8;
	[tilespmem:$0x1EF00] =	vst v63  }
0x272: {  	s23 =	simm.s32 $0x1AE00;
	v3 =	vadd.s32 v1, v3  }
0x273: {  	[tilespmem:s23], [sflag:$0x8] =	stream.indirect_vreg.gather [hbm4b:s7+s4], $0x80, v4, vm0, $0xb8;
	[tilespmem:$0x1EF00] =	vst v63  }
0x274: {  	s24 =	simm.s32 $0x1B600  }
0x275: {  	[tilespmem:s24], [sflag:$0x8] =	stream.indirect_vreg.gather [hbm4b:s8+s4], $0x80, v4, vm0, $0xb8;
	[tilespmem:$0x1EF00] =	vst v63  }
0x276: {  	s26 =	simm.s32 $0x1BE00  }
0x277: {  	[tilespmem:s26], [sflag:$0x8] =	stream.indirect_vreg.gather [hbm4b:s3+s4], $0x80, v3, vm0, $0xb8;
	[tilespmem:$0x1EF00] =	vst v63  }
0x278: {  	s5 =	simm.s32 $0x1C600  }
0x279: {  	[tilespmem:s5], [sflag:$0x8] =	stream.indirect_vreg.gather [hbm4b:s7+s4], $0x80, v3, vm0, $0xb8;
	[tilespmem:$0x1EF00] =	vst v63  }
0x27a: {  	s2 =	simm.s32 $0x1CE00  }
0x27b: {  	[tilespmem:s2], [sflag:$0x8] =	stream.indirect_vreg.gather [hbm4b:s8+s4], $0x80, v3, vm0, $0xb8;
	[tilespmem:$0x1EF00] =	vst v63  }
0x27c: {  	v3 =	vld.msk [tilespmem:$0xB20], $0xff;
	_ =	sdelay $0x4  }
0x27d: {  	v27 =	vshrl.u32 v3, $0x3  }
0x27e: {  	v4 =	vmul.u32 $0x30, v27  }
0x27f: {  	v3 =	vand.u32 $0x7, v3  }
0x280: {  	v3 =	vor.u32 v3, v4  }
0x281: {  	v3 =	vperm.xlane v3, v0;
	_ =	sdelay $0x1  }
0x282: {  	v3 =	vadd.s32 v1, v3;
	_ =	sdelay $0x3  }
0x283: {  	s12 =	simm.s32 $0x1D600  }
0x284: {  	[tilespmem:s12], [sflag:$0x8] =	stream.indirect_vreg.gather [hbm4b:s3+s4], $0x80, v3, vm0, $0xb8;
	[tilespmem:$0x1EF00] =	vst v63  }
0x285: {  	s14 =	simm.s32 $0x1DE00  }
0x286: {  	[tilespmem:s14], [sflag:$0x8] =	stream.indirect_vreg.gather [hbm4b:s7+s4], $0x80, v3, vm0, $0xb8;
	[tilespmem:$0x1EF00] =	vst v63  }
0x287: {  	s18 =	simm.s32 $0x1E600  }
0x288: {  	[tilespmem:s18], [sflag:$0x8] =	stream.indirect_vreg.gather [hbm4b:s8+s4], $0x80, v3, vm0, $0xb8;
	[tilespmem:$0x1EF00] =	vst v63  }
0x289: {  	_ =	swait.ge [sflag:s29], $0x7800  }
0x28a: {  	[sflag:s29] =	ssyncset.done $0x0  }
0x28b: {  	s19 =	sadd.s32 $0xFFFFFFCE, s6;
	s20 =	simm.s32 $0x9;
	[sflag:s29] =	ssyncadd.s32 $0xFFFF8800  }
0x28c: {  	[hbm4b:s19+s4] =	stream.linear.scatter [tilespmem:s1], [sflag:$0x9], $0xC8, $0x38;
	[tilespmem:$0x1EF00] =	vst v63  }
0x28d: {  	s21 =	simm.s32 $0x9;
	_ =	swait.ge [sflag:s20], $0xC8  }
0x28e: {  	s22 =	sadd.s32 $0x100, s17;
	s23 =	simm.s32 $0x9;
	[sflag:s21] =	ssyncset.done $0x0  }
0x28f: {  	s24 =	simm.s32 $0x2;
	s14 =	sand.u32 $0x300, s22;
	[sflag:s23] =	ssyncadd.s32 $0xFFFFFF38  }
0x290: {  	s26 =	simm.s32 $0x80;
	s14 =	sor.u32 s14, s13;
	_ =	swait.ge [sflag:s24], $0x300  }
0x291: {  	s2 =	smov.u32 s25;
	s14 =	sshrl.u32 s14, $0x3;
	[sflag:s24] =	ssyncset.done $0x0  }
0x292: {  	s14 =	sadd.s32 s25, s14;
	s25 =	simm.s32 $0x400;
	[sflag:s24] =	ssyncadd.s32 $0xFFFFFD00  }
0x293: {  	[tilespmem:s4], [sflag:$0x1] =	stream.strided.gather [hbm4b:s14+s26], $0x300, s25, s26, $0x38;
	[tilespmem:$0x1EF00] =	vst v63  }
0x294: {  	s0 =	sadd.s32 $0x100, s11;
	s12 =	simm.s32 $0x600  }
0x295: {  	[tilespmem:s12], [sflag:$0x3] =	stream.linear.gather [hbm4b:s0+s4], $0x280, $0x38;
	[tilespmem:$0x1EF00] =	vst v63  }
0x296: {  	v3 =	vld [tilespmem:$0xB80];
	_ =	sdelay $0x4  }
0x297: {  	v28 =	vshrl.u32 v3, $0x3  }
0x298: {  	v4 =	vmul.u32 $0x30, v28  }
0x299: {  	v3 =	vand.u32 $0x7, v3  }
0x29a: {  	v3 =	vor.u32 v3, v4  }
0x29b: {  	v4 =	vperm.xlane v3, v0;
	_ =	sdelay $0x1  }
0x29c: {  	v4 =	vadd.s32 v1, v4;
	_ =	sdelay $0x3  }
0x29d: {  	s1 =	simm.s32 $0xE00;
	v3 =	vperm.xlane v3, v2  }
0x29e: {  	[tilespmem:s1], [sflag:$0x5] =	stream.indirect_vreg.gather [hbm4b:s3+s4], $0x80, v4, vm0, $0xb8;
	[tilespmem:$0x1EF00] =	vst v63  }
0x29f: {  	s25 =	simm.s32 $0x1600;
	v3 =	vadd.s32 v1, v3  }
0x2a0: {  	[tilespmem:s25], [sflag:$0x5] =	stream.indirect_vreg.gather [hbm4b:s7+s4], $0x80, v4, vm0, $0xb8;
	[tilespmem:$0x1EF00] =	vst v63  }
0x2a1: {  	s24 =	simm.s32 $0x1E00  }
0x2a2: {  	[tilespmem:s24], [sflag:$0x5] =	stream.indirect_vreg.gather [hbm4b:s8+s4], $0x80, v4, vm0, $0xb8;
	[tilespmem:$0x1EF00] =	vst v63  }
0x2a3: {  	s30 =	simm.s32 $0x2600  }
0x2a4: {  	[tilespmem:s30], [sflag:$0x5] =	stream.indirect_vreg.gather [hbm4b:s3+s4], $0x80, v3, vm0, $0xb8;
	[tilespmem:$0x1EF00] =	vst v63  }
0x2a5: {  	s20 =	simm.s32 $0x2E00  }
0x2a6: {  	[tilespmem:s20], [sflag:$0x5] =	stream.indirect_vreg.gather [hbm4b:s7+s4], $0x80, v3, vm0, $0xb8;
	[tilespmem:$0x1EF00] =	vst v63  }
0x2a7: {  	s26 =	simm.s32 $0x3600  }
0x2a8: {  	[tilespmem:s26], [sflag:$0x5] =	stream.indirect_vreg.gather [hbm4b:s8+s4], $0x80, v3, vm0, $0xb8;
	[tilespmem:$0x1EF00] =	vst v63  }
0x2a9: {  	v3 =	vld [tilespmem:$0xB90];
	_ =	sdelay $0x4  }
0x2aa: {  	v29 =	vshrl.u32 v3, $0x3  }
0x2ab: {  	v4 =	vmul.u32 $0x30, v29  }
0x2ac: {  	v3 =	vand.u32 $0x7, v3  }
0x2ad: {  	v3 =	vor.u32 v3, v4  }
0x2ae: {  	v4 =	vperm.xlane v3, v0;
	_ =	sdelay $0x1  }
0x2af: {  	v4 =	vadd.s32 v1, v4;
	_ =	sdelay $0x3  }
0x2b0: {  	s23 =	simm.s32 $0x3E00;
	v3 =	vperm.xlane v3, v2  }
0x2b1: {  	[tilespmem:s23], [sflag:$0x5] =	stream.indirect_vreg.gather [hbm4b:s3+s4], $0x80, v4, vm0, $0xb8;
	[tilespmem:$0x1EF00] =	vst v63  }
0x2b2: {  	s21 =	simm.s32 $0x4600;
	v3 =	vadd.s32 v1, v3  }
0x2b3: {  	[tilespmem:s21], [sflag:$0x5] =	stream.indirect_vreg.gather [hbm4b:s7+s4], $0x80, v4, vm0, $0xb8;
	[tilespmem:$0x1EF00] =	vst v63  }
0x2b4: {  	s22 =	simm.s32 $0x4E00  }
0x2b5: {  	[tilespmem:s22], [sflag:$0x5] =	stream.indirect_vreg.gather [hbm4b:s8+s4], $0x80, v4, vm0, $0xb8;
	[tilespmem:$0x1EF00] =	vst v63  }
0x2b6: {  	s18 =	simm.s32 $0x5600  }
0x2b7: {  	[tilespmem:s18], [sflag:$0x5] =	stream.indirect_vreg.gather [hbm4b:s3+s4], $0x80, v3, vm0, $0xb8;
	[tilespmem:$0x1EF00] =	vst v63  }
0x2b8: {  	s5 =	simm.s32 $0x5E00  }
0x2b9: {  	[tilespmem:s5], [sflag:$0x5] =	stream.indirect_vreg.gather [hbm4b:s7+s4], $0x80, v3, vm0, $0xb8;
	[tilespmem:$0x1EF00] =	vst v63  }
0x2ba: {  	s0 =	simm.s32 $0x6600  }
0x2bb: {  	[tilespmem:s0], [sflag:$0x5] =	stream.indirect_vreg.gather [hbm4b:s8+s4], $0x80, v3, vm0, $0xb8;
	[tilespmem:$0x1EF00] =	vst v63  }
0x2bc: {  	v3 =	vld.msk [tilespmem:$0xBA0], $0xff;
	_ =	sdelay $0x4  }
0x2bd: {  	v30 =	vshrl.u32 v3, $0x3  }
0x2be: {  	v4 =	vmul.u32 $0x30, v30  }
0x2bf: {  	v3 =	vand.u32 $0x7, v3  }
0x2c0: {  	v3 =	vor.u32 v3, v4  }
0x2c1: {  	v3 =	vperm.xlane v3, v0;
	_ =	sdelay $0x1  }
0x2c2: {  	v3 =	vadd.s32 v1, v3;
	_ =	sdelay $0x3  }
0x2c3: {  	s12 =	simm.s32 $0x6E00  }
0x2c4: {  	[tilespmem:s12], [sflag:$0x5] =	stream.indirect_vreg.gather [hbm4b:s3+s4], $0x80, v3, vm0, $0xb8;
	[tilespmem:$0x1EF00] =	vst v63  }
0x2c5: {  	s14 =	simm.s32 $0x7600  }
0x2c6: {  	[tilespmem:s14], [sflag:$0x5] =	stream.indirect_vreg.gather [hbm4b:s7+s4], $0x80, v3, vm0, $0xb8;
	[tilespmem:$0x1EF00] =	vst v63  }
0x2c7: {  	s22 =	simm.s32 $0x7E00  }
0x2c8: {  	[tilespmem:s22], [sflag:$0x5] =	stream.indirect_vreg.gather [hbm4b:s8+s4], $0x80, v3, vm0, $0xb8;
	[tilespmem:$0x1EF00] =	vst v63  }
0x2c9: {  	_ =	swait.ge [sflag:s31], $0x7800  }
0x2ca: {  	[sflag:s31] =	ssyncset.done $0x0  }
0x2cb: {  	[sflag:s31] =	ssyncadd.s32 $0xFFFF8800  }
0x2cc: {  	v3 =	vld [tilespmem:$0xC00];
	_ =	sdelay $0x4  }
0x2cd: {  	v31 =	vshrl.u32 v3, $0x3  }
0x2ce: {  	v4 =	vmul.u32 $0x30, v31  }
0x2cf: {  	v3 =	vand.u32 $0x7, v3  }
0x2d0: {  	v3 =	vor.u32 v3, v4  }
0x2d1: {  	v4 =	vperm.xlane v3, v0;
	_ =	sdelay $0x1  }
0x2d2: {  	v4 =	vadd.s32 v1, v4;
	_ =	sdelay $0x3  }
0x2d3: {  	s19 =	simm.s32 $0x8600;
	v3 =	vperm.xlane v3, v2  }
0x2d4: {  	[tilespmem:s19], [sflag:$0x6] =	stream.indirect_vreg.gather [hbm4b:s3+s4], $0x80, v4, vm0, $0xb8;
	[tilespmem:$0x1EF00] =	vst v63  }
0x2d5: {  	s20 =	simm.s32 $0x8E00;
	v3 =	vadd.s32 v1, v3  }
0x2d6: {  	[tilespmem:s20], [sflag:$0x6] =	stream.indirect_vreg.gather [hbm4b:s7+s4], $0x80, v4, vm0, $0xb8;
	[tilespmem:$0x1EF00] =	vst v63  }
0x2d7: {  	s21 =	simm.s32 $0x9600  }
0x2d8: {  	[tilespmem:s21], [sflag:$0x6] =	stream.indirect_vreg.gather [hbm4b:s8+s4], $0x80, v4, vm0, $0xb8;
	[tilespmem:$0x1EF00] =	vst v63  }
0x2d9: {  	s23 =	simm.s32 $0x9E00  }
0x2da: {  	[tilespmem:s23], [sflag:$0x6] =	stream.indirect_vreg.gather [hbm4b:s3+s4], $0x80, v3, vm0, $0xb8;
	[tilespmem:$0x1EF00] =	vst v63  }
0x2db: {  	_ = 	snop  }
0x2dc: {  	[tilespmem:s9], [sflag:$0x6] =	stream.indirect_vreg.gather [hbm4b:s7+s4], $0x80, v3, vm0, $0xb8;
	[tilespmem:$0x1EF00] =	vst v63  }
0x2dd: {  	s25 =	simm.s32 $0xAE00  }
0x2de: {  	[tilespmem:s25], [sflag:$0x6] =	stream.indirect_vreg.gather [hbm4b:s8+s4], $0x80, v3, vm0, $0xb8;
	[tilespmem:$0x1EF00] =	vst v63  }
0x2df: {  	v3 =	vld [tilespmem:$0xC10];
	_ =	sdelay $0x4  }
0x2e0: {  	v32 =	vshrl.u32 v3, $0x3  }
0x2e1: {  	v4 =	vmul.u32 $0x30, v32  }
0x2e2: {  	v3 =	vand.u32 $0x7, v3  }
0x2e3: {  	v3 =	vor.u32 v3, v4  }
0x2e4: {  	v4 =	vperm.xlane v3, v0;
	_ =	sdelay $0x1  }
0x2e5: {  	v4 =	vadd.s32 v1, v4;
	_ =	sdelay $0x3  }
0x2e6: {  	s24 =	simm.s32 $0xB600;
	v3 =	vperm.xlane v3, v2  }
0x2e7: {  	[tilespmem:s24], [sflag:$0x6] =	stream.indirect_vreg.gather [hbm4b:s3+s4], $0x80, v4, vm0, $0xb8;
	[tilespmem:$0x1EF00] =	vst v63  }
0x2e8: {  	s26 =	simm.s32 $0xBE00;
	v3 =	vadd.s32 v1, v3  }
0x2e9: {  	[tilespmem:s26], [sflag:$0x6] =	stream.indirect_vreg.gather [hbm4b:s7+s4], $0x80, v4, vm0, $0xb8;
	[tilespmem:$0x1EF00] =	vst v63  }
0x2ea: {  	s1 =	simm.s32 $0xC600  }
0x2eb: {  	[tilespmem:s1], [sflag:$0x6] =	stream.indirect_vreg.gather [hbm4b:s8+s4], $0x80, v4, vm0, $0xb8;
	[tilespmem:$0x1EF00] =	vst v63  }
0x2ec: {  	s9 =	simm.s32 $0xCE00  }
0x2ed: {  	[tilespmem:s9], [sflag:$0x6] =	stream.indirect_vreg.gather [hbm4b:s3+s4], $0x80, v3, vm0, $0xb8;
	[tilespmem:$0x1EF00] =	vst v63  }
0x2ee: {  	s18 =	simm.s32 $0xD600  }
0x2ef: {  	[tilespmem:s18], [sflag:$0x6] =	stream.indirect_vreg.gather [hbm4b:s7+s4], $0x80, v3, vm0, $0xb8;
	[tilespmem:$0x1EF00] =	vst v63  }
0x2f0: {  	s19 =	simm.s32 $0xDE00  }
0x2f1: {  	[tilespmem:s19], [sflag:$0x6] =	stream.indirect_vreg.gather [hbm4b:s8+s4], $0x80, v3, vm0, $0xb8;
	[tilespmem:$0x1EF00] =	vst v63  }
0x2f2: {  	v3 =	vld.msk [tilespmem:$0xC20], $0xff;
	_ =	sdelay $0x4  }
0x2f3: {  	v33 =	vshrl.u32 v3, $0x3  }
0x2f4: {  	v4 =	vmul.u32 $0x30, v33  }
0x2f5: {  	v3 =	vand.u32 $0x7, v3  }
0x2f6: {  	v3 =	vor.u32 v3, v4  }
0x2f7: {  	v3 =	vperm.xlane v3, v0;
	_ =	sdelay $0x1  }
0x2f8: {  	v3 =	vadd.s32 v1, v3;
	_ =	sdelay $0x3  }
0x2f9: {  	s20 =	simm.s32 $0xE600  }
0x2fa: {  	[tilespmem:s20], [sflag:$0x6] =	stream.indirect_vreg.gather [hbm4b:s3+s4], $0x80, v3, vm0, $0xb8;
	[tilespmem:$0x1EF00] =	vst v63  }
0x2fb: {  	s21 =	simm.s32 $0xEE00  }
0x2fc: {  	[tilespmem:s21], [sflag:$0x6] =	stream.indirect_vreg.gather [hbm4b:s7+s4], $0x80, v3, vm0, $0xb8;
	[tilespmem:$0x1EF00] =	vst v63  }
0x2fd: {  	s23 =	simm.s32 $0xF600  }
0x2fe: {  	[tilespmem:s23], [sflag:$0x6] =	stream.indirect_vreg.gather [hbm4b:s8+s4], $0x80, v3, vm0, $0xb8;
	[tilespmem:$0x1EF00] =	vst v63  }
0x2ff: {  	_ =	swait.ge [sflag:s16], $0x7800  }
0x300: {  	[sflag:s16] =	ssyncset.done $0x0  }
0x301: {  	s24 =	simm.s32 $0x3;
	[sflag:s16] =	ssyncadd.s32 $0xFFFF8800  }
0x302: {  	_ =	swait.ge [sflag:s24], $0x280  }
0x303: {  	[sflag:s24] =	ssyncset.done $0x0  }
0x304: {  	[sflag:s24] =	ssyncadd.s32 $0xFFFFFD80  }
0x305: {  	v3 =	vld [tilespmem:$0x600];
	_ =	sdelay $0x4  }
0x306: {  	v34 =	vshrl.u32 v3, $0x3  }
0x307: {  	v4 =	vmul.u32 $0x30, v34  }
0x308: {  	v3 =	vand.u32 $0x7, v3  }
0x309: {  	v3 =	vor.u32 v3, v4  }
0x30a: {  	v4 =	vperm.xlane v3, v0;
	_ =	sdelay $0x1  }
0x30b: {  	v4 =	vadd.s32 v1, v4;
	_ =	sdelay $0x3  }
0x30c: {  	s19 =	simm.s32 $0xFE00;
	v3 =	vperm.xlane v3, v2  }
0x30d: {  	[tilespmem:s19], [sflag:$0x7] =	stream.indirect_vreg.gather [hbm4b:s3+s4], $0x80, v4, vm0, $0xb8;
	[tilespmem:$0x1EF00] =	vst v63  }
0x30e: {  	s25 =	simm.s32 $0x10600;
	v3 =	vadd.s32 v1, v3  }
0x30f: {  	[tilespmem:s25], [sflag:$0x7] =	stream.indirect_vreg.gather [hbm4b:s7+s4], $0x80, v4, vm0, $0xb8;
	[tilespmem:$0x1EF00] =	vst v63  }
0x310: {  	s24 =	simm.s32 $0x10E00  }
0x311: {  	[tilespmem:s24], [sflag:$0x7] =	stream.indirect_vreg.gather [hbm4b:s8+s4], $0x80, v4, vm0, $0xb8;
	[tilespmem:$0x1EF00] =	vst v63  }
0x312: {  	s25 =	simm.s32 $0x11600  }
0x313: {  	[tilespmem:s25], [sflag:$0x7] =	stream.indirect_vreg.gather [hbm4b:s3+s4], $0x80, v3, vm0, $0xb8;
	[tilespmem:$0x1EF00] =	vst v63  }
0x314: {  	s18 =	simm.s32 $0x11E00  }
0x315: {  	[tilespmem:s18], [sflag:$0x7] =	stream.indirect_vreg.gather [hbm4b:s7+s4], $0x80, v3, vm0, $0xb8;
	[tilespmem:$0x1EF00] =	vst v63  }
0x316: {  	s20 =	simm.s32 $0x12600  }
0x317: {  	[tilespmem:s20], [sflag:$0x7] =	stream.indirect_vreg.gather [hbm4b:s8+s4], $0x80, v3, vm0, $0xb8;
	[tilespmem:$0x1EF00] =	vst v63  }
0x318: {  	v3 =	vld [tilespmem:$0x610];
	_ =	sdelay $0x4  }
0x319: {  	v35 =	vshrl.u32 v3, $0x3  }
0x31a: {  	v4 =	vmul.u32 $0x30, v35  }
0x31b: {  	v3 =	vand.u32 $0x7, v3  }
0x31c: {  	v3 =	vor.u32 v3, v4  }
0x31d: {  	v4 =	vperm.xlane v3, v0;
	_ =	sdelay $0x1  }
0x31e: {  	v4 =	vadd.s32 v1, v4;
	_ =	sdelay $0x3  }
0x31f: {  	s21 =	simm.s32 $0x12E00;
	v3 =	vperm.xlane v3, v2  }
0x320: {  	[tilespmem:s21], [sflag:$0x7] =	stream.indirect_vreg.gather [hbm4b:s3+s4], $0x80, v4, vm0, $0xb8;
	[tilespmem:$0x1EF00] =	vst v63  }
0x321: {  	s26 =	simm.s32 $0x13600;
	v3 =	vadd.s32 v1, v3  }
0x322: {  	[tilespmem:s26], [sflag:$0x7] =	stream.indirect_vreg.gather [hbm4b:s7+s4], $0x80, v4, vm0, $0xb8;
	[tilespmem:$0x1EF00] =	vst v63  }
0x323: {  	s5 =	simm.s32 $0x13E00  }
0x324: {  	[tilespmem:s5], [sflag:$0x7] =	stream.indirect_vreg.gather [hbm4b:s8+s4], $0x80, v4, vm0, $0xb8;
	[tilespmem:$0x1EF00] =	vst v63  }
0x325: {  	s9 =	simm.s32 $0x14600  }
0x326: {  	[tilespmem:s9], [sflag:$0x7] =	stream.indirect_vreg.gather [hbm4b:s3+s4], $0x80, v3, vm0, $0xb8;
	[tilespmem:$0x1EF00] =	vst v63  }
0x327: {  	s16 =	simm.s32 $0x14E00  }
0x328: {  	[tilespmem:s16], [sflag:$0x7] =	stream.indirect_vreg.gather [hbm4b:s7+s4], $0x80, v3, vm0, $0xb8;
	[tilespmem:$0x1EF00] =	vst v63  }
0x329: {  	s16 =	simm.s32 $0x15600  }
0x32a: {  	[tilespmem:s16], [sflag:$0x7] =	stream.indirect_vreg.gather [hbm4b:s8+s4], $0x80, v3, vm0, $0xb8;
	[tilespmem:$0x1EF00] =	vst v63  }
0x32b: {  	v3 =	vld.msk [tilespmem:$0x620], $0xff;
	_ =	sdelay $0x4  }
0x32c: {  	v36 =	vshrl.u32 v3, $0x3  }
0x32d: {  	v4 =	vmul.u32 $0x30, v36  }
0x32e: {  	v3 =	vand.u32 $0x7, v3  }
0x32f: {  	v3 =	vor.u32 v3, v4  }
0x330: {  	v3 =	vperm.xlane v3, v0;
	_ =	sdelay $0x1  }
0x331: {  	v3 =	vadd.s32 v1, v3;
	_ =	sdelay $0x3  }
0x332: {  	s23 =	simm.s32 $0x15E00  }
0x333: {  	[tilespmem:s23], [sflag:$0x7] =	stream.indirect_vreg.gather [hbm4b:s3+s4], $0x80, v3, vm0, $0xb8;
	[tilespmem:$0x1EF00] =	vst v63  }
0x334: {  	s5 =	simm.s32 $0x16600  }
0x335: {  	[tilespmem:s5], [sflag:$0x7] =	stream.indirect_vreg.gather [hbm4b:s7+s4], $0x80, v3, vm0, $0xb8;
	[tilespmem:$0x1EF00] =	vst v63  }
0x336: {  	s23 =	simm.s32 $0x16E00  }
0x337: {  	[tilespmem:s23], [sflag:$0x7] =	stream.indirect_vreg.gather [hbm4b:s8+s4], $0x80, v3, vm0, $0xb8;
	[tilespmem:$0x1EF00] =	vst v63  }
0x338: {  	_ =	swait.ge [sflag:s15], $0x7800  }
0x339: {  	[sflag:s15] =	ssyncset.done $0x0  }
0x33a: {  	[sflag:s15] =	ssyncadd.s32 $0xFFFF8800  }
0x33b: {  	v3 =	vld [tilespmem:$0x680];
	_ =	sdelay $0x4  }
0x33c: {  	v37 =	vshrl.u32 v3, $0x3  }
0x33d: {  	v4 =	vmul.u32 $0x30, v37  }
0x33e: {  	v3 =	vand.u32 $0x7, v3  }
0x33f: {  	v3 =	vor.u32 v3, v4  }
0x340: {  	v4 =	vperm.xlane v3, v0;
	_ =	sdelay $0x1  }
0x341: {  	v4 =	vadd.s32 v1, v4;
	_ =	sdelay $0x3  }
0x342: {  	s26 =	simm.s32 $0x17600;
	v3 =	vperm.xlane v3, v2  }
0x343: {  	[tilespmem:s26], [sflag:$0x8] =	stream.indirect_vreg.gather [hbm4b:s3+s4], $0x80, v4, vm0, $0xb8;
	[tilespmem:$0x1EF00] =	vst v63  }
0x344: {  	s9 =	simm.s32 $0x17E00;
	v3 =	vadd.s32 v1, v3  }
0x345: {  	[tilespmem:s9], [sflag:$0x8] =	stream.indirect_vreg.gather [hbm4b:s7+s4], $0x80, v4, vm0, $0xb8;
	[tilespmem:$0x1EF00] =	vst v63  }
0x346: {  	s26 =	simm.s32 $0x18600  }
0x347: {  	[tilespmem:s26], [sflag:$0x8] =	stream.indirect_vreg.gather [hbm4b:s8+s4], $0x80, v4, vm0, $0xb8;
	[tilespmem:$0x1EF00] =	vst v63  }
0x348: {  	s9 =	simm.s32 $0x18E00  }
0x349: {  	[tilespmem:s9], [sflag:$0x8] =	stream.indirect_vreg.gather [hbm4b:s3+s4], $0x80, v3, vm0, $0xb8;
	[tilespmem:$0x1EF00] =	vst v63  }
0x34a: {  	s26 =	simm.s32 $0x19600  }
0x34b: {  	[tilespmem:s26], [sflag:$0x8] =	stream.indirect_vreg.gather [hbm4b:s7+s4], $0x80, v3, vm0, $0xb8;
	[tilespmem:$0x1EF00] =	vst v63  }
0x34c: {  	s9 =	simm.s32 $0x19E00  }
0x34d: {  	[tilespmem:s9], [sflag:$0x8] =	stream.indirect_vreg.gather [hbm4b:s8+s4], $0x80, v3, vm0, $0xb8;
	[tilespmem:$0x1EF00] =	vst v63  }
0x34e: {  	v3 =	vld [tilespmem:$0x690];
	_ =	sdelay $0x4  }
0x34f: {  	v38 =	vshrl.u32 v3, $0x3  }
0x350: {  	v4 =	vmul.u32 $0x30, v38  }
0x351: {  	v3 =	vand.u32 $0x7, v3  }
0x352: {  	v3 =	vor.u32 v3, v4  }
0x353: {  	v4 =	vperm.xlane v3, v0;
	_ =	sdelay $0x1  }
0x354: {  	v4 =	vadd.s32 v1, v4;
	_ =	sdelay $0x3  }
0x355: {  	s26 =	simm.s32 $0x1A600;
	v3 =	vperm.xlane v3, v2  }
0x356: {  	[tilespmem:s26], [sflag:$0x8] =	stream.indirect_vreg.gather [hbm4b:s3+s4], $0x80, v4, vm0, $0xb8;
	[tilespmem:$0x1EF00] =	vst v63  }
0x357: {  	s9 =	simm.s32 $0x1AE00;
	v3 =	vadd.s32 v1, v3  }
0x358: {  	[tilespmem:s9], [sflag:$0x8] =	stream.indirect_vreg.gather [hbm4b:s7+s4], $0x80, v4, vm0, $0xb8;
	[tilespmem:$0x1EF00] =	vst v63  }
0x359: {  	s26 =	simm.s32 $0x1B600  }
0x35a: {  	[tilespmem:s26], [sflag:$0x8] =	stream.indirect_vreg.gather [hbm4b:s8+s4], $0x80, v4, vm0, $0xb8;
	[tilespmem:$0x1EF00] =	vst v63  }
0x35b: {  	s26 =	simm.s32 $0x1BE00  }
0x35c: {  	[tilespmem:s26], [sflag:$0x8] =	stream.indirect_vreg.gather [hbm4b:s3+s4], $0x80, v3, vm0, $0xb8;
	[tilespmem:$0x1EF00] =	vst v63  }
0x35d: {  	s9 =	simm.s32 $0x1C600  }
0x35e: {  	[tilespmem:s9], [sflag:$0x8] =	stream.indirect_vreg.gather [hbm4b:s7+s4], $0x80, v3, vm0, $0xb8;
	[tilespmem:$0x1EF00] =	vst v63  }
0x35f: {  	s9 =	simm.s32 $0x1CE00  }
0x360: {  	[tilespmem:s9], [sflag:$0x8] =	stream.indirect_vreg.gather [hbm4b:s8+s4], $0x80, v3, vm0, $0xb8;
	[tilespmem:$0x1EF00] =	vst v63  }
0x361: {  	v3 =	vld.msk [tilespmem:$0x6A0], $0xff;
	_ =	sdelay $0x4  }
0x362: {  	v39 =	vshrl.u32 v3, $0x3  }
0x363: {  	v4 =	vmul.u32 $0x30, v39  }
0x364: {  	v3 =	vand.u32 $0x7, v3  }
0x365: {  	v3 =	vor.u32 v3, v4  }
0x366: {  	v3 =	vperm.xlane v3, v0;
	_ =	sdelay $0x1  }
0x367: {  	v3 =	vadd.s32 v1, v3;
	_ =	sdelay $0x3  }
0x368: {  	s9 =	simm.s32 $0x1D600  }
0x369: {  	[tilespmem:s9], [sflag:$0x8] =	stream.indirect_vreg.gather [hbm4b:s3+s4], $0x80, v3, vm0, $0xb8;
	[tilespmem:$0x1EF00] =	vst v63  }
0x36a: {  	s9 =	simm.s32 $0x1DE00  }
0x36b: {  	[tilespmem:s9], [sflag:$0x8] =	stream.indirect_vreg.gather [hbm4b:s7+s4], $0x80, v3, vm0, $0xb8;
	[tilespmem:$0x1EF00] =	vst v63  }
0x36c: {  	s9 =	simm.s32 $0x1E600  }
0x36d: {  	[tilespmem:s9], [sflag:$0x8] =	stream.indirect_vreg.gather [hbm4b:s8+s4], $0x80, v3, vm0, $0xb8;
	[tilespmem:$0x1EF00] =	vst v63  }
0x36e: {  	_ =	swait.ge [sflag:s29], $0x7800  }
0x36f: {  	[sflag:s29] =	ssyncset.done $0x0  }
0x370: {  	[sflag:s29] =	ssyncadd.s32 $0xFFFF8800  }
0x371: {  	v3 =	vld [tilespmem:$0x700];
	_ =	sdelay $0x4  }
0x372: {  	v40 =	vshrl.u32 v3, $0x3  }
0x373: {  	v4 =	vmul.u32 $0x30, v40  }
0x374: {  	v3 =	vand.u32 $0x7, v3  }
0x375: {  	v3 =	vor.u32 v3, v4  }
0x376: {  	v4 =	vperm.xlane v3, v0;
	_ =	sdelay $0x1  }
0x377: {  	v4 =	vadd.s32 v1, v4;
	_ =	sdelay $0x3  }
0x378: {  	s1 =	simm.s32 $0xE00;
	v3 =	vperm.xlane v3, v2  }
0x379: {  	[tilespmem:s1], [sflag:$0x5] =	stream.indirect_vreg.gather [hbm4b:s3+s4], $0x80, v4, vm0, $0xb8;
	[tilespmem:$0x1EF00] =	vst v63  }
0x37a: {  	v3 =	vadd.s32 v1, v3;
	s1 =	simm.s32 $0x1600  }
0x37b: {  	[tilespmem:s1], [sflag:$0x5] =	stream.indirect_vreg.gather [hbm4b:s7+s4], $0x80, v4, vm0, $0xb8;
	[tilespmem:$0x1EF00] =	vst v63  }
0x37c: {  	s1 =	simm.s32 $0x1E00  }
0x37d: {  	[tilespmem:s1], [sflag:$0x5] =	stream.indirect_vreg.gather [hbm4b:s8+s4], $0x80, v4, vm0, $0xb8;
	[tilespmem:$0x1EF00] =	vst v63  }
0x37e: {  	s30 =	simm.s32 $0x2600  }
0x37f: {  	[tilespmem:s30], [sflag:$0x5] =	stream.indirect_vreg.gather [hbm4b:s3+s4], $0x80, v3, vm0, $0xb8;
	[tilespmem:$0x1EF00] =	vst v63  }
0x380: {  	s30 =	simm.s32 $0x2E00  }
0x381: {  	[tilespmem:s30], [sflag:$0x5] =	stream.indirect_vreg.gather [hbm4b:s7+s4], $0x80, v3, vm0, $0xb8;
	[tilespmem:$0x1EF00] =	vst v63  }
0x382: {  	s30 =	simm.s32 $0x3600  }
0x383: {  	[tilespmem:s30], [sflag:$0x5] =	stream.indirect_vreg.gather [hbm4b:s8+s4], $0x80, v3, vm0, $0xb8;
	[tilespmem:$0x1EF00] =	vst v63  }
0x384: {  	v3 =	vld [tilespmem:$0x710];
	_ =	sdelay $0x4  }
0x385: {  	v41 =	vshrl.u32 v3, $0x3  }
0x386: {  	v4 =	vmul.u32 $0x30, v41  }
0x387: {  	v3 =	vand.u32 $0x7, v3  }
0x388: {  	v3 =	vor.u32 v3, v4  }
0x389: {  	v4 =	vperm.xlane v3, v0;
	_ =	sdelay $0x1  }
0x38a: {  	v4 =	vadd.s32 v1, v4;
	_ =	sdelay $0x3  }
0x38b: {  	s30 =	simm.s32 $0x3E00;
	v3 =	vperm.xlane v3, v2  }
0x38c: {  	[tilespmem:s30], [sflag:$0x5] =	stream.indirect_vreg.gather [hbm4b:s3+s4], $0x80, v4, vm0, $0xb8;
	[tilespmem:$0x1EF00] =	vst v63  }
0x38d: {  	v3 =	vadd.s32 v1, v3;
	s30 =	simm.s32 $0x4600  }
0x38e: {  	[tilespmem:s30], [sflag:$0x5] =	stream.indirect_vreg.gather [hbm4b:s7+s4], $0x80, v4, vm0, $0xb8;
	[tilespmem:$0x1EF00] =	vst v63  }
0x38f: {  	s30 =	simm.s32 $0x4E00  }
0x390: {  	[tilespmem:s30], [sflag:$0x5] =	stream.indirect_vreg.gather [hbm4b:s8+s4], $0x80, v4, vm0, $0xb8;
	[tilespmem:$0x1EF00] =	vst v63  }
0x391: {  	s30 =	simm.s32 $0x5600  }
0x392: {  	[tilespmem:s30], [sflag:$0x5] =	stream.indirect_vreg.gather [hbm4b:s3+s4], $0x80, v3, vm0, $0xb8;
	[tilespmem:$0x1EF00] =	vst v63  }
0x393: {  	s30 =	simm.s32 $0x5E00  }
0x394: {  	[tilespmem:s30], [sflag:$0x5] =	stream.indirect_vreg.gather [hbm4b:s7+s4], $0x80, v3, vm0, $0xb8;
	[tilespmem:$0x1EF00] =	vst v63  }
0x395: {  	_ = 	snop  }
0x396: {  	[tilespmem:s0], [sflag:$0x5] =	stream.indirect_vreg.gather [hbm4b:s8+s4], $0x80, v3, vm0, $0xb8;
	[tilespmem:$0x1EF00] =	vst v63  }
0x397: {  	v3 =	vld.msk [tilespmem:$0x720], $0xff;
	_ =	sdelay $0x4  }
0x398: {  	v42 =	vshrl.u32 v3, $0x3  }
0x399: {  	v4 =	vmul.u32 $0x30, v42  }
0x39a: {  	v3 =	vand.u32 $0x7, v3  }
0x39b: {  	v3 =	vor.u32 v3, v4  }
0x39c: {  	v3 =	vperm.xlane v3, v0;
	_ =	sdelay $0x1  }
0x39d: {  	v3 =	vadd.s32 v1, v3;
	_ =	sdelay $0x4  }
0x39e: {  	[tilespmem:s12], [sflag:$0x5] =	stream.indirect_vreg.gather [hbm4b:s3+s4], $0x80, v3, vm0, $0xb8;
	[tilespmem:$0x1EF00] =	vst v63  }
0x39f: {  	_ = 	snop  }
0x3a0: {  	[tilespmem:s14], [sflag:$0x5] =	stream.indirect_vreg.gather [hbm4b:s7+s4], $0x80, v3, vm0, $0xb8;
	[tilespmem:$0x1EF00] =	vst v63  }
0x3a1: {  	_ = 	snop  }
0x3a2: {  	[tilespmem:s22], [sflag:$0x5] =	stream.indirect_vreg.gather [hbm4b:s8+s4], $0x80, v3, vm0, $0xb8;
	[tilespmem:$0x1EF00] =	vst v63  }
0x3a3: {  	_ =	swait.ge [sflag:s31], $0x7800  }
0x3a4: {  	s9 =	sadd.s32 $0xFFFFFFE7, s6;
	[sflag:s31] =	ssyncset.done $0x0  }
0x3a5: {  	s30 =	simm.s32 $0x1EE00;
	s12 =	simm.s32 $0x9;
	[sflag:s31] =	ssyncadd.s32 $0xFFFF8800  }
0x3a6: {  	[hbm4b:s9+s4] =	stream.linear.scatter [tilespmem:s30], [sflag:$0x9], $0xC8, $0x38;
	[tilespmem:$0x1EF00] =	vst v63  }
0x3a7: {  	s17 =	sadd.s32 $0x180, s17;
	s14 =	simm.s32 $0x9;
	_ =	swait.ge [sflag:s12], $0xC8  }
0x3a8: {  	s22 =	simm.s32 $0x9;
	s9 =	simm.s32 $0x1;
	[sflag:s14] =	ssyncset.done $0x0  }
0x3a9: {  	s12 =	simm.s32 $0x1;
	s14 =	sand.u32 $0x380, s17;
	[sflag:s22] =	ssyncadd.s32 $0xFFFFFF38  }
0x3aa: {  	s17 =	simm.s32 $0x80;
	s13 =	sor.u32 s13, s14;
	_ =	swait.ge [sflag:s9], $0x300  }
0x3ab: {  	s14 =	simm.s32 $0x300;
	s13 =	sshrl.u32 s13, $0x3;
	[sflag:s9] =	ssyncset.done $0x0  }
0x3ac: {  	s22 =	simm.s32 $0x400;
	s13 =	sadd.s32 s2, s13;
	[sflag:s12] =	ssyncadd.s32 $0xFFFFFD00  }
0x3ad: {  	[tilespmem:s14], [sflag:$0x2] =	stream.strided.gather [hbm4b:s13+s17], $0x300, s22, s17, $0x38;
	[tilespmem:$0x1EF00] =	vst v63  }
0x3ae: {  	s11 =	sadd.s32 $0x180, s11;
	s9 =	simm.s32 $0xA00  }
0x3af: {  	[tilespmem:s9], [sflag:$0x4] =	stream.linear.gather [hbm4b:s11+s4], $0x280, $0x38;
	[tilespmem:$0x1EF00] =	vst v63  }
0x3b0: {  	v3 =	vld [tilespmem:$0x780];
	_ =	sdelay $0x4  }
0x3b1: {  	v43 =	vshrl.u32 v3, $0x3  }
0x3b2: {  	v4 =	vmul.u32 $0x30, v43  }
0x3b3: {  	v3 =	vand.u32 $0x7, v3  }
0x3b4: {  	v3 =	vor.u32 v3, v4  }
0x3b5: {  	v4 =	vperm.xlane v3, v0;
	_ =	sdelay $0x1  }
0x3b6: {  	v4 =	vadd.s32 v1, v4;
	_ =	sdelay $0x3  }
0x3b7: {  	s11 =	simm.s32 $0x8600;
	v3 =	vperm.xlane v3, v2  }
0x3b8: {  	[tilespmem:s11], [sflag:$0x6] =	stream.indirect_vreg.gather [hbm4b:s3+s4], $0x80, v4, vm0, $0xb8;
	[tilespmem:$0x1EF00] =	vst v63  }
0x3b9: {  	s12 =	simm.s32 $0x8E00;
	v3 =	vadd.s32 v1, v3  }
0x3ba: {  	[tilespmem:s12], [sflag:$0x6] =	stream.indirect_vreg.gather [hbm4b:s7+s4], $0x80, v4, vm0, $0xb8;
	[tilespmem:$0x1EF00] =	vst v63  }
0x3bb: {  	s13 =	simm.s32 $0x9600  }
0x3bc: {  	[tilespmem:s13], [sflag:$0x6] =	stream.indirect_vreg.gather [hbm4b:s8+s4], $0x80, v4, vm0, $0xb8;
	[tilespmem:$0x1EF00] =	vst v63  }
0x3bd: {  	s1 =	simm.s32 $0x9E00  }
0x3be: {  	[tilespmem:s1], [sflag:$0x6] =	stream.indirect_vreg.gather [hbm4b:s3+s4], $0x80, v3, vm0, $0xb8;
	[tilespmem:$0x1EF00] =	vst v63  }
0x3bf: {  	s22 =	simm.s32 $0xA600  }
0x3c0: {  	[tilespmem:s22], [sflag:$0x6] =	stream.indirect_vreg.gather [hbm4b:s7+s4], $0x80, v3, vm0, $0xb8;
	[tilespmem:$0x1EF00] =	vst v63  }
0x3c1: {  	s14 =	simm.s32 $0xAE00  }
0x3c2: {  	[tilespmem:s14], [sflag:$0x6] =	stream.indirect_vreg.gather [hbm4b:s8+s4], $0x80, v3, vm0, $0xb8;
	[tilespmem:$0x1EF00] =	vst v63  }
0x3c3: {  	v3 =	vld [tilespmem:$0x790];
	_ =	sdelay $0x4  }
0x3c4: {  	v44 =	vshrl.u32 v3, $0x3  }
0x3c5: {  	v4 =	vmul.u32 $0x30, v44  }
0x3c6: {  	v3 =	vand.u32 $0x7, v3  }
0x3c7: {  	v3 =	vor.u32 v3, v4  }
0x3c8: {  	v4 =	vperm.xlane v3, v0;
	_ =	sdelay $0x1  }
0x3c9: {  	v4 =	vadd.s32 v1, v4;
	_ =	sdelay $0x3  }
0x3ca: {  	s9 =	simm.s32 $0xB600;
	v3 =	vperm.xlane v3, v2  }
0x3cb: {  	[tilespmem:s9], [sflag:$0x6] =	stream.indirect_vreg.gather [hbm4b:s3+s4], $0x80, v4, vm0, $0xb8;
	[tilespmem:$0x1EF00] =	vst v63  }
0x3cc: {  	s17 =	simm.s32 $0xBE00;
	v3 =	vadd.s32 v1, v3  }
0x3cd: {  	[tilespmem:s17], [sflag:$0x6] =	stream.indirect_vreg.gather [hbm4b:s7+s4], $0x80, v4, vm0, $0xb8;
	[tilespmem:$0x1EF00] =	vst v63  }
0x3ce: {  	s0 =	simm.s32 $0xC600  }
0x3cf: {  	[tilespmem:s0], [sflag:$0x6] =	stream.indirect_vreg.gather [hbm4b:s8+s4], $0x80, v4, vm0, $0xb8;
	[tilespmem:$0x1EF00] =	vst v63  }
0x3d0: {  	s1 =	simm.s32 $0xCE00  }
0x3d1: {  	[tilespmem:s1], [sflag:$0x6] =	stream.indirect_vreg.gather [hbm4b:s3+s4], $0x80, v3, vm0, $0xb8;
	[tilespmem:$0x1EF00] =	vst v63  }
0x3d2: {  	s11 =	simm.s32 $0xD600  }
0x3d3: {  	[tilespmem:s11], [sflag:$0x6] =	stream.indirect_vreg.gather [hbm4b:s7+s4], $0x80, v3, vm0, $0xb8;
	[tilespmem:$0x1EF00] =	vst v63  }
0x3d4: {  	s12 =	simm.s32 $0xDE00  }
0x3d5: {  	[tilespmem:s12], [sflag:$0x6] =	stream.indirect_vreg.gather [hbm4b:s8+s4], $0x80, v3, vm0, $0xb8;
	[tilespmem:$0x1EF00] =	vst v63  }
0x3d6: {  	v3 =	vld.msk [tilespmem:$0x7A0], $0xff;
	_ =	sdelay $0x4  }
0x3d7: {  	v45 =	vshrl.u32 v3, $0x3  }
0x3d8: {  	v4 =	vmul.u32 $0x30, v45  }
0x3d9: {  	v3 =	vand.u32 $0x7, v3  }
0x3da: {  	v3 =	vor.u32 v3, v4  }
0x3db: {  	v3 =	vperm.xlane v3, v0;
	_ =	sdelay $0x1  }
0x3dc: {  	v3 =	vadd.s32 v1, v3;
	_ =	sdelay $0x3  }
0x3dd: {  	s13 =	simm.s32 $0xE600  }
0x3de: {  	[tilespmem:s13], [sflag:$0x6] =	stream.indirect_vreg.gather [hbm4b:s3+s4], $0x80, v3, vm0, $0xb8;
	[tilespmem:$0x1EF00] =	vst v63  }
0x3df: {  	s14 =	simm.s32 $0xEE00  }
0x3e0: {  	[tilespmem:s14], [sflag:$0x6] =	stream.indirect_vreg.gather [hbm4b:s7+s4], $0x80, v3, vm0, $0xb8;
	[tilespmem:$0x1EF00] =	vst v63  }
0x3e1: {  	s31 =	simm.s32 $0x7;
	s17 =	simm.s32 $0xF600  }
0x3e2: {  	[tilespmem:s17], [sflag:$0x6] =	stream.indirect_vreg.gather [hbm4b:s8+s4], $0x80, v3, vm0, $0xb8;
	[tilespmem:$0x1EF00] =	vst v63  }
0x3e3: {  	_ =	swait.ge [sflag:s31], $0x7800  }
0x3e4: {  	[sflag:s31] =	ssyncset.done $0x0  }
0x3e5: {  	[sflag:s31] =	ssyncadd.s32 $0xFFFF8800  }
0x3e6: {  	v3 =	vld [tilespmem:$0x800];
	_ =	sdelay $0x4  }
0x3e7: {  	v46 =	vshrl.u32 v3, $0x3  }
0x3e8: {  	v4 =	vmul.u32 $0x30, v46  }
0x3e9: {  	v3 =	vand.u32 $0x7, v3  }
0x3ea: {  	v3 =	vor.u32 v3, v4  }
0x3eb: {  	v4 =	vperm.xlane v3, v0;
	_ =	sdelay $0x1  }
0x3ec: {  	v4 =	vadd.s32 v1, v4;
	_ =	sdelay $0x3  }
0x3ed: {  	v3 =	vperm.xlane v3, v2  }
0x3ee: {  	[tilespmem:s19], [sflag:$0x7] =	stream.indirect_vreg.gather [hbm4b:s3+s4], $0x80, v4, vm0, $0xb8;
	[tilespmem:$0x1EF00] =	vst v63  }
0x3ef: {  	v3 =	vadd.s32 v1, v3;
	s19 =	simm.s32 $0x10600  }
0x3f0: {  	[tilespmem:s19], [sflag:$0x7] =	stream.indirect_vreg.gather [hbm4b:s7+s4], $0x80, v4, vm0, $0xb8;
	[tilespmem:$0x1EF00] =	vst v63  }
0x3f1: {  	_ = 	snop  }
0x3f2: {  	[tilespmem:s24], [sflag:$0x7] =	stream.indirect_vreg.gather [hbm4b:s8+s4], $0x80, v4, vm0, $0xb8;
	[tilespmem:$0x1EF00] =	vst v63  }
0x3f3: {  	_ = 	snop  }
0x3f4: {  	[tilespmem:s25], [sflag:$0x7] =	stream.indirect_vreg.gather [hbm4b:s3+s4], $0x80, v3, vm0, $0xb8;
	[tilespmem:$0x1EF00] =	vst v63  }
0x3f5: {  	_ = 	snop  }
0x3f6: {  	[tilespmem:s18], [sflag:$0x7] =	stream.indirect_vreg.gather [hbm4b:s7+s4], $0x80, v3, vm0, $0xb8;
	[tilespmem:$0x1EF00] =	vst v63  }
0x3f7: {  	_ = 	snop  }
0x3f8: {  	[tilespmem:s20], [sflag:$0x7] =	stream.indirect_vreg.gather [hbm4b:s8+s4], $0x80, v3, vm0, $0xb8;
	[tilespmem:$0x1EF00] =	vst v63  }
0x3f9: {  	v3 =	vld [tilespmem:$0x810];
	_ =	sdelay $0x4  }
0x3fa: {  	v47 =	vshrl.u32 v3, $0x3  }
0x3fb: {  	v4 =	vmul.u32 $0x30, v47  }
0x3fc: {  	v3 =	vand.u32 $0x7, v3  }
0x3fd: {  	v3 =	vor.u32 v3, v4  }
0x3fe: {  	v4 =	vperm.xlane v3, v0;
	_ =	sdelay $0x1  }
0x3ff: {  	v4 =	vadd.s32 v1, v4;
	_ =	sdelay $0x3  }
0x400: {  	v3 =	vperm.xlane v3, v2  }
0x401: {  	[tilespmem:s21], [sflag:$0x7] =	stream.indirect_vreg.gather [hbm4b:s3+s4], $0x80, v4, vm0, $0xb8;
	[tilespmem:$0x1EF00] =	vst v63  }
0x402: {  	v3 =	vadd.s32 v1, v3;
	s21 =	simm.s32 $0x13600  }
0x403: {  	[tilespmem:s21], [sflag:$0x7] =	stream.indirect_vreg.gather [hbm4b:s7+s4], $0x80, v4, vm0, $0xb8;
	[tilespmem:$0x1EF00] =	vst v63  }
0x404: {  	s24 =	simm.s32 $0x13E00  }
0x405: {  	[tilespmem:s24], [sflag:$0x7] =	stream.indirect_vreg.gather [hbm4b:s8+s4], $0x80, v4, vm0, $0xb8;
	[tilespmem:$0x1EF00] =	vst v63  }
0x406: {  	s25 =	simm.s32 $0x14600  }
0x407: {  	[tilespmem:s25], [sflag:$0x7] =	stream.indirect_vreg.gather [hbm4b:s3+s4], $0x80, v3, vm0, $0xb8;
	[tilespmem:$0x1EF00] =	vst v63  }
0x408: {  	s0 =	simm.s32 $0x14E00  }
0x409: {  	[tilespmem:s0], [sflag:$0x7] =	stream.indirect_vreg.gather [hbm4b:s7+s4], $0x80, v3, vm0, $0xb8;
	[tilespmem:$0x1EF00] =	vst v63  }
0x40a: {  	_ = 	snop  }
0x40b: {  	[tilespmem:s16], [sflag:$0x7] =	stream.indirect_vreg.gather [hbm4b:s8+s4], $0x80, v3, vm0, $0xb8;
	[tilespmem:$0x1EF00] =	vst v63  }
0x40c: {  	v3 =	vld.msk [tilespmem:$0x820], $0xff;
	_ =	sdelay $0x4  }
0x40d: {  	v48 =	vshrl.u32 v3, $0x3  }
0x40e: {  	v4 =	vmul.u32 $0x30, v48  }
0x40f: {  	v3 =	vand.u32 $0x7, v3  }
0x410: {  	v3 =	vor.u32 v3, v4  }
0x411: {  	v3 =	vperm.xlane v3, v0;
	_ =	sdelay $0x1  }
0x412: {  	v3 =	vadd.s32 v1, v3;
	_ =	sdelay $0x3  }
0x413: {  	s1 =	simm.s32 $0x15E00  }
0x414: {  	[tilespmem:s1], [sflag:$0x7] =	stream.indirect_vreg.gather [hbm4b:s3+s4], $0x80, v3, vm0, $0xb8;
	[tilespmem:$0x1EF00] =	vst v63  }
0x415: {  	_ = 	snop  }
0x416: {  	[tilespmem:s5], [sflag:$0x7] =	stream.indirect_vreg.gather [hbm4b:s7+s4], $0x80, v3, vm0, $0xb8;
	[tilespmem:$0x1EF00] =	vst v63  }
0x417: {  	_ = 	snop  }
0x418: {  	[tilespmem:s23], [sflag:$0x7] =	stream.indirect_vreg.gather [hbm4b:s8+s4], $0x80, v3, vm0, $0xb8;
	[tilespmem:$0x1EF00] =	vst v63  }
0x419: {  	_ =	swait.ge [sflag:s15], $0x7800  }
0x41a: {  	[sflag:s15] =	ssyncset.done $0x0  }
0x41b: {  	s11 =	simm.s32 $0x4;
	[sflag:s15] =	ssyncadd.s32 $0xFFFF8800  }
0x41c: {  	_ =	swait.ge [sflag:s11], $0x280  }
0x41d: {  	[sflag:s11] =	ssyncset.done $0x0  }
0x41e: {  	[sflag:s11] =	ssyncadd.s32 $0xFFFFFD80  }
0x41f: {  	v3 =	vld [tilespmem:$0xA00];
	_ =	sdelay $0x4  }
0x420: {  	v49 =	vshrl.u32 v3, $0x3  }
0x421: {  	v4 =	vmul.u32 $0x30, v49  }
0x422: {  	v3 =	vand.u32 $0x7, v3  }
0x423: {  	v3 =	vor.u32 v3, v4  }
0x424: {  	v4 =	vperm.xlane v3, v0;
	_ =	sdelay $0x1  }
0x425: {  	v4 =	vadd.s32 v1, v4;
	_ =	sdelay $0x3  }
0x426: {  	s12 =	simm.s32 $0x17600;
	v3 =	vperm.xlane v3, v2  }
0x427: {  	[tilespmem:s12], [sflag:$0x8] =	stream.indirect_vreg.gather [hbm4b:s3+s4], $0x80, v4, vm0, $0xb8;
	[tilespmem:$0x1EF00] =	vst v63  }
0x428: {  	s15 =	simm.s32 $0x17E00;
	v3 =	vadd.s32 v1, v3  }
0x429: {  	[tilespmem:s15], [sflag:$0x8] =	stream.indirect_vreg.gather [hbm4b:s7+s4], $0x80, v4, vm0, $0xb8;
	[tilespmem:$0x1EF00] =	vst v63  }
0x42a: {  	s16 =	simm.s32 $0x18600  }
0x42b: {  	[tilespmem:s16], [sflag:$0x8] =	stream.indirect_vreg.gather [hbm4b:s8+s4], $0x80, v4, vm0, $0xb8;
	[tilespmem:$0x1EF00] =	vst v63  }
0x42c: {  	s18 =	simm.s32 $0x18E00  }
0x42d: {  	[tilespmem:s18], [sflag:$0x8] =	stream.indirect_vreg.gather [hbm4b:s3+s4], $0x80, v3, vm0, $0xb8;
	[tilespmem:$0x1EF00] =	vst v63  }
0x42e: {  	s19 =	simm.s32 $0x19600  }
0x42f: {  	[tilespmem:s19], [sflag:$0x8] =	stream.indirect_vreg.gather [hbm4b:s7+s4], $0x80, v3, vm0, $0xb8;
	[tilespmem:$0x1EF00] =	vst v63  }
0x430: {  	s20 =	simm.s32 $0x19E00  }
0x431: {  	[tilespmem:s20], [sflag:$0x8] =	stream.indirect_vreg.gather [hbm4b:s8+s4], $0x80, v3, vm0, $0xb8;
	[tilespmem:$0x1EF00] =	vst v63  }
0x432: {  	v3 =	vld [tilespmem:$0xA10];
	_ =	sdelay $0x4  }
0x433: {  	v50 =	vshrl.u32 v3, $0x3  }
0x434: {  	v4 =	vmul.u32 $0x30, v50  }
0x435: {  	v3 =	vand.u32 $0x7, v3  }
0x436: {  	v3 =	vor.u32 v3, v4  }
0x437: {  	v4 =	vperm.xlane v3, v0;
	_ =	sdelay $0x1  }
0x438: {  	v4 =	vadd.s32 v1, v4;
	_ =	sdelay $0x3  }
0x439: {  	s21 =	simm.s32 $0x1A600;
	v3 =	vperm.xlane v3, v2  }
0x43a: {  	[tilespmem:s21], [sflag:$0x8] =	stream.indirect_vreg.gather [hbm4b:s3+s4], $0x80, v4, vm0, $0xb8;
	[tilespmem:$0x1EF00] =	vst v63  }
0x43b: {  	s23 =	simm.s32 $0x1AE00;
	v3 =	vadd.s32 v1, v3  }
0x43c: {  	[tilespmem:s23], [sflag:$0x8] =	stream.indirect_vreg.gather [hbm4b:s7+s4], $0x80, v4, vm0, $0xb8;
	[tilespmem:$0x1EF00] =	vst v63  }
0x43d: {  	s25 =	simm.s32 $0x1B600  }
0x43e: {  	[tilespmem:s25], [sflag:$0x8] =	stream.indirect_vreg.gather [hbm4b:s8+s4], $0x80, v4, vm0, $0xb8;
	[tilespmem:$0x1EF00] =	vst v63  }
0x43f: {  	_ = 	snop  }
0x440: {  	[tilespmem:s26], [sflag:$0x8] =	stream.indirect_vreg.gather [hbm4b:s3+s4], $0x80, v3, vm0, $0xb8;
	[tilespmem:$0x1EF00] =	vst v63  }
0x441: {  	s26 =	simm.s32 $0x1C600  }
0x442: {  	[tilespmem:s26], [sflag:$0x8] =	stream.indirect_vreg.gather [hbm4b:s7+s4], $0x80, v3, vm0, $0xb8;
	[tilespmem:$0x1EF00] =	vst v63  }
0x443: {  	s18 =	simm.s32 $0x1CE00  }
0x444: {  	[tilespmem:s18], [sflag:$0x8] =	stream.indirect_vreg.gather [hbm4b:s8+s4], $0x80, v3, vm0, $0xb8;
	[tilespmem:$0x1EF00] =	vst v63  }
0x445: {  	v3 =	vld.msk [tilespmem:$0xA20], $0xff;
	_ =	sdelay $0x4  }
0x446: {  	v51 =	vshrl.u32 v3, $0x3  }
0x447: {  	v4 =	vmul.u32 $0x30, v51  }
0x448: {  	v3 =	vand.u32 $0x7, v3  }
0x449: {  	v3 =	vor.u32 v3, v4  }
0x44a: {  	v3 =	vperm.xlane v3, v0;
	_ =	sdelay $0x1  }
0x44b: {  	v3 =	vadd.s32 v1, v3;
	_ =	sdelay $0x3  }
0x44c: {  	s20 =	simm.s32 $0x1D600  }
0x44d: {  	[tilespmem:s20], [sflag:$0x8] =	stream.indirect_vreg.gather [hbm4b:s3+s4], $0x80, v3, vm0, $0xb8;
	[tilespmem:$0x1EF00] =	vst v63  }
0x44e: {  	s21 =	simm.s32 $0x1DE00  }
0x44f: {  	[tilespmem:s21], [sflag:$0x8] =	stream.indirect_vreg.gather [hbm4b:s7+s4], $0x80, v3, vm0, $0xb8;
	[tilespmem:$0x1EF00] =	vst v63  }
0x450: {  	s25 =	simm.s32 $0x1E600  }
0x451: {  	[tilespmem:s25], [sflag:$0x8] =	stream.indirect_vreg.gather [hbm4b:s8+s4], $0x80, v3, vm0, $0xb8;
	[tilespmem:$0x1EF00] =	vst v63  }
0x452: {  	_ =	swait.ge [sflag:s29], $0x7800  }
0x453: {  	[sflag:s29] =	ssyncset.done $0x0  }
0x454: {  	[sflag:s29] =	ssyncadd.s32 $0xFFFF8800  }
0x455: {  	v3 =	vld [tilespmem:$0xA80];
	_ =	sdelay $0x4  }
0x456: {  	v52 =	vshrl.u32 v3, $0x3  }
0x457: {  	v4 =	vmul.u32 $0x30, v52  }
0x458: {  	v3 =	vand.u32 $0x7, v3  }
0x459: {  	v3 =	vor.u32 v3, v4  }
0x45a: {  	v4 =	vperm.xlane v3, v0;
	_ =	sdelay $0x1  }
0x45b: {  	v4 =	vadd.s32 v1, v4;
	_ =	sdelay $0x3  }
0x45c: {  	s20 =	simm.s32 $0xE00;
	v3 =	vperm.xlane v3, v2  }
0x45d: {  	[tilespmem:s20], [sflag:$0x5] =	stream.indirect_vreg.gather [hbm4b:s3+s4], $0x80, v4, vm0, $0xb8;
	[tilespmem:$0x1EF00] =	vst v63  }
0x45e: {  	s25 =	simm.s32 $0x1600;
	v3 =	vadd.s32 v1, v3  }
0x45f: {  	[tilespmem:s25], [sflag:$0x5] =	stream.indirect_vreg.gather [hbm4b:s7+s4], $0x80, v4, vm0, $0xb8;
	[tilespmem:$0x1EF00] =	vst v63  }
0x460: {  	s20 =	simm.s32 $0x1E00  }
0x461: {  	[tilespmem:s20], [sflag:$0x5] =	stream.indirect_vreg.gather [hbm4b:s8+s4], $0x80, v4, vm0, $0xb8;
	[tilespmem:$0x1EF00] =	vst v63  }
0x462: {  	s25 =	simm.s32 $0x2600  }
0x463: {  	[tilespmem:s25], [sflag:$0x5] =	stream.indirect_vreg.gather [hbm4b:s3+s4], $0x80, v3, vm0, $0xb8;
	[tilespmem:$0x1EF00] =	vst v63  }
0x464: {  	s20 =	simm.s32 $0x2E00  }
0x465: {  	[tilespmem:s20], [sflag:$0x5] =	stream.indirect_vreg.gather [hbm4b:s7+s4], $0x80, v3, vm0, $0xb8;
	[tilespmem:$0x1EF00] =	vst v63  }
0x466: {  	s25 =	simm.s32 $0x3600  }
0x467: {  	[tilespmem:s25], [sflag:$0x5] =	stream.indirect_vreg.gather [hbm4b:s8+s4], $0x80, v3, vm0, $0xb8;
	[tilespmem:$0x1EF00] =	vst v63  }
0x468: {  	v3 =	vld [tilespmem:$0xA90];
	_ =	sdelay $0x4  }
0x469: {  	v53 =	vshrl.u32 v3, $0x3  }
0x46a: {  	v4 =	vmul.u32 $0x30, v53  }
0x46b: {  	v3 =	vand.u32 $0x7, v3  }
0x46c: {  	v3 =	vor.u32 v3, v4  }
0x46d: {  	v4 =	vperm.xlane v3, v0;
	_ =	sdelay $0x1  }
0x46e: {  	v4 =	vadd.s32 v1, v4;
	_ =	sdelay $0x3  }
0x46f: {  	s20 =	simm.s32 $0x3E00;
	v3 =	vperm.xlane v3, v2  }
0x470: {  	[tilespmem:s20], [sflag:$0x5] =	stream.indirect_vreg.gather [hbm4b:s3+s4], $0x80, v4, vm0, $0xb8;
	[tilespmem:$0x1EF00] =	vst v63  }
0x471: {  	s25 =	simm.s32 $0x4600;
	v3 =	vadd.s32 v1, v3  }
0x472: {  	[tilespmem:s25], [sflag:$0x5] =	stream.indirect_vreg.gather [hbm4b:s7+s4], $0x80, v4, vm0, $0xb8;
	[tilespmem:$0x1EF00] =	vst v63  }
0x473: {  	s20 =	simm.s32 $0x4E00  }
0x474: {  	[tilespmem:s20], [sflag:$0x5] =	stream.indirect_vreg.gather [hbm4b:s8+s4], $0x80, v4, vm0, $0xb8;
	[tilespmem:$0x1EF00] =	vst v63  }
0x475: {  	s25 =	simm.s32 $0x5600  }
0x476: {  	[tilespmem:s25], [sflag:$0x5] =	stream.indirect_vreg.gather [hbm4b:s3+s4], $0x80, v3, vm0, $0xb8;
	[tilespmem:$0x1EF00] =	vst v63  }
0x477: {  	s20 =	simm.s32 $0x5E00  }
0x478: {  	[tilespmem:s20], [sflag:$0x5] =	stream.indirect_vreg.gather [hbm4b:s7+s4], $0x80, v3, vm0, $0xb8;
	[tilespmem:$0x1EF00] =	vst v63  }
0x479: {  	s25 =	simm.s32 $0x6600  }
0x47a: {  	[tilespmem:s25], [sflag:$0x5] =	stream.indirect_vreg.gather [hbm4b:s8+s4], $0x80, v3, vm0, $0xb8;
	[tilespmem:$0x1EF00] =	vst v63  }
0x47b: {  	v3 =	vld.msk [tilespmem:$0xAA0], $0xff;
	_ =	sdelay $0x4  }
0x47c: {  	v54 =	vshrl.u32 v3, $0x3  }
0x47d: {  	v4 =	vmul.u32 $0x30, v54  }
0x47e: {  	v3 =	vand.u32 $0x7, v3  }
0x47f: {  	v3 =	vor.u32 v3, v4  }
0x480: {  	v3 =	vperm.xlane v3, v0;
	_ =	sdelay $0x1  }
0x481: {  	v3 =	vadd.s32 v1, v3;
	_ =	sdelay $0x3  }
0x482: {  	s17 =	simm.s32 $0x6E00  }
0x483: {  	[tilespmem:s17], [sflag:$0x5] =	stream.indirect_vreg.gather [hbm4b:s3+s4], $0x80, v3, vm0, $0xb8;
	[tilespmem:$0x1EF00] =	vst v63  }
0x484: {  	s14 =	simm.s32 $0x7600  }
0x485: {  	[tilespmem:s14], [sflag:$0x5] =	stream.indirect_vreg.gather [hbm4b:s7+s4], $0x80, v3, vm0, $0xb8;
	[tilespmem:$0x1EF00] =	vst v63  }
0x486: {  	s13 =	simm.s32 $0x7E00;
	s5 =	simm.s32 $0x6  }
0x487: {  	[tilespmem:s13], [sflag:$0x5] =	stream.indirect_vreg.gather [hbm4b:s8+s4], $0x80, v3, vm0, $0xb8;
	[tilespmem:$0x1EF00] =	vst v63  }
0x488: {  	_ =	swait.ge [sflag:s5], $0x7800  }
0x489: {  	[sflag:s5] =	ssyncset.done $0x0  }
0x48a: {  	[sflag:s5] =	ssyncadd.s32 $0xFFFF8800  }
0x48b: {  	v3 =	vld [tilespmem:$0xB00];
	_ =	sdelay $0x4  }
0x48c: {  	v55 =	vshrl.u32 v3, $0x3  }
0x48d: {  	v4 =	vmul.u32 $0x30, v55  }
0x48e: {  	v3 =	vand.u32 $0x7, v3  }
0x48f: {  	v3 =	vor.u32 v3, v4  }
0x490: {  	v4 =	vperm.xlane v3, v0;
	_ =	sdelay $0x1  }
0x491: {  	v4 =	vadd.s32 v1, v4;
	_ =	sdelay $0x3  }
0x492: {  	s11 =	simm.s32 $0x8600;
	v3 =	vperm.xlane v3, v2  }
0x493: {  	[tilespmem:s11], [sflag:$0x6] =	stream.indirect_vreg.gather [hbm4b:s3+s4], $0x80, v4, vm0, $0xb8;
	[tilespmem:$0x1EF00] =	vst v63  }
0x494: {  	s13 =	simm.s32 $0x8E00;
	v3 =	vadd.s32 v1, v3  }
0x495: {  	[tilespmem:s13], [sflag:$0x6] =	stream.indirect_vreg.gather [hbm4b:s7+s4], $0x80, v4, vm0, $0xb8;
	[tilespmem:$0x1EF00] =	vst v63  }
0x496: {  	s14 =	simm.s32 $0x9600  }
0x497: {  	[tilespmem:s14], [sflag:$0x6] =	stream.indirect_vreg.gather [hbm4b:s8+s4], $0x80, v4, vm0, $0xb8;
	[tilespmem:$0x1EF00] =	vst v63  }
0x498: {  	s17 =	simm.s32 $0x9E00  }
0x499: {  	[tilespmem:s17], [sflag:$0x6] =	stream.indirect_vreg.gather [hbm4b:s3+s4], $0x80, v3, vm0, $0xb8;
	[tilespmem:$0x1EF00] =	vst v63  }
0x49a: {  	_ = 	snop  }
0x49b: {  	[tilespmem:s22], [sflag:$0x6] =	stream.indirect_vreg.gather [hbm4b:s7+s4], $0x80, v3, vm0, $0xb8;
	[tilespmem:$0x1EF00] =	vst v63  }
0x49c: {  	s20 =	simm.s32 $0xAE00  }
0x49d: {  	[tilespmem:s20], [sflag:$0x6] =	stream.indirect_vreg.gather [hbm4b:s8+s4], $0x80, v3, vm0, $0xb8;
	[tilespmem:$0x1EF00] =	vst v63  }
0x49e: {  	v3 =	vld [tilespmem:$0xB10];
	_ =	sdelay $0x4  }
0x49f: {  	v56 =	vshrl.u32 v3, $0x3  }
0x4a0: {  	v4 =	vmul.u32 $0x30, v56  }
0x4a1: {  	v3 =	vand.u32 $0x7, v3  }
0x4a2: {  	v3 =	vor.u32 v3, v4  }
0x4a3: {  	v4 =	vperm.xlane v3, v0;
	_ =	sdelay $0x1  }
0x4a4: {  	v4 =	vadd.s32 v1, v4;
	_ =	sdelay $0x3  }
0x4a5: {  	v3 =	vperm.xlane v3, v2  }
0x4a6: {  	[tilespmem:s9], [sflag:$0x6] =	stream.indirect_vreg.gather [hbm4b:s3+s4], $0x80, v4, vm0, $0xb8;
	[tilespmem:$0x1EF00] =	vst v63  }
0x4a7: {  	s22 =	simm.s32 $0xBE00;
	v3 =	vadd.s32 v1, v3  }
0x4a8: {  	[tilespmem:s22], [sflag:$0x6] =	stream.indirect_vreg.gather [hbm4b:s7+s4], $0x80, v4, vm0, $0xb8;
	[tilespmem:$0x1EF00] =	vst v63  }
0x4a9: {  	s11 =	simm.s32 $0xC600  }
0x4aa: {  	[tilespmem:s11], [sflag:$0x6] =	stream.indirect_vreg.gather [hbm4b:s8+s4], $0x80, v4, vm0, $0xb8;
	[tilespmem:$0x1EF00] =	vst v63  }
0x4ab: {  	s13 =	simm.s32 $0xCE00  }
0x4ac: {  	[tilespmem:s13], [sflag:$0x6] =	stream.indirect_vreg.gather [hbm4b:s3+s4], $0x80, v3, vm0, $0xb8;
	[tilespmem:$0x1EF00] =	vst v63  }
0x4ad: {  	s14 =	simm.s32 $0xD600  }
0x4ae: {  	[tilespmem:s14], [sflag:$0x6] =	stream.indirect_vreg.gather [hbm4b:s7+s4], $0x80, v3, vm0, $0xb8;
	[tilespmem:$0x1EF00] =	vst v63  }
0x4af: {  	s17 =	simm.s32 $0xDE00  }
0x4b0: {  	[tilespmem:s17], [sflag:$0x6] =	stream.indirect_vreg.gather [hbm4b:s8+s4], $0x80, v3, vm0, $0xb8;
	[tilespmem:$0x1EF00] =	vst v63  }
0x4b1: {  	v3 =	vld.msk [tilespmem:$0xB20], $0xff;
	_ =	sdelay $0x4  }
0x4b2: {  	v57 =	vshrl.u32 v3, $0x3  }
0x4b3: {  	v4 =	vmul.u32 $0x30, v57  }
0x4b4: {  	v3 =	vand.u32 $0x7, v3  }
0x4b5: {  	v3 =	vor.u32 v3, v4  }
0x4b6: {  	v3 =	vperm.xlane v3, v0;
	_ =	sdelay $0x1  }
0x4b7: {  	v3 =	vadd.s32 v1, v3;
	_ =	sdelay $0x3  }
0x4b8: {  	s22 =	simm.s32 $0xE600  }
0x4b9: {  	[tilespmem:s22], [sflag:$0x6] =	stream.indirect_vreg.gather [hbm4b:s3+s4], $0x80, v3, vm0, $0xb8;
	[tilespmem:$0x1EF00] =	vst v63  }
0x4ba: {  	s11 =	simm.s32 $0xEE00  }
0x4bb: {  	[tilespmem:s11], [sflag:$0x6] =	stream.indirect_vreg.gather [hbm4b:s7+s4], $0x80, v3, vm0, $0xb8;
	[tilespmem:$0x1EF00] =	vst v63  }
0x4bc: {  	s13 =	simm.s32 $0xF600  }
0x4bd: {  	[tilespmem:s13], [sflag:$0x6] =	stream.indirect_vreg.gather [hbm4b:s8+s4], $0x80, v3, vm0, $0xb8;
	[tilespmem:$0x1EF00] =	vst v63  }
0x4be: {  	_ =	swait.ge [sflag:s31], $0x7800  }
0x4bf: {  	[sflag:s31] =	ssyncset.done $0x0  }
0x4c0: {  	s12 =	simm.s32 $0x9;
	[sflag:s31] =	ssyncadd.s32 $0xFFFF8800  }
0x4c1: {  	[hbm4b:s6+s4] =	stream.linear.scatter [tilespmem:s30], [sflag:$0x9], $0xC8, $0x38;
	[tilespmem:$0x1EF00] =	vst v63  }
0x4c2: {  	p0 =	seq.s32 s10, $0xE00;
	_ =	swait.ge [sflag:s12], $0xC8  }
0x4c3: {  	s14 =	simm.s32 $0x2;
	s1 =	rddreg [dreg:$0xa];
	[sflag:s12] =	ssyncset.done $0x0  }
0x4c4: {  	s11 =	sshrl.u32 @!p0 s28, $0x3;
	s13 =	sadd.s32 @!p0 s10, s1;
	[sflag:s12] =	ssyncadd.s32 $0xFFFFFF38  }
0x4c5: {  	s11 =	smul.u32 @!p0 $0x1800, s11;
	s13 =	sxor.u32 @!p0 $0xFFFFFFFF, s13;
	_ =	swait.ge [sflag:s14], $0x300  }
0x4c6: {  	s17 =	simm.s32 $0x2;
	s13 =	sand.u32 @!p0 $0x200, s13;
	[sflag:s14] =	ssyncset.done $0x0  }
0x4c7: {  	s11 =	sor.u32 @!p0 s13, s11;
	[sflag:s17] =	ssyncadd.s32 $0xFFFFFD00  }
0x4c8: {  	s14 =	simm.s32 @!p0 $0x400;
	s11 =	sshrl.u32 @!p0 s11, $0x3;
	s1 =	rddreg [dreg:$0x0]  }
0x4c9: {  	s13 =	simm.s32 @!p0 $0x80;
	s17 =	simm.s32 @!p0 $0x0;
	s11 =	sadd.s32 @!p0 s1, s11  }
0x4ca: {  	[tilespmem:s17], [sflag:$0x1] =	stream.strided.gather @!p0 [hbm4b:s11+s13], $0x300, s14, s13, $0x38;
	[tilespmem:$0x1EF00] =	vst v63  }
0x4cb: {  	s11 =	rddreg [dreg:$0x9]  }
0x4cc: {  	s13 =	simm.s32 @!p0 $0x600;
	s11 =	sadd.s32 @!p0 s10, s11  }
0x4cd: {  	[tilespmem:s13], [sflag:$0x3] =	stream.linear.gather @!p0 [hbm4b:s11+s17], $0x280, $0x38;
	[tilespmem:$0x1EF00] =	vst v63  }
0x4ce: {  	v3 =	vld [tilespmem:$0xB80];
	_ =	sdelay $0x4  }
0x4cf: {  	v58 =	vshrl.u32 v3, $0x3  }
0x4d0: {  	v4 =	vmul.u32 $0x30, v58  }
0x4d1: {  	v3 =	vand.u32 $0x7, v3  }
0x4d2: {  	v3 =	vor.u32 v3, v4  }
0x4d3: {  	v4 =	vperm.xlane v3, v0;
	_ =	sdelay $0x1  }
0x4d4: {  	v4 =	vadd.s32 v1, v4;
	_ =	sdelay $0x3  }
0x4d5: {  	s11 =	simm.s32 $0xFE00;
	v3 =	vperm.xlane v3, v2  }
0x4d6: {  	[tilespmem:s11], [sflag:$0x7] =	stream.indirect_vreg.gather [hbm4b:s3+s4], $0x80, v4, vm0, $0xb8;
	[tilespmem:$0x1EF00] =	vst v63  }
0x4d7: {  	s9 =	simm.s32 $0x10600;
	v3 =	vadd.s32 v1, v3  }
0x4d8: {  	[tilespmem:s9], [sflag:$0x7] =	stream.indirect_vreg.gather [hbm4b:s7+s4], $0x80, v4, vm0, $0xb8;
	[tilespmem:$0x1EF00] =	vst v63  }
0x4d9: {  	s25 =	simm.s32 $0x10E00  }
0x4da: {  	[tilespmem:s25], [sflag:$0x7] =	stream.indirect_vreg.gather [hbm4b:s8+s4], $0x80, v4, vm0, $0xb8;
	[tilespmem:$0x1EF00] =	vst v63  }
0x4db: {  	s13 =	simm.s32 $0x11600  }
0x4dc: {  	[tilespmem:s13], [sflag:$0x7] =	stream.indirect_vreg.gather [hbm4b:s3+s4], $0x80, v3, vm0, $0xb8;
	[tilespmem:$0x1EF00] =	vst v63  }
0x4dd: {  	s14 =	simm.s32 $0x11E00  }
0x4de: {  	[tilespmem:s14], [sflag:$0x7] =	stream.indirect_vreg.gather [hbm4b:s7+s4], $0x80, v3, vm0, $0xb8;
	[tilespmem:$0x1EF00] =	vst v63  }
0x4df: {  	s17 =	simm.s32 $0x12600  }
0x4e0: {  	[tilespmem:s17], [sflag:$0x7] =	stream.indirect_vreg.gather [hbm4b:s8+s4], $0x80, v3, vm0, $0xb8;
	[tilespmem:$0x1EF00] =	vst v63  }
0x4e1: {  	v3 =	vld [tilespmem:$0xB90];
	_ =	sdelay $0x4  }
0x4e2: {  	v59 =	vshrl.u32 v3, $0x3  }
0x4e3: {  	v4 =	vmul.u32 $0x30, v59  }
0x4e4: {  	v3 =	vand.u32 $0x7, v3  }
0x4e5: {  	v3 =	vor.u32 v3, v4  }
0x4e6: {  	v4 =	vperm.xlane v3, v0;
	_ =	sdelay $0x1  }
0x4e7: {  	v4 =	vadd.s32 v1, v4;
	_ =	sdelay $0x3  }
0x4e8: {  	s30 =	simm.s32 $0x12E00;
	v3 =	vperm.xlane v3, v2  }
0x4e9: {  	[tilespmem:s30], [sflag:$0x7] =	stream.indirect_vreg.gather [hbm4b:s3+s4], $0x80, v4, vm0, $0xb8;
	[tilespmem:$0x1EF00] =	vst v63  }
0x4ea: {  	s22 =	simm.s32 $0x13600;
	v3 =	vadd.s32 v1, v3  }
0x4eb: {  	[tilespmem:s22], [sflag:$0x7] =	stream.indirect_vreg.gather [hbm4b:s7+s4], $0x80, v4, vm0, $0xb8;
	[tilespmem:$0x1EF00] =	vst v63  }
0x4ec: {  	s22 =	simm.s32 $0x13E00  }
0x4ed: {  	[tilespmem:s22], [sflag:$0x7] =	stream.indirect_vreg.gather [hbm4b:s8+s4], $0x80, v4, vm0, $0xb8;
	[tilespmem:$0x1EF00] =	vst v63  }
0x4ee: {  	s22 =	simm.s32 $0x14600  }
0x4ef: {  	[tilespmem:s22], [sflag:$0x7] =	stream.indirect_vreg.gather [hbm4b:s3+s4], $0x80, v3, vm0, $0xb8;
	[tilespmem:$0x1EF00] =	vst v63  }
0x4f0: {  	s22 =	simm.s32 $0x14E00  }
0x4f1: {  	[tilespmem:s22], [sflag:$0x7] =	stream.indirect_vreg.gather [hbm4b:s7+s4], $0x80, v3, vm0, $0xb8;
	[tilespmem:$0x1EF00] =	vst v63  }
0x4f2: {  	s22 =	simm.s32 $0x15600  }
0x4f3: {  	[tilespmem:s22], [sflag:$0x7] =	stream.indirect_vreg.gather [hbm4b:s8+s4], $0x80, v3, vm0, $0xb8;
	[tilespmem:$0x1EF00] =	vst v63  }
0x4f4: {  	v3 =	vld.msk [tilespmem:$0xBA0], $0xff;
	_ =	sdelay $0x4  }
0x4f5: {  	v60 =	vshrl.u32 v3, $0x3  }
0x4f6: {  	v4 =	vmul.u32 $0x30, v60  }
0x4f7: {  	v3 =	vand.u32 $0x7, v3  }
0x4f8: {  	v3 =	vor.u32 v3, v4  }
0x4f9: {  	v3 =	vperm.xlane v3, v0;
	_ =	sdelay $0x1  }
0x4fa: {  	v3 =	vadd.s32 v1, v3;
	_ =	sdelay $0x3  }
0x4fb: {  	s22 =	simm.s32 $0x15E00  }
0x4fc: {  	[tilespmem:s22], [sflag:$0x7] =	stream.indirect_vreg.gather [hbm4b:s3+s4], $0x80, v3, vm0, $0xb8;
	[tilespmem:$0x1EF00] =	vst v63  }
0x4fd: {  	s22 =	simm.s32 $0x16600  }
0x4fe: {  	[tilespmem:s22], [sflag:$0x7] =	stream.indirect_vreg.gather [hbm4b:s7+s4], $0x80, v3, vm0, $0xb8;
	[tilespmem:$0x1EF00] =	vst v63  }
0x4ff: {  	s2 =	simm.s32 $0x8;
	s22 =	simm.s32 $0x16E00  }
0x500: {  	[tilespmem:s22], [sflag:$0x7] =	stream.indirect_vreg.gather [hbm4b:s8+s4], $0x80, v3, vm0, $0xb8;
	[tilespmem:$0x1EF00] =	vst v63  }
0x501: {  	_ =	swait.ge [sflag:s2], $0x7800  }
0x502: {  	[sflag:s2] =	ssyncset.done $0x0  }
0x503: {  	[sflag:s2] =	ssyncadd.s32 $0xFFFF8800  }
0x504: {  	v3 =	vld [tilespmem:$0xC00];
	_ =	sdelay $0x4  }
0x505: {  	v61 =	vshrl.u32 v3, $0x3  }
0x506: {  	v4 =	vmul.u32 $0x30, v61  }
0x507: {  	v3 =	vand.u32 $0x7, v3  }
0x508: {  	v3 =	vor.u32 v3, v4  }
0x509: {  	v4 =	vperm.xlane v3, v0;
	_ =	sdelay $0x1  }
0x50a: {  	v4 =	vadd.s32 v1, v4;
	_ =	sdelay $0x3  }
0x50b: {  	s0 =	simm.s32 $0x17600;
	v3 =	vperm.xlane v3, v2  }
0x50c: {  	[tilespmem:s0], [sflag:$0x8] =	stream.indirect_vreg.gather [hbm4b:s3+s4], $0x80, v4, vm0, $0xb8;
	[tilespmem:$0x1EF00] =	vst v63  }
0x50d: {  	s24 =	simm.s32 $0x17E00;
	v3 =	vadd.s32 v1, v3  }
0x50e: {  	[tilespmem:s24], [sflag:$0x8] =	stream.indirect_vreg.gather [hbm4b:s7+s4], $0x80, v4, vm0, $0xb8;
	[tilespmem:$0x1EF00] =	vst v63  }
0x50f: {  	s1 =	simm.s32 $0x18600  }
0x510: {  	[tilespmem:s1], [sflag:$0x8] =	stream.indirect_vreg.gather [hbm4b:s8+s4], $0x80, v4, vm0, $0xb8;
	[tilespmem:$0x1EF00] =	vst v63  }
0x511: {  	s16 =	simm.s32 $0x18E00  }
0x512: {  	[tilespmem:s16], [sflag:$0x8] =	stream.indirect_vreg.gather [hbm4b:s3+s4], $0x80, v3, vm0, $0xb8;
	[tilespmem:$0x1EF00] =	vst v63  }
0x513: {  	s16 =	simm.s32 $0x19600  }
0x514: {  	[tilespmem:s16], [sflag:$0x8] =	stream.indirect_vreg.gather [hbm4b:s7+s4], $0x80, v3, vm0, $0xb8;
	[tilespmem:$0x1EF00] =	vst v63  }
0x515: {  	s15 =	simm.s32 $0x19E00  }
0x516: {  	[tilespmem:s15], [sflag:$0x8] =	stream.indirect_vreg.gather [hbm4b:s8+s4], $0x80, v3, vm0, $0xb8;
	[tilespmem:$0x1EF00] =	vst v63  }
0x517: {  	v3 =	vld [tilespmem:$0xC10];
	_ =	sdelay $0x4  }
0x518: {  	v62 =	vshrl.u32 v3, $0x3  }
0x519: {  	v4 =	vmul.u32 $0x30, v62  }
0x51a: {  	v3 =	vand.u32 $0x7, v3  }
0x51b: {  	v3 =	vor.u32 v3, v4  }
0x51c: {  	v4 =	vperm.xlane v3, v0;
	_ =	sdelay $0x1  }
0x51d: {  	v4 =	vadd.s32 v1, v4;
	_ =	sdelay $0x3  }
0x51e: {  	s22 =	simm.s32 $0x1A600;
	v3 =	vperm.xlane v3, v2  }
0x51f: {  	[tilespmem:s22], [sflag:$0x8] =	stream.indirect_vreg.gather [hbm4b:s3+s4], $0x80, v4, vm0, $0xb8;
	[tilespmem:$0x1EF00] =	vst v63  }
0x520: {  	s23 =	simm.s32 $0x1AE00;
	v3 =	vadd.s32 v1, v3  }
0x521: {  	[tilespmem:s23], [sflag:$0x8] =	stream.indirect_vreg.gather [hbm4b:s7+s4], $0x80, v4, vm0, $0xb8;
	[tilespmem:$0x1EF00] =	vst v63  }
0x522: {  	s23 =	simm.s32 $0x1B600  }
0x523: {  	[tilespmem:s23], [sflag:$0x8] =	stream.indirect_vreg.gather [hbm4b:s8+s4], $0x80, v4, vm0, $0xb8;
	[tilespmem:$0x1EF00] =	vst v63  }
0x524: {  	s19 =	simm.s32 $0x1BE00  }
0x525: {  	[tilespmem:s19], [sflag:$0x8] =	stream.indirect_vreg.gather [hbm4b:s3+s4], $0x80, v3, vm0, $0xb8;
	[tilespmem:$0x1EF00] =	vst v63  }
0x526: {  	s26 =	simm.s32 $0x1C600  }
0x527: {  	[tilespmem:s26], [sflag:$0x8] =	stream.indirect_vreg.gather [hbm4b:s7+s4], $0x80, v3, vm0, $0xb8;
	[tilespmem:$0x1EF00] =	vst v63  }
0x528: {  	s24 =	simm.s32 $0x1CE00  }
0x529: {  	[tilespmem:s24], [sflag:$0x8] =	stream.indirect_vreg.gather [hbm4b:s8+s4], $0x80, v3, vm0, $0xb8;
	[tilespmem:$0x1EF00] =	vst v63  }
0x52a: {  	v3 =	vld.msk [tilespmem:$0xC20], $0xff;
	_ =	sdelay $0x4  }
0x52b: {  	v63 =	vshrl.u32 v3, $0x3  }
0x52c: {  	v4 =	vmul.u32 $0x30, v63  }
0x52d: {  	v3 =	vand.u32 $0x7, v3  }
0x52e: {  	v3 =	vor.u32 v3, v4  }
0x52f: {  	v3 =	vperm.xlane v3, v0;
	_ =	sdelay $0x1  }
0x530: {  	v3 =	vadd.s32 v1, v3;
	_ =	sdelay $0x3  }
0x531: {  	s26 =	simm.s32 $0x1D600  }
0x532: {  	[tilespmem:s26], [sflag:$0x8] =	stream.indirect_vreg.gather [hbm4b:s3+s4], $0x80, v3, vm0, $0xb8;
	[tilespmem:$0x1EF00] =	vst v63  }
0x533: {  	s18 =	simm.s32 $0x1DE00;
	p0 =	sne.s32 s10, $0xE00  }
0x534: {  	[tilespmem:s18], [sflag:$0x8] =	stream.indirect_vreg.gather [hbm4b:s7+s4], $0x80, v3, vm0, $0xb8;
	[tilespmem:$0x1EF00] =	vst v63  }
.Ltmp4:
0x535: {  	s21 =	simm.s32 $0x1E600;
	(pc) =	sbr.rel @p0 .LBB2_4-.Ltmp4, $4  }
0x536: {  	[tilespmem:s21], [sflag:$0x8] =	stream.indirect_vreg.gather [hbm4b:s8+s4], $0x80, v3, vm0, $0xb8;
	[tilespmem:$0x1EF00] =	vst v63  }
0x537: {  	_ =	swait.ge [sflag:s29], $0x7800  }
0x538: {  	[sflag:s29] =	ssyncset.done $0x0  }
0x539: {  	[sflag:s29] =	ssyncadd.s32 $0xFFFF8800  }
0x53a: {  	s13 =	simm.s32 $0x16E00;
	s25 =	simm.s32 $0x16600;
	s17 =	simm.s32 $0x15E00  }
0x53b: {  	s0 =	simm.s32 $0x15600;
	s15 =	simm.s32 $0x14E00;
	s14 =	simm.s32 $0x14600  }
0x53c: {  	_ =	swait.ge [sflag:s5], $0x7800;
	s19 =	simm.s32 $0xE00;
	s18 =	simm.s32 $0x1E00  }
.Ltmp5:
0x53d: {  	s21 =	simm.s32 $0x2600;
	[sflag:s5] =	ssyncset.done $0x0;
	(pc) =	sbr.rel .LBB2_5-.Ltmp5, $4  }
0x53e: {  	s22 =	simm.s32 $0x2E00;
	s20 =	simm.s32 $0x3600;
	[sflag:s5] =	ssyncadd.s32 $0xFFFF8800  }
0x53f: {  	s24 =	simm.s32 $0x3E00;
	s9 =	simm.s32 $0x4600;
	_ =	swait.ge [sflag:s31], $0x7800  }
0x540: {  	s23 =	simm.s32 $0x4E00;
	s16 =	simm.s32 $0x5600;
	[sflag:s31] =	ssyncset.done $0x0  }
0x541: {  	s26 =	simm.s32 $0x5E00;
	[sflag:s31] =	ssyncadd.s32 $0xFFFF8800;
	s31 =	simm.s32 $0x1600  }
.LBB2_7:
0x542: {  	_ =	sfence.sel $0x180000  }
0x543: {  	[bflag:$0x0] =	sbarrier.arrive $0xFFFF  }
0x544: {  	_ =	strace $0x90000047  }
0x545: {  	s0 =	stileid.u32;
	[bflag:$0x2] =	sbarrier.arrive $0xFFFF  }
0x546: {  	p0 =	sne.s32 s0, $0x0;
	s0 =	rddreg [dreg:$0x4]  }
0x547: {  	s0 =	sadd.s32 @!p0 $0x100000, s0  }
0x548: {  	[sflag:s0] =	ssyncadd.tile.s32 @!p0 $0x1;
	_ =	shalt  }
.Lfunc_end2:
_tile_overlayer_lowered:
.L_overlay_start_2:
0x549: {  	(tag) =	ssettag $0x2  }
0x54a: {  	s0 =	rddreg [dreg:$0x0];
	s2 =	stileid.u32  }
0x54b: {  	s1 =	rddreg [dreg:$0x1];
	p0 =	sne.s32 s2, $0x0  }
0x54c: {  	s3 =	rddreg [dreg:$0x2];
	[bflag:$0x3] =	sbarrier.arrive $0xFFFF;
	s2 =	simm.s32 @!p0 $0x1C09  }
0x54d: {  	[timem:s3], [sflag:s2] =	dma.local @!p0 [hbm:s0], s1  }
0x54e: {  	s0 =	simm.s32 @!p0 $0x9  }
0x54f: {  	_ =	swait.ge @!p0 [sflag:s0], s1  }
0x550: {  	s1 =	ssub.s32 @!p0 $0x0, s1;
	[sflag:s0] =	ssyncset.done @!p0 $0x0  }
0x551: {  	[sflag:s0] =	ssyncadd.s32 @!p0 s1  }
0x552: {  	[bflag:$0x3] =	sbarrier.arrive $0xFFFF  }
0x553: {  	_ =	shalt  }

</sc_bundles>
